<compile_context>
chip_gen: v7x
topology: tpu7x:2x2x1
jax: 0.10.2.dev20260603
libtpu: 0.0.44.dev20260713+nightly
codegen_flags: <defaults>
</compile_context>

<pallas_src>
import functools

import jax
import jax.numpy as jnp
from jax import lax
from jax.experimental import pallas as pl
from jax.experimental.pallas import tpu as pltpu
from jax.experimental.pallas import tpu_sc as plsc

B, T, D = 4, 2048, 1024
NC, NS = 2, 16
NW = NC * NS
TSC = 512
TPW = TSC // NW
CH = 16
NCH = TPW // CH
NITEMS = NCH * B
NBUF = 4
VL = 16
UNROLL = 2

_mesh = plsc.VectorSubcoreMesh(core_axis_name="c", subcore_axis_name="s")


@functools.partial(
    pl.kernel,
    out_type=jax.ShapeDtypeStruct((B, TSC, D), jnp.float32),
    mesh=_mesh,
    compiler_params=pltpu.CompilerParams(use_tc_tiling_on_sc=True),
    scratch_types=[
        pltpu.VMEM((TPW, D), jnp.float32),
        pltpu.VMEM((NBUF, CH, D), jnp.float32),
        pltpu.SemaphoreType.DMA,
        pltpu.SemaphoreType.DMA((NBUF,)),
        pltpu.SemaphoreType.DMA((NBUF,)),
    ],
)
def _sc_add(tok_hbm, pos_hbm, out_hbm, pbuf, abuf, psem, isem, osem):
    wid = lax.axis_index("s") * NC + lax.axis_index("c")
    t0 = wid * TPW

    pos_cp = pltpu.async_copy(pos_hbm.at[pl.ds(t0, TPW)], pbuf, psem)

    def coords(item):
        cc, b = divmod(item, B)
        return b, t0 + cc * CH

    def start_in(item):
        buf = item % NBUF
        b, t = coords(item)
        return pltpu.async_copy(
            tok_hbm.at[b, pl.ds(t, CH)], abuf.at[buf], isem.at[buf])

    in_cp = [None] * NITEMS
    out_cp = [None] * NITEMS
    in_cp[0] = start_in(0)
    if NITEMS > 1:
        in_cp[1] = start_in(1)

    for g in range(NITEMS):
        if g + 2 < NITEMS:
            if g - 2 >= 0:
                out_cp[g - 2].wait()
            in_cp[g + 2] = start_in(g + 2)

        cc = g // B
        if g == 0:
            pos_cp.wait()

        buf = g % NBUF
        in_cp[g].wait()
        ab = abuf.at[buf]

        @plsc.parallel_loop(0, D, VL, unroll=UNROLL)
        def _body(i, ab=ab, cc=cc):
            for r in range(CH):
                plsc.addupdate(ab.at[r, pl.ds(i, VL)],
                               pbuf[cc * CH + r, pl.ds(i, VL)])

        b, t = coords(g)
        out_cp[g] = pltpu.async_copy(
            ab, out_hbm.at[b, pl.ds(t, CH)], osem.at[buf])

    for g in range(max(NITEMS - 2, 0), NITEMS):
        out_cp[g].wait()


def _tc_kernel(tok_ref, pos_ref, out_ref):
    out_ref[...] = tok_ref[...] + pos_ref[...]


TBLK = 512


def _tc_add(encoded_tokens, pos_table):
    ntb = (T - TSC) // TBLK
    return pl.pallas_call(
        _tc_kernel,
        grid=(ntb, B),
        in_specs=[
            pl.BlockSpec((1, TBLK, D), lambda t, b: (b, t + TSC // TBLK, 0)),
            pl.BlockSpec((TBLK, D), lambda t, b: (t + TSC // TBLK, 0)),
        ],
        out_specs=pl.BlockSpec((1, TBLK, D), lambda t, b: (b, t + TSC // TBLK, 0)),
        out_shape=jax.ShapeDtypeStruct((B, T, D), jnp.float32),
    )(encoded_tokens, pos_table)


def kernel(encoded_tokens, pos_table):
    sc_out = _sc_add(encoded_tokens, pos_table)
    tc_out = _tc_add(encoded_tokens, pos_table)
    return lax.dynamic_update_slice(tc_out, sc_out, (0, 0, 0))

# --- scband reference (transcript-rebuilt; emitter-appended) ---
"""Pipeline reference for scband-positional-encoder-4088808866162 (READ-ONLY COPY).

The authoritative reference and input builder live on the scoring server;
editing this copy changes nothing except your own understanding.
"""

import jax, jax.numpy as jnp
import numpy as np

NUM_TOKENS = 2048
EMBED_DIM = 1024
BATCH = 4

def setup_inputs(seed: int = 0) -> dict:
    key = jax.random.key(seed)
    k1, k2 = jax.random.split(key)
    encoded_tokens = jax.random.normal(k1, (BATCH, NUM_TOKENS, EMBED_DIM), dtype=jnp.float32)
    # Keras Embedding default initializer is uniform(-0.05, 0.05)
    pos_table = jax.random.uniform(k2, (NUM_TOKENS, EMBED_DIM), dtype=jnp.float32, minval=-0.05, maxval=0.05)
    return {"encoded_tokens": encoded_tokens, "pos_table": pos_table}

def reference(encoded_tokens, pos_table):
    positions = jnp.arange(NUM_TOKENS)
    encoded_positions = jnp.take(pos_table, positions, axis=0)  # embedding lookup
    return encoded_tokens + encoded_positions[None, :, :]

if __name__ == "__main__":
    import jax
    _d = setup_inputs()
    print(jax.jit(kernel)(*tuple(_d.values())))

</pallas_src>

<mosaic_0001>
#map = affine_map<(d0, d1) -> (0, 0, 0)>
#map1 = affine_map<(d0, d1) -> (0, 0)>
module attributes {stable_mosaic.version = 14 : i64} {
  func.func @_sc_add(%arg0: i32, %arg1: i32, %arg2: memref<4x2048x1024xf32, #tpu.memory_space<hbm>>, %arg3: memref<2048x1024xf32, #tpu.memory_space<hbm>>, %arg4: memref<4x512x1024xf32, #tpu.memory_space<hbm>>, %arg5: memref<16x1024xf32, #tpu.memory_space<vmem>>, %arg6: memref<4x16x1024xf32, #tpu.memory_space<vmem>>, %arg7: memref<!tpu.dma_semaphore, #tpu.memory_space<semaphore_mem>>, %arg8: memref<4x!tpu.dma_semaphore, #tpu.memory_space<semaphore_mem>>, %arg9: memref<4x!tpu.dma_semaphore, #tpu.memory_space<semaphore_mem>>) attributes {dimension_semantics = [#tpu.dimension_semantics<core_parallel>, #tpu.dimension_semantics<subcore_parallel>], iteration_bounds = array<i64: 2, 16>, scalar_prefetch = 0 : i64, scratch_operands = 5 : i64, tpu.core_type = #tpu.core_type<sc_vector_subcore>, window_params = [{transform_indices = #map}, {transform_indices = #map1}, {transform_indices = #map}]} {
    %mul3A = arith.constant 2 : i32
    %mul3A_0 = arith.muli %arg1, %mul3A : i32
    %add3A = arith.addi %mul3A_0, %arg0 : i32
    %mul3A_1 = arith.constant 16 : i32
    %mul3A_2 = arith.muli %add3A, %mul3A_1 : i32
    %dma_start3A = arith.constant 0 : i32
    %dma_start3A_3 = tpu.memref_slice %arg3[%mul3A_2, %dma_start3A] : memref<2048x1024xf32, #tpu.memory_space<hbm>> -> memref<16x1024xf32, #tpu.memory_space<hbm>>
    %dma_start3A_4 = arith.constant 0 : i32
    %dma_start3A_5 = tpu.memref_slice %arg3[%mul3A_2, %dma_start3A_4] : memref<2048x1024xf32, #tpu.memory_space<hbm>> -> memref<16x1024xf32, #tpu.memory_space<hbm>>
    tpu.enqueue_dma source(%dma_start3A_5 : memref<16x1024xf32, #tpu.memory_space<hbm>>) target(%arg5 : memref<16x1024xf32, #tpu.memory_space<vmem>>) target_semaphore(%arg7 : memref<!tpu.dma_semaphore, #tpu.memory_space<semaphore_mem>>)
    %add3A_6 = arith.constant 0 : i32
    %add3A_7 = arith.addi %mul3A_2, %add3A_6 : i32
    %dma_start3A_8 = arith.constant 0 : i32
    %dma_start3A_9 = arith.constant 0 : i32
    %dma_start3A_10 = arith.constant 0 : i32
    %dma_start3A_11 = arith.constant 0 : i32
    %dma_start3A_12 = arith.constant 0 : i32
    %dma_start3A_13 = tpu.memref_slice %arg6[%dma_start3A_9, %dma_start3A_11, %dma_start3A_12] : memref<4x16x1024xf32, #tpu.memory_space<vmem>> -> memref<1x16x1024xf32, #tpu.memory_space<vmem>>
    %dma_start3A_14 = tpu.memref_squeeze %dma_start3A_13 : memref<1x16x1024xf32, #tpu.memory_space<vmem>> -> memref<16x1024xf32, #tpu.memory_space<vmem>>
    %dma_start3A_15 = arith.constant 0 : i32
    %dma_start3A_16 = tpu.memref_slice %arg2[%dma_start3A_8, %add3A_7, %dma_start3A_15] : memref<4x2048x1024xf32, #tpu.memory_space<hbm>> -> memref<1x16x1024xf32, #tpu.memory_space<hbm>>
    %dma_start3A_17 = tpu.memref_squeeze %dma_start3A_16 : memref<1x16x1024xf32, #tpu.memory_space<hbm>> -> memref<16x1024xf32, #tpu.memory_space<hbm>>
    %dma_start3A_18 = tpu.memref_slice %arg8[%dma_start3A_10] : memref<4x!tpu.dma_semaphore, #tpu.memory_space<semaphore_mem>> -> memref<1x!tpu.dma_semaphore, #tpu.memory_space<semaphore_mem>>
    %dma_start3A_19 = tpu.memref_squeeze %dma_start3A_18 : memref<1x!tpu.dma_semaphore, #tpu.memory_space<semaphore_mem>> -> memref<!tpu.dma_semaphore, #tpu.memory_space<semaphore_mem>>
    %dma_start3A_20 = arith.constant 0 : i32
    %dma_start3A_21 = arith.constant 0 : i32
    %dma_start3A_22 = tpu.memref_slice %arg6[%dma_start3A_9, %dma_start3A_20, %dma_start3A_21] : memref<4x16x1024xf32, #tpu.memory_space<vmem>> -> memref<1x16x1024xf32, #tpu.memory_space<vmem>>
    %dma_start3A_23 = tpu.memref_squeeze %dma_start3A_22 : memref<1x16x1024xf32, #tpu.memory_space<vmem>> -> memref<16x1024xf32, #tpu.memory_space<vmem>>
    %dma_start3A_24 = arith.constant 0 : i32
    %dma_start3A_25 = tpu.memref_slice %arg2[%dma_start3A_8, %add3A_7, %dma_start3A_24] : memref<4x2048x1024xf32, #tpu.memory_space<hbm>> -> memref<1x16x1024xf32, #tpu.memory_space<hbm>>
    %dma_start3A_26 = tpu.memref_squeeze %dma_start3A_25 : memref<1x16x1024xf32, #tpu.memory_space<hbm>> -> memref<16x1024xf32, #tpu.memory_space<hbm>>
    tpu.enqueue_dma source(%dma_start3A_26 : memref<16x1024xf32, #tpu.memory_space<hbm>>) target(%dma_start3A_23 : memref<16x1024xf32, #tpu.memory_space<vmem>>) target_semaphore(%dma_start3A_19 : memref<!tpu.dma_semaphore, #tpu.memory_space<semaphore_mem>>)
    %add3A_27 = arith.constant 0 : i32
    %add3A_28 = arith.addi %mul3A_2, %add3A_27 : i32
    %dma_start3A_29 = arith.constant 1 : i32
    %dma_start3A_30 = arith.constant 1 : i32
    %dma_start3A_31 = arith.constant 1 : i32
    %dma_start3A_32 = arith.constant 0 : i32
    %dma_start3A_33 = arith.constant 0 : i32
    %dma_start3A_34 = tpu.memref_slice %arg6[%dma_start3A_30, %dma_start3A_32, %dma_start3A_33] : memref<4x16x1024xf32, #tpu.memory_space<vmem>> -> memref<1x16x1024xf32, #tpu.memory_space<vmem>>
    %dma_start3A_35 = tpu.memref_squeeze %dma_start3A_34 : memref<1x16x1024xf32, #tpu.memory_space<vmem>> -> memref<16x1024xf32, #tpu.memory_space<vmem>>
    %dma_start3A_36 = arith.constant 0 : i32
    %dma_start3A_37 = tpu.memref_slice %arg2[%dma_start3A_29, %add3A_28, %dma_start3A_36] : memref<4x2048x1024xf32, #tpu.memory_space<hbm>> -> memref<1x16x1024xf32, #tpu.memory_space<hbm>>
    %dma_start3A_38 = tpu.memref_squeeze %dma_start3A_37 : memref<1x16x1024xf32, #tpu.memory_space<hbm>> -> memref<16x1024xf32, #tpu.memory_space<hbm>>
    %dma_start3A_39 = tpu.memref_slice %arg8[%dma_start3A_31] : memref<4x!tpu.dma_semaphore, #tpu.memory_space<semaphore_mem>> -> memref<1x!tpu.dma_semaphore, #tpu.memory_space<semaphore_mem>>
    %dma_start3A_40 = tpu.memref_squeeze %dma_start3A_39 : memref<1x!tpu.dma_semaphore, #tpu.memory_space<semaphore_mem>> -> memref<!tpu.dma_semaphore, #tpu.memory_space<semaphore_mem>>
    %dma_start3A_41 = arith.constant 0 : i32
    %dma_start3A_42 = arith.constant 0 : i32
    %dma_start3A_43 = tpu.memref_slice %arg6[%dma_start3A_30, %dma_start3A_41, %dma_start3A_42] : memref<4x16x1024xf32, #tpu.memory_space<vmem>> -> memref<1x16x1024xf32, #tpu.memory_space<vmem>>
    %dma_start3A_44 = tpu.memref_squeeze %dma_start3A_43 : memref<1x16x1024xf32, #tpu.memory_space<vmem>> -> memref<16x1024xf32, #tpu.memory_space<vmem>>
    %dma_start3A_45 = arith.constant 0 : i32
    %dma_start3A_46 = tpu.memref_slice %arg2[%dma_start3A_29, %add3A_28, %dma_start3A_45] : memref<4x2048x1024xf32, #tpu.memory_space<hbm>> -> memref<1x16x1024xf32, #tpu.memory_space<hbm>>
    %dma_start3A_47 = tpu.memref_squeeze %dma_start3A_46 : memref<1x16x1024xf32, #tpu.memory_space<hbm>> -> memref<16x1024xf32, #tpu.memory_space<hbm>>
    tpu.enqueue_dma source(%dma_start3A_47 : memref<16x1024xf32, #tpu.memory_space<hbm>>) target(%dma_start3A_44 : memref<16x1024xf32, #tpu.memory_space<vmem>>) target_semaphore(%dma_start3A_40 : memref<!tpu.dma_semaphore, #tpu.memory_space<semaphore_mem>>)
    %add3A_48 = arith.constant 0 : i32
    %add3A_49 = arith.addi %mul3A_2, %add3A_48 : i32
    %dma_start3A_50 = arith.constant 2 : i32
    %dma_start3A_51 = arith.constant 2 : i32
    %dma_start3A_52 = arith.constant 2 : i32
    %dma_start3A_53 = arith.constant 0 : i32
    %dma_start3A_54 = arith.constant 0 : i32
    %dma_start3A_55 = tpu.memref_slice %arg6[%dma_start3A_51, %dma_start3A_53, %dma_start3A_54] : memref<4x16x1024xf32, #tpu.memory_space<vmem>> -> memref<1x16x1024xf32, #tpu.memory_space<vmem>>
    %dma_start3A_56 = tpu.memref_squeeze %dma_start3A_55 : memref<1x16x1024xf32, #tpu.memory_space<vmem>> -> memref<16x1024xf32, #tpu.memory_space<vmem>>
    %dma_start3A_57 = arith.constant 0 : i32
    %dma_start3A_58 = tpu.memref_slice %arg2[%dma_start3A_50, %add3A_49, %dma_start3A_57] : memref<4x2048x1024xf32, #tpu.memory_space<hbm>> -> memref<1x16x1024xf32, #tpu.memory_space<hbm>>
    %dma_start3A_59 = tpu.memref_squeeze %dma_start3A_58 : memref<1x16x1024xf32, #tpu.memory_space<hbm>> -> memref<16x1024xf32, #tpu.memory_space<hbm>>
    %dma_start3A_60 = tpu.memref_slice %arg8[%dma_start3A_52] : memref<4x!tpu.dma_semaphore, #tpu.memory_space<semaphore_mem>> -> memref<1x!tpu.dma_semaphore, #tpu.memory_space<semaphore_mem>>
    %dma_start3A_61 = tpu.memref_squeeze %dma_start3A_60 : memref<1x!tpu.dma_semaphore, #tpu.memory_space<semaphore_mem>> -> memref<!tpu.dma_semaphore, #tpu.memory_space<semaphore_mem>>
    %dma_start3A_62 = arith.constant 0 : i32
    %dma_start3A_63 = arith.constant 0 : i32
    %dma_start3A_64 = tpu.memref_slice %arg6[%dma_start3A_51, %dma_start3A_62, %dma_start3A_63] : memref<4x16x1024xf32, #tpu.memory_space<vmem>> -> memref<1x16x1024xf32, #tpu.memory_space<vmem>>
    %dma_start3A_65 = tpu.memref_squeeze %dma_start3A_64 : memref<1x16x1024xf32, #tpu.memory_space<vmem>> -> memref<16x1024xf32, #tpu.memory_space<vmem>>
    %dma_start3A_66 = arith.constant 0 : i32
    %dma_start3A_67 = tpu.memref_slice %arg2[%dma_start3A_50, %add3A_49, %dma_start3A_66] : memref<4x2048x1024xf32, #tpu.memory_space<hbm>> -> memref<1x16x1024xf32, #tpu.memory_space<hbm>>
    %dma_start3A_68 = tpu.memref_squeeze %dma_start3A_67 : memref<1x16x1024xf32, #tpu.memory_space<hbm>> -> memref<16x1024xf32, #tpu.memory_space<hbm>>
    tpu.enqueue_dma source(%dma_start3A_68 : memref<16x1024xf32, #tpu.memory_space<hbm>>) target(%dma_start3A_65 : memref<16x1024xf32, #tpu.memory_space<vmem>>) target_semaphore(%dma_start3A_61 : memref<!tpu.dma_semaphore, #tpu.memory_space<semaphore_mem>>)
    %dma_wait3A = arith.constant 0 : i32
    %dma_wait3A_69 = tpu.memref_slice %arg3[%mul3A_2, %dma_wait3A] : memref<2048x1024xf32, #tpu.memory_space<hbm>> -> memref<16x1024xf32, #tpu.memory_space<hbm>>
    %dma_wait3A_70 = arith.constant 0 : i32
    %dma_wait3A_71 = tpu.memref_slice %arg3[%mul3A_2, %dma_wait3A_70] : memref<2048x1024xf32, #tpu.memory_space<hbm>> -> memref<16x1024xf32, #tpu.memory_space<hbm>>
    tpu.wait_dma2 semaphore(%arg7 : memref<!tpu.dma_semaphore, #tpu.memory_space<semaphore_mem>>) src(%dma_wait3A_71 : memref<16x1024xf32, #tpu.memory_space<hbm>>) dst(%arg5 : memref<16x1024xf32, #tpu.memory_space<vmem>>)
    %dma_wait3A_72 = arith.constant 0 : i32
    %dma_wait3A_73 = arith.constant 0 : i32
    %dma_wait3A_74 = arith.constant 0 : i32
    %dma_wait3A_75 = arith.constant 0 : i32
    %dma_wait3A_76 = arith.constant 0 : i32
    %dma_wait3A_77 = tpu.memref_slice %arg6[%dma_wait3A_73, %dma_wait3A_75, %dma_wait3A_76] : memref<4x16x1024xf32, #tpu.memory_space<vmem>> -> memref<1x16x1024xf32, #tpu.memory_space<vmem>>
    %dma_wait3A_78 = tpu.memref_squeeze %dma_wait3A_77 : memref<1x16x1024xf32, #tpu.memory_space<vmem>> -> memref<16x1024xf32, #tpu.memory_space<vmem>>
    %dma_wait3A_79 = arith.constant 0 : i32
    %dma_wait3A_80 = tpu.memref_slice %arg2[%dma_wait3A_72, %add3A_7, %dma_wait3A_79] : memref<4x2048x1024xf32, #tpu.memory_space<hbm>> -> memref<1x16x1024xf32, #tpu.memory_space<hbm>>
    %dma_wait3A_81 = tpu.memref_squeeze %dma_wait3A_80 : memref<1x16x1024xf32, #tpu.memory_space<hbm>> -> memref<16x1024xf32, #tpu.memory_space<hbm>>
    %dma_wait3A_82 = tpu.memref_slice %arg8[%dma_wait3A_74] : memref<4x!tpu.dma_semaphore, #tpu.memory_space<semaphore_mem>> -> memref<1x!tpu.dma_semaphore, #tpu.memory_space<semaphore_mem>>
    %dma_wait3A_83 = tpu.memref_squeeze %dma_wait3A_82 : memref<1x!tpu.dma_semaphore, #tpu.memory_space<semaphore_mem>> -> memref<!tpu.dma_semaphore, #tpu.memory_space<semaphore_mem>>
    %dma_wait3A_84 = arith.constant 0 : i32
    %dma_wait3A_85 = arith.constant 0 : i32
    %dma_wait3A_86 = tpu.memref_slice %arg6[%dma_wait3A_73, %dma_wait3A_84, %dma_wait3A_85] : memref<4x16x1024xf32, #tpu.memory_space<vmem>> -> memref<1x16x1024xf32, #tpu.memory_space<vmem>>
    %dma_wait3A_87 = tpu.memref_squeeze %dma_wait3A_86 : memref<1x16x1024xf32, #tpu.memory_space<vmem>> -> memref<16x1024xf32, #tpu.memory_space<vmem>>
    %dma_wait3A_88 = arith.constant 0 : i32
    %dma_wait3A_89 = tpu.memref_slice %arg2[%dma_wait3A_72, %add3A_7, %dma_wait3A_88] : memref<4x2048x1024xf32, #tpu.memory_space<hbm>> -> memref<1x16x1024xf32, #tpu.memory_space<hbm>>
    %dma_wait3A_90 = tpu.memref_squeeze %dma_wait3A_89 : memref<1x16x1024xf32, #tpu.memory_space<hbm>> -> memref<16x1024xf32, #tpu.memory_space<hbm>>
    tpu.wait_dma2 semaphore(%dma_wait3A_83 : memref<!tpu.dma_semaphore, #tpu.memory_space<semaphore_mem>>) src(%dma_wait3A_90 : memref<16x1024xf32, #tpu.memory_space<hbm>>) dst(%dma_wait3A_87 : memref<16x1024xf32, #tpu.memory_space<vmem>>)
    %parallel_loop3A = arith.constant 0 : i32
    %parallel_loop3A_91 = arith.constant 1024 : i32
    %parallel_loop3A_92 = arith.constant 16 : i32
    %parallel_loop3A_93 = arith.constant 0 : i32
    scf.for %parallel_loop3A_306 = %parallel_loop3A to %parallel_loop3A_91 step %parallel_loop3A_92  : i32 {
      %parallel_loop3A_307 = arith.constant 0 : i32
      %parallel_loop3A_308 = arith.index_cast %parallel_loop3A_307 : i32 to index
      %parallel_loop3A_309 = arith.index_cast %parallel_loop3A_306 : i32 to index
      %parallel_loop3A_310 = tpu.vector_load %arg5[%parallel_loop3A_308, %parallel_loop3A_309] {strides = array<i32>} : memref<16x1024xf32, #tpu.memory_space<vmem>>, vector<1x16xf32>,
      %parallel_loop3A_311 = vector.shape_cast %parallel_loop3A_310 : vector<1x16xf32> to vector<16xf32>
      %parallel_loop3A_312 = arith.constant 0 : i32
      %parallel_loop3A_313 = arith.constant 0 : i32
      %parallel_loop3A_314 = arith.constant 0 : i32
      %parallel_loop3A_315 = tpu.memref_slice %arg6[%parallel_loop3A_93, %parallel_loop3A_313, %parallel_loop3A_314] : memref<4x16x1024xf32, #tpu.memory_space<vmem>> -> memref<1x16x1024xf32, #tpu.memory_space<vmem>>
      %parallel_loop3A_316 = tpu.memref_squeeze %parallel_loop3A_315 : memref<1x16x1024xf32, #tpu.memory_space<vmem>> -> memref<16x1024xf32, #tpu.memory_space<vmem>>
      %parallel_loop3A_317 = arith.index_cast %parallel_loop3A_312 : i32 to index
      %parallel_loop3A_318 = arith.index_cast %parallel_loop3A_306 : i32 to index
      %parallel_loop3A_319 = tpu.vector_load %parallel_loop3A_316[%parallel_loop3A_317, %parallel_loop3A_318] {strides = array<i32>} : memref<16x1024xf32, #tpu.memory_space<vmem>>, vector<1x16xf32>,
      %parallel_loop3A_320 = vector.shape_cast %parallel_loop3A_319 : vector<1x16xf32> to vector<16xf32>
      %parallel_loop3A_321 = vector.shape_cast %parallel_loop3A_311 : vector<16xf32> to vector<1x16xf32>
      tpu.vector_store %parallel_loop3A_316[%parallel_loop3A_317, %parallel_loop3A_318], %parallel_loop3A_321 {add = true, strides = array<i32>} : memref<16x1024xf32, #tpu.memory_space<vmem>>, vector<1x16xf32>,
      %parallel_loop3A_322 = arith.constant 1 : i32
      %parallel_loop3A_323 = arith.index_cast %parallel_loop3A_322 : i32 to index
      %parallel_loop3A_324 = arith.index_cast %parallel_loop3A_306 : i32 to index
      %parallel_loop3A_325 = tpu.vector_load %arg5[%parallel_loop3A_323, %parallel_loop3A_324] {strides = array<i32>} : memref<16x1024xf32, #tpu.memory_space<vmem>>, vector<1x16xf32>,
      %parallel_loop3A_326 = vector.shape_cast %parallel_loop3A_325 : vector<1x16xf32> to vector<16xf32>
      %parallel_loop3A_327 = arith.constant 1 : i32
      %parallel_loop3A_328 = arith.constant 0 : i32
      %parallel_loop3A_329 = arith.constant 0 : i32
      %parallel_loop3A_330 = tpu.memref_slice %arg6[%parallel_loop3A_93, %parallel_loop3A_328, %parallel_loop3A_329] : memref<4x16x1024xf32, #tpu.memory_space<vmem>> -> memref<1x16x1024xf32, #tpu.memory_space<vmem>>
      %parallel_loop3A_331 = tpu.memref_squeeze %parallel_loop3A_330 : memref<1x16x1024xf32, #tpu.memory_space<vmem>> -> memref<16x1024xf32, #tpu.memory_space<vmem>>
      %parallel_loop3A_332 = arith.index_cast %parallel_loop3A_327 : i32 to index
      %parallel_loop3A_333 = arith.index_cast %parallel_loop3A_306 : i32 to index
      %parallel_loop3A_334 = tpu.vector_load %parallel_loop3A_331[%parallel_loop3A_332, %parallel_loop3A_333] {strides = array<i32>} : memref<16x1024xf32, #tpu.memory_space<vmem>>, vector<1x16xf32>,
      %parallel_loop3A_335 = vector.shape_cast %parallel_loop3A_334 : vector<1x16xf32> to vector<16xf32>
      %parallel_loop3A_336 = vector.shape_cast %parallel_loop3A_326 : vector<16xf32> to vector<1x16xf32>
      tpu.vector_store %parallel_loop3A_331[%parallel_loop3A_332, %parallel_loop3A_333], %parallel_loop3A_336 {add = true, strides = array<i32>} : memref<16x1024xf32, #tpu.memory_space<vmem>>, vector<1x16xf32>,
      %parallel_loop3A_337 = arith.constant 2 : i32
      %parallel_loop3A_338 = arith.index_cast %parallel_loop3A_337 : i32 to index
      %parallel_loop3A_339 = arith.index_cast %parallel_loop3A_306 : i32 to index
      %parallel_loop3A_340 = tpu.vector_load %arg5[%parallel_loop3A_338, %parallel_loop3A_339] {strides = array<i32>} : memref<16x1024xf32, #tpu.memory_space<vmem>>, vector<1x16xf32>,
      %parallel_loop3A_341 = vector.shape_cast %parallel_loop3A_340 : vector<1x16xf32> to vector<16xf32>
      %parallel_loop3A_342 = arith.constant 2 : i32
      %parallel_loop3A_343 = arith.constant 0 : i32
      %parallel_loop3A_344 = arith.constant 0 : i32
      %parallel_loop3A_345 = tpu.memref_slice %arg6[%parallel_loop3A_93, %parallel_loop3A_343, %parallel_loop3A_344] : memref<4x16x1024xf32, #tpu.memory_space<vmem>> -> memref<1x16x1024xf32, #tpu.memory_space<vmem>>
      %parallel_loop3A_346 = tpu.memref_squeeze %parallel_loop3A_345 : memref<1x16x1024xf32, #tpu.memory_space<vmem>> -> memref<16x1024xf32, #tpu.memory_space<vmem>>
      %parallel_loop3A_347 = arith.index_cast %parallel_loop3A_342 : i32 to index
      %parallel_loop3A_348 = arith.index_cast %parallel_loop3A_306 : i32 to index
      %parallel_loop3A_349 = tpu.vector_load %parallel_loop3A_346[%parallel_loop3A_347, %parallel_loop3A_348] {strides = array<i32>} : memref<16x1024xf32, #tpu.memory_space<vmem>>, vector<1x16xf32>,
      %parallel_loop3A_350 = vector.shape_cast %parallel_loop3A_349 : vector<1x16xf32> to vector<16xf32>
      %parallel_loop3A_351 = vector.shape_cast %parallel_loop3A_341 : vector<16xf32> to vector<1x16xf32>
      tpu.vector_store %parallel_loop3A_346[%parallel_loop3A_347, %parallel_loop3A_348], %parallel_loop3A_351 {add = true, strides = array<i32>} : memref<16x1024xf32, #tpu.memory_space<vmem>>, vector<1x16xf32>,
      %parallel_loop3A_352 = arith.constant 3 : i32
      %parallel_loop3A_353 = arith.index_cast %parallel_loop3A_352 : i32 to index
      %parallel_loop3A_354 = arith.index_cast %parallel_loop3A_306 : i32 to index
      %parallel_loop3A_355 = tpu.vector_load %arg5[%parallel_loop3A_353, %parallel_loop3A_354] {strides = array<i32>} : memref<16x1024xf32, #tpu.memory_space<vmem>>, vector<1x16xf32>,
      %parallel_loop3A_356 = vector.shape_cast %parallel_loop3A_355 : vector<1x16xf32> to vector<16xf32>
      %parallel_loop3A_357 = arith.constant 3 : i32
      %parallel_loop3A_358 = arith.constant 0 : i32
      %parallel_loop3A_359 = arith.constant 0 : i32
      %parallel_loop3A_360 = tpu.memref_slice %arg6[%parallel_loop3A_93, %parallel_loop3A_358, %parallel_loop3A_359] : memref<4x16x1024xf32, #tpu.memory_space<vmem>> -> memref<1x16x1024xf32, #tpu.memory_space<vmem>>
      %parallel_loop3A_361 = tpu.memref_squeeze %parallel_loop3A_360 : memref<1x16x1024xf32, #tpu.memory_space<vmem>> -> memref<16x1024xf32, #tpu.memory_space<vmem>>
      %parallel_loop3A_362 = arith.index_cast %parallel_loop3A_357 : i32 to index
      %parallel_loop3A_363 = arith.index_cast %parallel_loop3A_306 : i32 to index
      %parallel_loop3A_364 = tpu.vector_load %parallel_loop3A_361[%parallel_loop3A_362, %parallel_loop3A_363] {strides = array<i32>} : memref<16x1024xf32, #tpu.memory_space<vmem>>, vector<1x16xf32>,
      %parallel_loop3A_365 = vector.shape_cast %parallel_loop3A_364 : vector<1x16xf32> to vector<16xf32>
      %parallel_loop3A_366 = vector.shape_cast %parallel_loop3A_356 : vector<16xf32> to vector<1x16xf32>
      tpu.vector_store %parallel_loop3A_361[%parallel_loop3A_362, %parallel_loop3A_363], %parallel_loop3A_366 {add = true, strides = array<i32>} : memref<16x1024xf32, #tpu.memory_space<vmem>>, vector<1x16xf32>,
      %parallel_loop3A_367 = arith.constant 4 : i32
      %parallel_loop3A_368 = arith.index_cast %parallel_loop3A_367 : i32 to index
      %parallel_loop3A_369 = arith.index_cast %parallel_loop3A_306 : i32 to index
      %parallel_loop3A_370 = tpu.vector_load %arg5[%parallel_loop3A_368, %parallel_loop3A_369] {strides = array<i32>} : memref<16x1024xf32, #tpu.memory_space<vmem>>, vector<1x16xf32>,
      %parallel_loop3A_371 = vector.shape_cast %parallel_loop3A_370 : vector<1x16xf32> to vector<16xf32>
      %parallel_loop3A_372 = arith.constant 4 : i32
      %parallel_loop3A_373 = arith.constant 0 : i32
      %parallel_loop3A_374 = arith.constant 0 : i32
      %parallel_loop3A_375 = tpu.memref_slice %arg6[%parallel_loop3A_93, %parallel_loop3A_373, %parallel_loop3A_374] : memref<4x16x1024xf32, #tpu.memory_space<vmem>> -> memref<1x16x1024xf32, #tpu.memory_space<vmem>>
      %parallel_loop3A_376 = tpu.memref_squeeze %parallel_loop3A_375 : memref<1x16x1024xf32, #tpu.memory_space<vmem>> -> memref<16x1024xf32, #tpu.memory_space<vmem>>
      %parallel_loop3A_377 = arith.index_cast %parallel_loop3A_372 : i32 to index
      %parallel_loop3A_378 = arith.index_cast %parallel_loop3A_306 : i32 to index
      %parallel_loop3A_379 = tpu.vector_load %parallel_loop3A_376[%parallel_loop3A_377, %parallel_loop3A_378] {strides = array<i32>} : memref<16x1024xf32, #tpu.memory_space<vmem>>, vector<1x16xf32>,
      %parallel_loop3A_380 = vector.shape_cast %parallel_loop3A_379 : vector<1x16xf32> to vector<16xf32>
      %parallel_loop3A_381 = vector.shape_cast %parallel_loop3A_371 : vector<16xf32> to vector<1x16xf32>
      tpu.vector_store %parallel_loop3A_376[%parallel_loop3A_377, %parallel_loop3A_378], %parallel_loop3A_381 {add = true, strides = array<i32>} : memref<16x1024xf32, #tpu.memory_space<vmem>>, vector<1x16xf32>,
      %parallel_loop3A_382 = arith.constant 5 : i32
      %parallel_loop3A_383 = arith.index_cast %parallel_loop3A_382 : i32 to index
      %parallel_loop3A_384 = arith.index_cast %parallel_loop3A_306 : i32 to index
      %parallel_loop3A_385 = tpu.vector_load %arg5[%parallel_loop3A_383, %parallel_loop3A_384] {strides = array<i32>} : memref<16x1024xf32, #tpu.memory_space<vmem>>, vector<1x16xf32>,
      %parallel_loop3A_386 = vector.shape_cast %parallel_loop3A_385 : vector<1x16xf32> to vector<16xf32>
      %parallel_loop3A_387 = arith.constant 5 : i32
      %parallel_loop3A_388 = arith.constant 0 : i32
      %parallel_loop3A_389 = arith.constant 0 : i32
      %parallel_loop3A_390 = tpu.memref_slice %arg6[%parallel_loop3A_93, %parallel_loop3A_388, %parallel_loop3A_389] : memref<4x16x1024xf32, #tpu.memory_space<vmem>> -> memref<1x16x1024xf32, #tpu.memory_space<vmem>>
      %parallel_loop3A_391 = tpu.memref_squeeze %parallel_loop3A_390 : memref<1x16x1024xf32, #tpu.memory_space<vmem>> -> memref<16x1024xf32, #tpu.memory_space<vmem>>
      %parallel_loop3A_392 = arith.index_cast %parallel_loop3A_387 : i32 to index
      %parallel_loop3A_393 = arith.index_cast %parallel_loop3A_306 : i32 to index
      %parallel_loop3A_394 = tpu.vector_load %parallel_loop3A_391[%parallel_loop3A_392, %parallel_loop3A_393] {strides = array<i32>} : memref<16x1024xf32, #tpu.memory_space<vmem>>, vector<1x16xf32>,
      %parallel_loop3A_395 = vector.shape_cast %parallel_loop3A_394 : vector<1x16xf32> to vector<16xf32>
      %parallel_loop3A_396 = vector.shape_cast %parallel_loop3A_386 : vector<16xf32> to vector<1x16xf32>
      tpu.vector_store %parallel_loop3A_391[%parallel_loop3A_392, %parallel_loop3A_393], %parallel_loop3A_396 {add = true, strides = array<i32>} : memref<16x1024xf32, #tpu.memory_space<vmem>>, vector<1x16xf32>,
      %parallel_loop3A_397 = arith.constant 6 : i32
      %parallel_loop3A_398 = arith.index_cast %parallel_loop3A_397 : i32 to index
      %parallel_loop3A_399 = arith.index_cast %parallel_loop3A_306 : i32 to index
      %parallel_loop3A_400 = tpu.vector_load %arg5[%parallel_loop3A_398, %parallel_loop3A_399] {strides = array<i32>} : memref<16x1024xf32, #tpu.memory_space<vmem>>, vector<1x16xf32>,
      %parallel_loop3A_401 = vector.shape_cast %parallel_loop3A_400 : vector<1x16xf32> to vector<16xf32>
      %parallel_loop3A_402 = arith.constant 6 : i32
      %parallel_loop3A_403 = arith.constant 0 : i32
      %parallel_loop3A_404 = arith.constant 0 : i32
      %parallel_loop3A_405 = tpu.memref_slice %arg6[%parallel_loop3A_93, %parallel_loop3A_403, %parallel_loop3A_404] : memref<4x16x1024xf32, #tpu.memory_space<vmem>> -> memref<1x16x1024xf32, #tpu.memory_space<vmem>>
      %parallel_loop3A_406 = tpu.memref_squeeze %parallel_loop3A_405 : memref<1x16x1024xf32, #tpu.memory_space<vmem>> -> memref<16x1024xf32, #tpu.memory_space<vmem>>
      %parallel_loop3A_407 = arith.index_cast %parallel_loop3A_402 : i32 to index
      %parallel_loop3A_408 = arith.index_cast %parallel_loop3A_306 : i32 to index
      %parallel_loop3A_409 = tpu.vector_load %parallel_loop3A_406[%parallel_loop3A_407, %parallel_loop3A_408] {strides = array<i32>} : memref<16x1024xf32, #tpu.memory_space<vmem>>, vector<1x16xf32>,
      %parallel_loop3A_410 = vector.shape_cast %parallel_loop3A_409 : vector<1x16xf32> to vector<16xf32>
      %parallel_loop3A_411 = vector.shape_cast %parallel_loop3A_401 : vector<16xf32> to vector<1x16xf32>
      tpu.vector_store %parallel_loop3A_406[%parallel_loop3A_407, %parallel_loop3A_408], %parallel_loop3A_411 {add = true, strides = array<i32>} : memref<16x1024xf32, #tpu.memory_space<vmem>>, vector<1x16xf32>,
      %parallel_loop3A_412 = arith.constant 7 : i32
      %parallel_loop3A_413 = arith.index_cast %parallel_loop3A_412 : i32 to index
      %parallel_loop3A_414 = arith.index_cast %parallel_loop3A_306 : i32 to index
      %parallel_loop3A_415 = tpu.vector_load %arg5[%parallel_loop3A_413, %parallel_loop3A_414] {strides = array<i32>} : memref<16x1024xf32, #tpu.memory_space<vmem>>, vector<1x16xf32>,
      %parallel_loop3A_416 = vector.shape_cast %parallel_loop3A_415 : vector<1x16xf32> to vector<16xf32>
      %parallel_loop3A_417 = arith.constant 7 : i32
      %parallel_loop3A_418 = arith.constant 0 : i32
      %parallel_loop3A_419 = arith.constant 0 : i32
      %parallel_loop3A_420 = tpu.memref_slice %arg6[%parallel_loop3A_93, %parallel_loop3A_418, %parallel_loop3A_419] : memref<4x16x1024xf32, #tpu.memory_space<vmem>> -> memref<1x16x1024xf32, #tpu.memory_space<vmem>>
      %parallel_loop3A_421 = tpu.memref_squeeze %parallel_loop3A_420 : memref<1x16x1024xf32, #tpu.memory_space<vmem>> -> memref<16x1024xf32, #tpu.memory_space<vmem>>
      %parallel_loop3A_422 = arith.index_cast %parallel_loop3A_417 : i32 to index
      %parallel_loop3A_423 = arith.index_cast %parallel_loop3A_306 : i32 to index
      %parallel_loop3A_424 = tpu.vector_load %parallel_loop3A_421[%parallel_loop3A_422, %parallel_loop3A_423] {strides = array<i32>} : memref<16x1024xf32, #tpu.memory_space<vmem>>, vector<1x16xf32>,
      %parallel_loop3A_425 = vector.shape_cast %parallel_loop3A_424 : vector<1x16xf32> to vector<16xf32>
      %parallel_loop3A_426 = vector.shape_cast %parallel_loop3A_416 : vector<16xf32> to vector<1x16xf32>
      tpu.vector_store %parallel_loop3A_421[%parallel_loop3A_422, %parallel_loop3A_423], %parallel_loop3A_426 {add = true, strides = array<i32>} : memref<16x1024xf32, #tpu.memory_space<vmem>>, vector<1x16xf32>,
      %parallel_loop3A_427 = arith.constant 8 : i32
      %parallel_loop3A_428 = arith.index_cast %parallel_loop3A_427 : i32 to index
      %parallel_loop3A_429 = arith.index_cast %parallel_loop3A_306 : i32 to index
      %parallel_loop3A_430 = tpu.vector_load %arg5[%parallel_loop3A_428, %parallel_loop3A_429] {strides = array<i32>} : memref<16x1024xf32, #tpu.memory_space<vmem>>, vector<1x16xf32>,
      %parallel_loop3A_431 = vector.shape_cast %parallel_loop3A_430 : vector<1x16xf32> to vector<16xf32>
      %parallel_loop3A_432 = arith.constant 8 : i32
      %parallel_loop3A_433 = arith.constant 0 : i32
      %parallel_loop3A_434 = arith.constant 0 : i32
      %parallel_loop3A_435 = tpu.memref_slice %arg6[%parallel_loop3A_93, %parallel_loop3A_433, %parallel_loop3A_434] : memref<4x16x1024xf32, #tpu.memory_space<vmem>> -> memref<1x16x1024xf32, #tpu.memory_space<vmem>>
      %parallel_loop3A_436 = tpu.memref_squeeze %parallel_loop3A_435 : memref<1x16x1024xf32, #tpu.memory_space<vmem>> -> memref<16x1024xf32, #tpu.memory_space<vmem>>
      %parallel_loop3A_437 = arith.index_cast %parallel_loop3A_432 : i32 to index
      %parallel_loop3A_438 = arith.index_cast %parallel_loop3A_306 : i32 to index
      %parallel_loop3A_439 = tpu.vector_load %parallel_loop3A_436[%parallel_loop3A_437, %parallel_loop3A_438] {strides = array<i32>} : memref<16x1024xf32, #tpu.memory_space<vmem>>, vector<1x16xf32>,
      %parallel_loop3A_440 = vector.shape_cast %parallel_loop3A_439 : vector<1x16xf32> to vector<16xf32>
      %parallel_loop3A_441 = vector.shape_cast %parallel_loop3A_431 : vector<16xf32> to vector<1x16xf32>
      tpu.vector_store %parallel_loop3A_436[%parallel_loop3A_437, %parallel_loop3A_438], %parallel_loop3A_441 {add = true, strides = array<i32>} : memref<16x1024xf32, #tpu.memory_space<vmem>>, vector<1x16xf32>,
      %parallel_loop3A_442 = arith.constant 9 : i32
      %parallel_loop3A_443 = arith.index_cast %parallel_loop3A_442 : i32 to index
      %parallel_loop3A_444 = arith.index_cast %parallel_loop3A_306 : i32 to index
      %parallel_loop3A_445 = tpu.vector_load %arg5[%parallel_loop3A_443, %parallel_loop3A_444] {strides = array<i32>} : memref<16x1024xf32, #tpu.memory_space<vmem>>, vector<1x16xf32>,
      %parallel_loop3A_446 = vector.shape_cast %parallel_loop3A_445 : vector<1x16xf32> to vector<16xf32>
      %parallel_loop3A_447 = arith.constant 9 : i32
      %parallel_loop3A_448 = arith.constant 0 : i32
      %parallel_loop3A_449 = arith.constant 0 : i32
      %parallel_loop3A_450 = tpu.memref_slice %arg6[%parallel_loop3A_93, %parallel_loop3A_448, %parallel_loop3A_449] : memref<4x16x1024xf32, #tpu.memory_space<vmem>> -> memref<1x16x1024xf32, #tpu.memory_space<vmem>>
      %parallel_loop3A_451 = tpu.memref_squeeze %parallel_loop3A_450 : memref<1x16x1024xf32, #tpu.memory_space<vmem>> -> memref<16x1024xf32, #tpu.memory_space<vmem>>
      %parallel_loop3A_452 = arith.index_cast %parallel_loop3A_447 : i32 to index
      %parallel_loop3A_453 = arith.index_cast %parallel_loop3A_306 : i32 to index
      %parallel_loop3A_454 = tpu.vector_load %parallel_loop3A_451[%parallel_loop3A_452, %parallel_loop3A_453] {strides = array<i32>} : memref<16x1024xf32, #tpu.memory_space<vmem>>, vector<1x16xf32>,
      %parallel_loop3A_455 = vector.shape_cast %parallel_loop3A_454 : vector<1x16xf32> to vector<16xf32>
      %parallel_loop3A_456 = vector.shape_cast %parallel_loop3A_446 : vector<16xf32> to vector<1x16xf32>
      tpu.vector_store %parallel_loop3A_451[%parallel_loop3A_452, %parallel_loop3A_453], %parallel_loop3A_456 {add = true, strides = array<i32>} : memref<16x1024xf32, #tpu.memory_space<vmem>>, vector<1x16xf32>,
      %parallel_loop3A_457 = arith.constant 10 : i32
      %parallel_loop3A_458 = arith.index_cast %parallel_loop3A_457 : i32 to index
      %parallel_loop3A_459 = arith.index_cast %parallel_loop3A_306 : i32 to index
      %parallel_loop3A_460 = tpu.vector_load %arg5[%parallel_loop3A_458, %parallel_loop3A_459] {strides = array<i32>} : memref<16x1024xf32, #tpu.memory_space<vmem>>, vector<1x16xf32>,
      %parallel_loop3A_461 = vector.shape_cast %parallel_loop3A_460 : vector<1x16xf32> to vector<16xf32>
      %parallel_loop3A_462 = arith.constant 10 : i32
      %parallel_loop3A_463 = arith.constant 0 : i32
      %parallel_loop3A_464 = arith.constant 0 : i32
      %parallel_loop3A_465 = tpu.memref_slice %arg6[%parallel_loop3A_93, %parallel_loop3A_463, %parallel_loop3A_464] : memref<4x16x1024xf32, #tpu.memory_space<vmem>> -> memref<1x16x1024xf32, #tpu.memory_space<vmem>>
      %parallel_loop3A_466 = tpu.memref_squeeze %parallel_loop3A_465 : memref<1x16x1024xf32, #tpu.memory_space<vmem>> -> memref<16x1024xf32, #tpu.memory_space<vmem>>
      %parallel_loop3A_467 = arith.index_cast %parallel_loop3A_462 : i32 to index
      %parallel_loop3A_468 = arith.index_cast %parallel_loop3A_306 : i32 to index
      %parallel_loop3A_469 = tpu.vector_load %parallel_loop3A_466[%parallel_loop3A_467, %parallel_loop3A_468] {strides = array<i32>} : memref<16x1024xf32, #tpu.memory_space<vmem>>, vector<1x16xf32>,
      %parallel_loop3A_470 = vector.shape_cast %parallel_loop3A_469 : vector<1x16xf32> to vector<16xf32>
      %parallel_loop3A_471 = vector.shape_cast %parallel_loop3A_461 : vector<16xf32> to vector<1x16xf32>
      tpu.vector_store %parallel_loop3A_466[%parallel_loop3A_467, %parallel_loop3A_468], %parallel_loop3A_471 {add = true, strides = array<i32>} : memref<16x1024xf32, #tpu.memory_space<vmem>>, vector<1x16xf32>,
      %parallel_loop3A_472 = arith.constant 11 : i32
      %parallel_loop3A_473 = arith.index_cast %parallel_loop3A_472 : i32 to index
      %parallel_loop3A_474 = arith.index_cast %parallel_loop3A_306 : i32 to index
      %parallel_loop3A_475 = tpu.vector_load %arg5[%parallel_loop3A_473, %parallel_loop3A_474] {strides = array<i32>} : memref<16x1024xf32, #tpu.memory_space<vmem>>, vector<1x16xf32>,
      %parallel_loop3A_476 = vector.shape_cast %parallel_loop3A_475 : vector<1x16xf32> to vector<16xf32>
      %parallel_loop3A_477 = arith.constant 11 : i32
      %parallel_loop3A_478 = arith.constant 0 : i32
      %parallel_loop3A_479 = arith.constant 0 : i32
      %parallel_loop3A_480 = tpu.memref_slice %arg6[%parallel_loop3A_93, %parallel_loop3A_478, %parallel_loop3A_479] : memref<4x16x1024xf32, #tpu.memory_space<vmem>> -> memref<1x16x1024xf32, #tpu.memory_space<vmem>>
      %parallel_loop3A_481 = tpu.memref_squeeze %parallel_loop3A_480 : memref<1x16x1024xf32, #tpu.memory_space<vmem>> -> memref<16x1024xf32, #tpu.memory_space<vmem>>
      %parallel_loop3A_482 = arith.index_cast %parallel_loop3A_477 : i32 to index
      %parallel_loop3A_483 = arith.index_cast %parallel_loop3A_306 : i32 to index
      %parallel_loop3A_484 = tpu.vector_load %parallel_loop3A_481[%parallel_loop3A_482, %parallel_loop3A_483] {strides = array<i32>} : memref<16x1024xf32, #tpu.memory_space<vmem>>, vector<1x16xf32>,
      %parallel_loop3A_485 = vector.shape_cast %parallel_loop3A_484 : vector<1x16xf32> to vector<16xf32>
      %parallel_loop3A_486 = vector.shape_cast %parallel_loop3A_476 : vector<16xf32> to vector<1x16xf32>
      tpu.vector_store %parallel_loop3A_481[%parallel_loop3A_482, %parallel_loop3A_483], %parallel_loop3A_486 {add = true, strides = array<i32>} : memref<16x1024xf32, #tpu.memory_space<vmem>>, vector<1x16xf32>,
      %parallel_loop3A_487 = arith.constant 12 : i32
      %parallel_loop3A_488 = arith.index_cast %parallel_loop3A_487 : i32 to index
      %parallel_loop3A_489 = arith.index_cast %parallel_loop3A_306 : i32 to index
      %parallel_loop3A_490 = tpu.vector_load %arg5[%parallel_loop3A_488, %parallel_loop3A_489] {strides = array<i32>} : memref<16x1024xf32, #tpu.memory_space<vmem>>, vector<1x16xf32>,
      %parallel_loop3A_491 = vector.shape_cast %parallel_loop3A_490 : vector<1x16xf32> to vector<16xf32>
      %parallel_loop3A_492 = arith.constant 12 : i32
      %parallel_loop3A_493 = arith.constant 0 : i32
      %parallel_loop3A_494 = arith.constant 0 : i32
      %parallel_loop3A_495 = tpu.memref_slice %arg6[%parallel_loop3A_93, %parallel_loop3A_493, %parallel_loop3A_494] : memref<4x16x1024xf32, #tpu.memory_space<vmem>> -> memref<1x16x1024xf32, #tpu.memory_space<vmem>>
      %parallel_loop3A_496 = tpu.memref_squeeze %parallel_loop3A_495 : memref<1x16x1024xf32, #tpu.memory_space<vmem>> -> memref<16x1024xf32, #tpu.memory_space<vmem>>
      %parallel_loop3A_497 = arith.index_cast %parallel_loop3A_492 : i32 to index
      %parallel_loop3A_498 = arith.index_cast %parallel_loop3A_306 : i32 to index
      %parallel_loop3A_499 = tpu.vector_load %parallel_loop3A_496[%parallel_loop3A_497, %parallel_loop3A_498] {strides = array<i32>} : memref<16x1024xf32, #tpu.memory_space<vmem>>, vector<1x16xf32>,
      %parallel_loop3A_500 = vector.shape_cast %parallel_loop3A_499 : vector<1x16xf32> to vector<16xf32>
      %parallel_loop3A_501 = vector.shape_cast %parallel_loop3A_491 : vector<16xf32> to vector<1x16xf32>
      tpu.vector_store %parallel_loop3A_496[%parallel_loop3A_497, %parallel_loop3A_498], %parallel_loop3A_501 {add = true, strides = array<i32>} : memref<16x1024xf32, #tpu.memory_space<vmem>>, vector<1x16xf32>,
      %parallel_loop3A_502 = arith.constant 13 : i32
      %parallel_loop3A_503 = arith.index_cast %parallel_loop3A_502 : i32 to index
      %parallel_loop3A_504 = arith.index_cast %parallel_loop3A_306 : i32 to index
      %parallel_loop3A_505 = tpu.vector_load %arg5[%parallel_loop3A_503, %parallel_loop3A_504] {strides = array<i32>} : memref<16x1024xf32, #tpu.memory_space<vmem>>, vector<1x16xf32>,
      %parallel_loop3A_506 = vector.shape_cast %parallel_loop3A_505 : vector<1x16xf32> to vector<16xf32>
      %parallel_loop3A_507 = arith.constant 13 : i32
      %parallel_loop3A_508 = arith.constant 0 : i32
      %parallel_loop3A_509 = arith.constant 0 : i32
      %parallel_loop3A_510 = tpu.memref_slice %arg6[%parallel_loop3A_93, %parallel_loop3A_508, %parallel_loop3A_509] : memref<4x16x1024xf32, #tpu.memory_space<vmem>> -> memref<1x16x1024xf32, #tpu.memory_space<vmem>>
      %parallel_loop3A_511 = tpu.memref_squeeze %parallel_loop3A_510 : memref<1x16x1024xf32, #tpu.memory_space<vmem>> -> memref<16x1024xf32, #tpu.memory_space<vmem>>
      %parallel_loop3A_512 = arith.index_cast %parallel_loop3A_507 : i32 to index
      %parallel_loop3A_513 = arith.index_cast %parallel_loop3A_306 : i32 to index
      %parallel_loop3A_514 = tpu.vector_load %parallel_loop3A_511[%parallel_loop3A_512, %parallel_loop3A_513] {strides = array<i32>} : memref<16x1024xf32, #tpu.memory_space<vmem>>, vector<1x16xf32>,
      %parallel_loop3A_515 = vector.shape_cast %parallel_loop3A_514 : vector<1x16xf32> to vector<16xf32>
      %parallel_loop3A_516 = vector.shape_cast %parallel_loop3A_506 : vector<16xf32> to vector<1x16xf32>
      tpu.vector_store %parallel_loop3A_511[%parallel_loop3A_512, %parallel_loop3A_513], %parallel_loop3A_516 {add = true, strides = array<i32>} : memref<16x1024xf32, #tpu.memory_space<vmem>>, vector<1x16xf32>,
      %parallel_loop3A_517 = arith.constant 14 : i32
      %parallel_loop3A_518 = arith.index_cast %parallel_loop3A_517 : i32 to index
      %parallel_loop3A_519 = arith.index_cast %parallel_loop3A_306 : i32 to index
      %parallel_loop3A_520 = tpu.vector_load %arg5[%parallel_loop3A_518, %parallel_loop3A_519] {strides = array<i32>} : memref<16x1024xf32, #tpu.memory_space<vmem>>, vector<1x16xf32>,
      %parallel_loop3A_521 = vector.shape_cast %parallel_loop3A_520 : vector<1x16xf32> to vector<16xf32>
      %parallel_loop3A_522 = arith.constant 14 : i32
      %parallel_loop3A_523 = arith.constant 0 : i32
      %parallel_loop3A_524 = arith.constant 0 : i32
      %parallel_loop3A_525 = tpu.memref_slice %arg6[%parallel_loop3A_93, %parallel_loop3A_523, %parallel_loop3A_524] : memref<4x16x1024xf32, #tpu.memory_space<vmem>> -> memref<1x16x1024xf32, #tpu.memory_space<vmem>>
      %parallel_loop3A_526 = tpu.memref_squeeze %parallel_loop3A_525 : memref<1x16x1024xf32, #tpu.memory_space<vmem>> -> memref<16x1024xf32, #tpu.memory_space<vmem>>
      %parallel_loop3A_527 = arith.index_cast %parallel_loop3A_522 : i32 to index
      %parallel_loop3A_528 = arith.index_cast %parallel_loop3A_306 : i32 to index
      %parallel_loop3A_529 = tpu.vector_load %parallel_loop3A_526[%parallel_loop3A_527, %parallel_loop3A_528] {strides = array<i32>} : memref<16x1024xf32, #tpu.memory_space<vmem>>, vector<1x16xf32>,
      %parallel_loop3A_530 = vector.shape_cast %parallel_loop3A_529 : vector<1x16xf32> to vector<16xf32>
      %parallel_loop3A_531 = vector.shape_cast %parallel_loop3A_521 : vector<16xf32> to vector<1x16xf32>
      tpu.vector_store %parallel_loop3A_526[%parallel_loop3A_527, %parallel_loop3A_528], %parallel_loop3A_531 {add = true, strides = array<i32>} : memref<16x1024xf32, #tpu.memory_space<vmem>>, vector<1x16xf32>,
      %parallel_loop3A_532 = arith.constant 15 : i32
      %parallel_loop3A_533 = arith.index_cast %parallel_loop3A_532 : i32 to index
      %parallel_loop3A_534 = arith.index_cast %parallel_loop3A_306 : i32 to index
      %parallel_loop3A_535 = tpu.vector_load %arg5[%parallel_loop3A_533, %parallel_loop3A_534] {strides = array<i32>} : memref<16x1024xf32, #tpu.memory_space<vmem>>, vector<1x16xf32>,
      %parallel_loop3A_536 = vector.shape_cast %parallel_loop3A_535 : vector<1x16xf32> to vector<16xf32>
      %parallel_loop3A_537 = arith.constant 15 : i32
      %parallel_loop3A_538 = arith.constant 0 : i32
      %parallel_loop3A_539 = arith.constant 0 : i32
      %parallel_loop3A_540 = tpu.memref_slice %arg6[%parallel_loop3A_93, %parallel_loop3A_538, %parallel_loop3A_539] : memref<4x16x1024xf32, #tpu.memory_space<vmem>> -> memref<1x16x1024xf32, #tpu.memory_space<vmem>>
      %parallel_loop3A_541 = tpu.memref_squeeze %parallel_loop3A_540 : memref<1x16x1024xf32, #tpu.memory_space<vmem>> -> memref<16x1024xf32, #tpu.memory_space<vmem>>
      %parallel_loop3A_542 = arith.index_cast %parallel_loop3A_537 : i32 to index
      %parallel_loop3A_543 = arith.index_cast %parallel_loop3A_306 : i32 to index
      %parallel_loop3A_544 = tpu.vector_load %parallel_loop3A_541[%parallel_loop3A_542, %parallel_loop3A_543] {strides = array<i32>} : memref<16x1024xf32, #tpu.memory_space<vmem>>, vector<1x16xf32>,
      %parallel_loop3A_545 = vector.shape_cast %parallel_loop3A_544 : vector<1x16xf32> to vector<16xf32>
      %parallel_loop3A_546 = vector.shape_cast %parallel_loop3A_536 : vector<16xf32> to vector<1x16xf32>
      tpu.vector_store %parallel_loop3A_541[%parallel_loop3A_542, %parallel_loop3A_543], %parallel_loop3A_546 {add = true, strides = array<i32>} : memref<16x1024xf32, #tpu.memory_space<vmem>>, vector<1x16xf32>,
    } {sc.loop_unroll_factor = 2 : i64, sc.parallel_access}
    %add3A_94 = arith.constant 0 : i32
    %add3A_95 = arith.addi %mul3A_2, %add3A_94 : i32
    %dma_start3A_96 = arith.constant 0 : i32
    %dma_start3A_97 = arith.constant 0 : i32
    %dma_start3A_98 = arith.constant 0 : i32
    %dma_start3A_99 = arith.constant 0 : i32
    %dma_start3A_100 = arith.constant 0 : i32
    %dma_start3A_101 = tpu.memref_slice %arg6[%dma_start3A_96, %dma_start3A_99, %dma_start3A_100] : memref<4x16x1024xf32, #tpu.memory_space<vmem>> -> memref<1x16x1024xf32, #tpu.memory_space<vmem>>
    %dma_start3A_102 = tpu.memref_squeeze %dma_start3A_101 : memref<1x16x1024xf32, #tpu.memory_space<vmem>> -> memref<16x1024xf32, #tpu.memory_space<vmem>>
    %dma_start3A_103 = arith.constant 0 : i32
    %dma_start3A_104 = tpu.memref_slice %arg4[%dma_start3A_97, %add3A_95, %dma_start3A_103] : memref<4x512x1024xf32, #tpu.memory_space<hbm>> -> memref<1x16x1024xf32, #tpu.memory_space<hbm>>
    %dma_start3A_105 = tpu.memref_squeeze %dma_start3A_104 : memref<1x16x1024xf32, #tpu.memory_space<hbm>> -> memref<16x1024xf32, #tpu.memory_space<hbm>>
    %dma_start3A_106 = tpu.memref_slice %arg9[%dma_start3A_98] : memref<4x!tpu.dma_semaphore, #tpu.memory_space<semaphore_mem>> -> memref<1x!tpu.dma_semaphore, #tpu.memory_space<semaphore_mem>>
    %dma_start3A_107 = tpu.memref_squeeze %dma_start3A_106 : memref<1x!tpu.dma_semaphore, #tpu.memory_space<semaphore_mem>> -> memref<!tpu.dma_semaphore, #tpu.memory_space<semaphore_mem>>
    %dma_start3A_108 = arith.constant 0 : i32
    %dma_start3A_109 = tpu.memref_slice %arg4[%dma_start3A_97, %add3A_95, %dma_start3A_108] : memref<4x512x1024xf32, #tpu.memory_space<hbm>> -> memref<1x16x1024xf32, #tpu.memory_space<hbm>>
    %dma_start3A_110 = tpu.memref_squeeze %dma_start3A_109 : memref<1x16x1024xf32, #tpu.memory_space<hbm>> -> memref<16x1024xf32, #tpu.memory_space<hbm>>
    %dma_start3A_111 = arith.constant 0 : i32
    %dma_start3A_112 = arith.constant 0 : i32
    %dma_start3A_113 = tpu.memref_slice %arg6[%dma_start3A_96, %dma_start3A_111, %dma_start3A_112] : memref<4x16x1024xf32, #tpu.memory_space<vmem>> -> memref<1x16x1024xf32, #tpu.memory_space<vmem>>
    %dma_start3A_114 = tpu.memref_squeeze %dma_start3A_113 : memref<1x16x1024xf32, #tpu.memory_space<vmem>> -> memref<16x1024xf32, #tpu.memory_space<vmem>>
    tpu.enqueue_dma source(%dma_start3A_114 : memref<16x1024xf32, #tpu.memory_space<vmem>>) target(%dma_start3A_110 : memref<16x1024xf32, #tpu.memory_space<hbm>>) target_semaphore(%dma_start3A_107 : memref<!tpu.dma_semaphore, #tpu.memory_space<semaphore_mem>>)
    %add3A_115 = arith.constant 0 : i32
    %add3A_116 = arith.addi %mul3A_2, %add3A_115 : i32
    %dma_start3A_117 = arith.constant 3 : i32
    %dma_start3A_118 = arith.constant 3 : i32
    %dma_start3A_119 = arith.constant 3 : i32
    %dma_start3A_120 = arith.constant 0 : i32
    %dma_start3A_121 = arith.constant 0 : i32
    %dma_start3A_122 = tpu.memref_slice %arg6[%dma_start3A_118, %dma_start3A_120, %dma_start3A_121] : memref<4x16x1024xf32, #tpu.memory_space<vmem>> -> memref<1x16x1024xf32, #tpu.memory_space<vmem>>
    %dma_start3A_123 = tpu.memref_squeeze %dma_start3A_122 : memref<1x16x1024xf32, #tpu.memory_space<vmem>> -> memref<16x1024xf32, #tpu.memory_space<vmem>>
    %dma_start3A_124 = arith.constant 0 : i32
    %dma_start3A_125 = tpu.memref_slice %arg2[%dma_start3A_117, %add3A_116, %dma_start3A_124] : memref<4x2048x1024xf32, #tpu.memory_space<hbm>> -> memref<1x16x1024xf32, #tpu.memory_space<hbm>>
    %dma_start3A_126 = tpu.memref_squeeze %dma_start3A_125 : memref<1x16x1024xf32, #tpu.memory_space<hbm>> -> memref<16x1024xf32, #tpu.memory_space<hbm>>
    %dma_start3A_127 = tpu.memref_slice %arg8[%dma_start3A_119] : memref<4x!tpu.dma_semaphore, #tpu.memory_space<semaphore_mem>> -> memref<1x!tpu.dma_semaphore, #tpu.memory_space<semaphore_mem>>
    %dma_start3A_128 = tpu.memref_squeeze %dma_start3A_127 : memref<1x!tpu.dma_semaphore, #tpu.memory_space<semaphore_mem>> -> memref<!tpu.dma_semaphore, #tpu.memory_space<semaphore_mem>>
    %dma_start3A_129 = arith.constant 0 : i32
    %dma_start3A_130 = arith.constant 0 : i32
    %dma_start3A_131 = tpu.memref_slice %arg6[%dma_start3A_118, %dma_start3A_129, %dma_start3A_130] : memref<4x16x1024xf32, #tpu.memory_space<vmem>> -> memref<1x16x1024xf32, #tpu.memory_space<vmem>>
    %dma_start3A_132 = tpu.memref_squeeze %dma_start3A_131 : memref<1x16x1024xf32, #tpu.memory_space<vmem>> -> memref<16x1024xf32, #tpu.memory_space<vmem>>
    %dma_start3A_133 = arith.constant 0 : i32
    %dma_start3A_134 = tpu.memref_slice %arg2[%dma_start3A_117, %add3A_116, %dma_start3A_133] : memref<4x2048x1024xf32, #tpu.memory_space<hbm>> -> memref<1x16x1024xf32, #tpu.memory_space<hbm>>
    %dma_start3A_135 = tpu.memref_squeeze %dma_start3A_134 : memref<1x16x1024xf32, #tpu.memory_space<hbm>> -> memref<16x1024xf32, #tpu.memory_space<hbm>>
    tpu.enqueue_dma source(%dma_start3A_135 : memref<16x1024xf32, #tpu.memory_space<hbm>>) target(%dma_start3A_132 : memref<16x1024xf32, #tpu.memory_space<vmem>>) target_semaphore(%dma_start3A_128 : memref<!tpu.dma_semaphore, #tpu.memory_space<semaphore_mem>>)
    %dma_wait3A_136 = arith.constant 1 : i32
    %dma_wait3A_137 = arith.constant 1 : i32
    %dma_wait3A_138 = arith.constant 1 : i32
    %dma_wait3A_139 = arith.constant 0 : i32
    %dma_wait3A_140 = arith.constant 0 : i32
    %dma_wait3A_141 = tpu.memref_slice %arg6[%dma_wait3A_137, %dma_wait3A_139, %dma_wait3A_140] : memref<4x16x1024xf32, #tpu.memory_space<vmem>> -> memref<1x16x1024xf32, #tpu.memory_space<vmem>>
    %dma_wait3A_142 = tpu.memref_squeeze %dma_wait3A_141 : memref<1x16x1024xf32, #tpu.memory_space<vmem>> -> memref<16x1024xf32, #tpu.memory_space<vmem>>
    %dma_wait3A_143 = arith.constant 0 : i32
    %dma_wait3A_144 = tpu.memref_slice %arg2[%dma_wait3A_136, %add3A_28, %dma_wait3A_143] : memref<4x2048x1024xf32, #tpu.memory_space<hbm>> -> memref<1x16x1024xf32, #tpu.memory_space<hbm>>
    %dma_wait3A_145 = tpu.memref_squeeze %dma_wait3A_144 : memref<1x16x1024xf32, #tpu.memory_space<hbm>> -> memref<16x1024xf32, #tpu.memory_space<hbm>>
    %dma_wait3A_146 = tpu.memref_slice %arg8[%dma_wait3A_138] : memref<4x!tpu.dma_semaphore, #tpu.memory_space<semaphore_mem>> -> memref<1x!tpu.dma_semaphore, #tpu.memory_space<semaphore_mem>>
    %dma_wait3A_147 = tpu.memref_squeeze %dma_wait3A_146 : memref<1x!tpu.dma_semaphore, #tpu.memory_space<semaphore_mem>> -> memref<!tpu.dma_semaphore, #tpu.memory_space<semaphore_mem>>
    %dma_wait3A_148 = arith.constant 0 : i32
    %dma_wait3A_149 = arith.constant 0 : i32
    %dma_wait3A_150 = tpu.memref_slice %arg6[%dma_wait3A_137, %dma_wait3A_148, %dma_wait3A_149] : memref<4x16x1024xf32, #tpu.memory_space<vmem>> -> memref<1x16x1024xf32, #tpu.memory_space<vmem>>
    %dma_wait3A_151 = tpu.memref_squeeze %dma_wait3A_150 : memref<1x16x1024xf32, #tpu.memory_space<vmem>> -> memref<16x1024xf32, #tpu.memory_space<vmem>>
    %dma_wait3A_152 = arith.constant 0 : i32
    %dma_wait3A_153 = tpu.memref_slice %arg2[%dma_wait3A_136, %add3A_28, %dma_wait3A_152] : memref<4x2048x1024xf32, #tpu.memory_space<hbm>> -> memref<1x16x1024xf32, #tpu.memory_space<hbm>>
    %dma_wait3A_154 = tpu.memref_squeeze %dma_wait3A_153 : memref<1x16x1024xf32, #tpu.memory_space<hbm>> -> memref<16x1024xf32, #tpu.memory_space<hbm>>
    tpu.wait_dma2 semaphore(%dma_wait3A_147 : memref<!tpu.dma_semaphore, #tpu.memory_space<semaphore_mem>>) src(%dma_wait3A_154 : memref<16x1024xf32, #tpu.memory_space<hbm>>) dst(%dma_wait3A_151 : memref<16x1024xf32, #tpu.memory_space<vmem>>)
    %parallel_loop3A_155 = arith.constant 0 : i32
    %parallel_loop3A_156 = arith.constant 1024 : i32
    %parallel_loop3A_157 = arith.constant 16 : i32
    %parallel_loop3A_158 = arith.constant 1 : i32
    scf.for %parallel_loop3A_306 = %parallel_loop3A_155 to %parallel_loop3A_156 step %parallel_loop3A_157  : i32 {
      %parallel_loop3A_307 = arith.constant 0 : i32
      %parallel_loop3A_308 = arith.index_cast %parallel_loop3A_307 : i32 to index
      %parallel_loop3A_309 = arith.index_cast %parallel_loop3A_306 : i32 to index
      %parallel_loop3A_310 = tpu.vector_load %arg5[%parallel_loop3A_308, %parallel_loop3A_309] {strides = array<i32>} : memref<16x1024xf32, #tpu.memory_space<vmem>>, vector<1x16xf32>,
      %parallel_loop3A_311 = vector.shape_cast %parallel_loop3A_310 : vector<1x16xf32> to vector<16xf32>
      %parallel_loop3A_312 = arith.constant 0 : i32
      %parallel_loop3A_313 = arith.constant 0 : i32
      %parallel_loop3A_314 = arith.constant 0 : i32
      %parallel_loop3A_315 = tpu.memref_slice %arg6[%parallel_loop3A_158, %parallel_loop3A_313, %parallel_loop3A_314] : memref<4x16x1024xf32, #tpu.memory_space<vmem>> -> memref<1x16x1024xf32, #tpu.memory_space<vmem>>
      %parallel_loop3A_316 = tpu.memref_squeeze %parallel_loop3A_315 : memref<1x16x1024xf32, #tpu.memory_space<vmem>> -> memref<16x1024xf32, #tpu.memory_space<vmem>>
      %parallel_loop3A_317 = arith.index_cast %parallel_loop3A_312 : i32 to index
      %parallel_loop3A_318 = arith.index_cast %parallel_loop3A_306 : i32 to index
      %parallel_loop3A_319 = tpu.vector_load %parallel_loop3A_316[%parallel_loop3A_317, %parallel_loop3A_318] {strides = array<i32>} : memref<16x1024xf32, #tpu.memory_space<vmem>>, vector<1x16xf32>,
      %parallel_loop3A_320 = vector.shape_cast %parallel_loop3A_319 : vector<1x16xf32> to vector<16xf32>
      %parallel_loop3A_321 = vector.shape_cast %parallel_loop3A_311 : vector<16xf32> to vector<1x16xf32>
      tpu.vector_store %parallel_loop3A_316[%parallel_loop3A_317, %parallel_loop3A_318], %parallel_loop3A_321 {add = true, strides = array<i32>} : memref<16x1024xf32, #tpu.memory_space<vmem>>, vector<1x16xf32>,
      %parallel_loop3A_322 = arith.constant 1 : i32
      %parallel_loop3A_323 = arith.index_cast %parallel_loop3A_322 : i32 to index
      %parallel_loop3A_324 = arith.index_cast %parallel_loop3A_306 : i32 to index
      %parallel_loop3A_325 = tpu.vector_load %arg5[%parallel_loop3A_323, %parallel_loop3A_324] {strides = array<i32>} : memref<16x1024xf32, #tpu.memory_space<vmem>>, vector<1x16xf32>,
      %parallel_loop3A_326 = vector.shape_cast %parallel_loop3A_325 : vector<1x16xf32> to vector<16xf32>
      %parallel_loop3A_327 = arith.constant 1 : i32
      %parallel_loop3A_328 = arith.constant 0 : i32
      %parallel_loop3A_329 = arith.constant 0 : i32
      %parallel_loop3A_330 = tpu.memref_slice %arg6[%parallel_loop3A_158, %parallel_loop3A_328, %parallel_loop3A_329] : memref<4x16x1024xf32, #tpu.memory_space<vmem>> -> memref<1x16x1024xf32, #tpu.memory_space<vmem>>
      %parallel_loop3A_331 = tpu.memref_squeeze %parallel_loop3A_330 : memref<1x16x1024xf32, #tpu.memory_space<vmem>> -> memref<16x1024xf32, #tpu.memory_space<vmem>>
      %parallel_loop3A_332 = arith.index_cast %parallel_loop3A_327 : i32 to index
      %parallel_loop3A_333 = arith.index_cast %parallel_loop3A_306 : i32 to index
      %parallel_loop3A_334 = tpu.vector_load %parallel_loop3A_331[%parallel_loop3A_332, %parallel_loop3A_333] {strides = array<i32>} : memref<16x1024xf32, #tpu.memory_space<vmem>>, vector<1x16xf32>,
      %parallel_loop3A_335 = vector.shape_cast %parallel_loop3A_334 : vector<1x16xf32> to vector<16xf32>
      %parallel_loop3A_336 = vector.shape_cast %parallel_loop3A_326 : vector<16xf32> to vector<1x16xf32>
      tpu.vector_store %parallel_loop3A_331[%parallel_loop3A_332, %parallel_loop3A_333], %parallel_loop3A_336 {add = true, strides = array<i32>} : memref<16x1024xf32, #tpu.memory_space<vmem>>, vector<1x16xf32>,
      %parallel_loop3A_337 = arith.constant 2 : i32
      %parallel_loop3A_338 = arith.index_cast %parallel_loop3A_337 : i32 to index
      %parallel_loop3A_339 = arith.index_cast %parallel_loop3A_306 : i32 to index
      %parallel_loop3A_340 = tpu.vector_load %arg5[%parallel_loop3A_338, %parallel_loop3A_339] {strides = array<i32>} : memref<16x1024xf32, #tpu.memory_space<vmem>>, vector<1x16xf32>,
      %parallel_loop3A_341 = vector.shape_cast %parallel_loop3A_340 : vector<1x16xf32> to vector<16xf32>
      %parallel_loop3A_342 = arith.constant 2 : i32
      %parallel_loop3A_343 = arith.constant 0 : i32
      %parallel_loop3A_344 = arith.constant 0 : i32
      %parallel_loop3A_345 = tpu.memref_slice %arg6[%parallel_loop3A_158, %parallel_loop3A_343, %parallel_loop3A_344] : memref<4x16x1024xf32, #tpu.memory_space<vmem>> -> memref<1x16x1024xf32, #tpu.memory_space<vmem>>
      %parallel_loop3A_346 = tpu.memref_squeeze %parallel_loop3A_345 : memref<1x16x1024xf32, #tpu.memory_space<vmem>> -> memref<16x1024xf32, #tpu.memory_space<vmem>>
      %parallel_loop3A_347 = arith.index_cast %parallel_loop3A_342 : i32 to index
      %parallel_loop3A_348 = arith.index_cast %parallel_loop3A_306 : i32 to index
      %parallel_loop3A_349 = tpu.vector_load %parallel_loop3A_346[%parallel_loop3A_347, %parallel_loop3A_348] {strides = array<i32>} : memref<16x1024xf32, #tpu.memory_space<vmem>>, vector<1x16xf32>,
      %parallel_loop3A_350 = vector.shape_cast %parallel_loop3A_349 : vector<1x16xf32> to vector<16xf32>
      %parallel_loop3A_351 = vector.shape_cast %parallel_loop3A_341 : vector<16xf32> to vector<1x16xf32>
      tpu.vector_store %parallel_loop3A_346[%parallel_loop3A_347, %parallel_loop3A_348], %parallel_loop3A_351 {add = true, strides = array<i32>} : memref<16x1024xf32, #tpu.memory_space<vmem>>, vector<1x16xf32>,
      %parallel_loop3A_352 = arith.constant 3 : i32
      %parallel_loop3A_353 = arith.index_cast %parallel_loop3A_352 : i32 to index
      %parallel_loop3A_354 = arith.index_cast %parallel_loop3A_306 : i32 to index
      %parallel_loop3A_355 = tpu.vector_load %arg5[%parallel_loop3A_353, %parallel_loop3A_354] {strides = array<i32>} : memref<16x1024xf32, #tpu.memory_space<vmem>>, vector<1x16xf32>,
      %parallel_loop3A_356 = vector.shape_cast %parallel_loop3A_355 : vector<1x16xf32> to vector<16xf32>
      %parallel_loop3A_357 = arith.constant 3 : i32
      %parallel_loop3A_358 = arith.constant 0 : i32
      %parallel_loop3A_359 = arith.constant 0 : i32
      %parallel_loop3A_360 = tpu.memref_slice %arg6[%parallel_loop3A_158, %parallel_loop3A_358, %parallel_loop3A_359] : memref<4x16x1024xf32, #tpu.memory_space<vmem>> -> memref<1x16x1024xf32, #tpu.memory_space<vmem>>
      %parallel_loop3A_361 = tpu.memref_squeeze %parallel_loop3A_360 : memref<1x16x1024xf32, #tpu.memory_space<vmem>> -> memref<16x1024xf32, #tpu.memory_space<vmem>>
      %parallel_loop3A_362 = arith.index_cast %parallel_loop3A_357 : i32 to index
      %parallel_loop3A_363 = arith.index_cast %parallel_loop3A_306 : i32 to index
      %parallel_loop3A_364 = tpu.vector_load %parallel_loop3A_361[%parallel_loop3A_362, %parallel_loop3A_363] {strides = array<i32>} : memref<16x1024xf32, #tpu.memory_space<vmem>>, vector<1x16xf32>,
      %parallel_loop3A_365 = vector.shape_cast %parallel_loop3A_364 : vector<1x16xf32> to vector<16xf32>
      %parallel_loop3A_366 = vector.shape_cast %parallel_loop3A_356 : vector<16xf32> to vector<1x16xf32>
      tpu.vector_store %parallel_loop3A_361[%parallel_loop3A_362, %parallel_loop3A_363], %parallel_loop3A_366 {add = true, strides = array<i32>} : memref<16x1024xf32, #tpu.memory_space<vmem>>, vector<1x16xf32>,
      %parallel_loop3A_367 = arith.constant 4 : i32
      %parallel_loop3A_368 = arith.index_cast %parallel_loop3A_367 : i32 to index
      %parallel_loop3A_369 = arith.index_cast %parallel_loop3A_306 : i32 to index
      %parallel_loop3A_370 = tpu.vector_load %arg5[%parallel_loop3A_368, %parallel_loop3A_369] {strides = array<i32>} : memref<16x1024xf32, #tpu.memory_space<vmem>>, vector<1x16xf32>,
      %parallel_loop3A_371 = vector.shape_cast %parallel_loop3A_370 : vector<1x16xf32> to vector<16xf32>
      %parallel_loop3A_372 = arith.constant 4 : i32
      %parallel_loop3A_373 = arith.constant 0 : i32
      %parallel_loop3A_374 = arith.constant 0 : i32
      %parallel_loop3A_375 = tpu.memref_slice %arg6[%parallel_loop3A_158, %parallel_loop3A_373, %parallel_loop3A_374] : memref<4x16x1024xf32, #tpu.memory_space<vmem>> -> memref<1x16x1024xf32, #tpu.memory_space<vmem>>
      %parallel_loop3A_376 = tpu.memref_squeeze %parallel_loop3A_375 : memref<1x16x1024xf32, #tpu.memory_space<vmem>> -> memref<16x1024xf32, #tpu.memory_space<vmem>>
      %parallel_loop3A_377 = arith.index_cast %parallel_loop3A_372 : i32 to index
      %parallel_loop3A_378 = arith.index_cast %parallel_loop3A_306 : i32 to index
      %parallel_loop3A_379 = tpu.vector_load %parallel_loop3A_376[%parallel_loop3A_377, %parallel_loop3A_378] {strides = array<i32>} : memref<16x1024xf32, #tpu.memory_space<vmem>>, vector<1x16xf32>,
      %parallel_loop3A_380 = vector.shape_cast %parallel_loop3A_379 : vector<1x16xf32> to vector<16xf32>
      %parallel_loop3A_381 = vector.shape_cast %parallel_loop3A_371 : vector<16xf32> to vector<1x16xf32>
      tpu.vector_store %parallel_loop3A_376[%parallel_loop3A_377, %parallel_loop3A_378], %parallel_loop3A_381 {add = true, strides = array<i32>} : memref<16x1024xf32, #tpu.memory_space<vmem>>, vector<1x16xf32>,
      %parallel_loop3A_382 = arith.constant 5 : i32
      %parallel_loop3A_383 = arith.index_cast %parallel_loop3A_382 : i32 to index
      %parallel_loop3A_384 = arith.index_cast %parallel_loop3A_306 : i32 to index
      %parallel_loop3A_385 = tpu.vector_load %arg5[%parallel_loop3A_383, %parallel_loop3A_384] {strides = array<i32>} : memref<16x1024xf32, #tpu.memory_space<vmem>>, vector<1x16xf32>,
      %parallel_loop3A_386 = vector.shape_cast %parallel_loop3A_385 : vector<1x16xf32> to vector<16xf32>
      %parallel_loop3A_387 = arith.constant 5 : i32
      %parallel_loop3A_388 = arith.constant 0 : i32
      %parallel_loop3A_389 = arith.constant 0 : i32
      %parallel_loop3A_390 = tpu.memref_slice %arg6[%parallel_loop3A_158, %parallel_loop3A_388, %parallel_loop3A_389] : memref<4x16x1024xf32, #tpu.memory_space<vmem>> -> memref<1x16x1024xf32, #tpu.memory_space<vmem>>
      %parallel_loop3A_391 = tpu.memref_squeeze %parallel_loop3A_390 : memref<1x16x1024xf32, #tpu.memory_space<vmem>> -> memref<16x1024xf32, #tpu.memory_space<vmem>>
      %parallel_loop3A_392 = arith.index_cast %parallel_loop3A_387 : i32 to index
      %parallel_loop3A_393 = arith.index_cast %parallel_loop3A_306 : i32 to index
      %parallel_loop3A_394 = tpu.vector_load %parallel_loop3A_391[%parallel_loop3A_392, %parallel_loop3A_393] {strides = array<i32>} : memref<16x1024xf32, #tpu.memory_space<vmem>>, vector<1x16xf32>,
      %parallel_loop3A_395 = vector.shape_cast %parallel_loop3A_394 : vector<1x16xf32> to vector<16xf32>
      %parallel_loop3A_396 = vector.shape_cast %parallel_loop3A_386 : vector<16xf32> to vector<1x16xf32>
      tpu.vector_store %parallel_loop3A_391[%parallel_loop3A_392, %parallel_loop3A_393], %parallel_loop3A_396 {add = true, strides = array<i32>} : memref<16x1024xf32, #tpu.memory_space<vmem>>, vector<1x16xf32>,
      %parallel_loop3A_397 = arith.constant 6 : i32
      %parallel_loop3A_398 = arith.index_cast %parallel_loop3A_397 : i32 to index
      %parallel_loop3A_399 = arith.index_cast %parallel_loop3A_306 : i32 to index
      %parallel_loop3A_400 = tpu.vector_load %arg5[%parallel_loop3A_398, %parallel_loop3A_399] {strides = array<i32>} : memref<16x1024xf32, #tpu.memory_space<vmem>>, vector<1x16xf32>,
      %parallel_loop3A_401 = vector.shape_cast %parallel_loop3A_400 : vector<1x16xf32> to vector<16xf32>
      %parallel_loop3A_402 = arith.constant 6 : i32
      %parallel_loop3A_403 = arith.constant 0 : i32
      %parallel_loop3A_404 = arith.constant 0 : i32
      %parallel_loop3A_405 = tpu.memref_slice %arg6[%parallel_loop3A_158, %parallel_loop3A_403, %parallel_loop3A_404] : memref<4x16x1024xf32, #tpu.memory_space<vmem>> -> memref<1x16x1024xf32, #tpu.memory_space<vmem>>
      %parallel_loop3A_406 = tpu.memref_squeeze %parallel_loop3A_405 : memref<1x16x1024xf32, #tpu.memory_space<vmem>> -> memref<16x1024xf32, #tpu.memory_space<vmem>>
      %parallel_loop3A_407 = arith.index_cast %parallel_loop3A_402 : i32 to index
      %parallel_loop3A_408 = arith.index_cast %parallel_loop3A_306 : i32 to index
      %parallel_loop3A_409 = tpu.vector_load %parallel_loop3A_406[%parallel_loop3A_407, %parallel_loop3A_408] {strides = array<i32>} : memref<16x1024xf32, #tpu.memory_space<vmem>>, vector<1x16xf32>,
      %parallel_loop3A_410 = vector.shape_cast %parallel_loop3A_409 : vector<1x16xf32> to vector<16xf32>
      %parallel_loop3A_411 = vector.shape_cast %parallel_loop3A_401 : vector<16xf32> to vector<1x16xf32>
      tpu.vector_store %parallel_loop3A_406[%parallel_loop3A_407, %parallel_loop3A_408], %parallel_loop3A_411 {add = true, strides = array<i32>} : memref<16x1024xf32, #tpu.memory_space<vmem>>, vector<1x16xf32>,
      %parallel_loop3A_412 = arith.constant 7 : i32
      %parallel_loop3A_413 = arith.index_cast %parallel_loop3A_412 : i32 to index
      %parallel_loop3A_414 = arith.index_cast %parallel_loop3A_306 : i32 to index
      %parallel_loop3A_415 = tpu.vector_load %arg5[%parallel_loop3A_413, %parallel_loop3A_414] {strides = array<i32>} : memref<16x1024xf32, #tpu.memory_space<vmem>>, vector<1x16xf32>,
      %parallel_loop3A_416 = vector.shape_cast %parallel_loop3A_415 : vector<1x16xf32> to vector<16xf32>
      %parallel_loop3A_417 = arith.constant 7 : i32
      %parallel_loop3A_418 = arith.constant 0 : i32
      %parallel_loop3A_419 = arith.constant 0 : i32
      %parallel_loop3A_420 = tpu.memref_slice %arg6[%parallel_loop3A_158, %parallel_loop3A_418, %parallel_loop3A_419] : memref<4x16x1024xf32, #tpu.memory_space<vmem>> -> memref<1x16x1024xf32, #tpu.memory_space<vmem>>
      %parallel_loop3A_421 = tpu.memref_squeeze %parallel_loop3A_420 : memref<1x16x1024xf32, #tpu.memory_space<vmem>> -> memref<16x1024xf32, #tpu.memory_space<vmem>>
      %parallel_loop3A_422 = arith.index_cast %parallel_loop3A_417 : i32 to index
      %parallel_loop3A_423 = arith.index_cast %parallel_loop3A_306 : i32 to index
      %parallel_loop3A_424 = tpu.vector_load %parallel_loop3A_421[%parallel_loop3A_422, %parallel_loop3A_423] {strides = array<i32>} : memref<16x1024xf32, #tpu.memory_space<vmem>>, vector<1x16xf32>,
      %parallel_loop3A_425 = vector.shape_cast %parallel_loop3A_424 : vector<1x16xf32> to vector<16xf32>
      %parallel_loop3A_426 = vector.shape_cast %parallel_loop3A_416 : vector<16xf32> to vector<1x16xf32>
      tpu.vector_store %parallel_loop3A_421[%parallel_loop3A_422, %parallel_loop3A_423], %parallel_loop3A_426 {add = true, strides = array<i32>} : memref<16x1024xf32, #tpu.memory_space<vmem>>, vector<1x16xf32>,
      %parallel_loop3A_427 = arith.constant 8 : i32
      %parallel_loop3A_428 = arith.index_cast %parallel_loop3A_427 : i32 to index
      %parallel_loop3A_429 = arith.index_cast %parallel_loop3A_306 : i32 to index
      %parallel_loop3A_430 = tpu.vector_load %arg5[%parallel_loop3A_428, %parallel_loop3A_429] {strides = array<i32>} : memref<16x1024xf32, #tpu.memory_space<vmem>>, vector<1x16xf32>,
      %parallel_loop3A_431 = vector.shape_cast %parallel_loop3A_430 : vector<1x16xf32> to vector<16xf32>
      %parallel_loop3A_432 = arith.constant 8 : i32
      %parallel_loop3A_433 = arith.constant 0 : i32
      %parallel_loop3A_434 = arith.constant 0 : i32
      %parallel_loop3A_435 = tpu.memref_slice %arg6[%parallel_loop3A_158, %parallel_loop3A_433, %parallel_loop3A_434] : memref<4x16x1024xf32, #tpu.memory_space<vmem>> -> memref<1x16x1024xf32, #tpu.memory_space<vmem>>
      %parallel_loop3A_436 = tpu.memref_squeeze %parallel_loop3A_435 : memref<1x16x1024xf32, #tpu.memory_space<vmem>> -> memref<16x1024xf32, #tpu.memory_space<vmem>>
      %parallel_loop3A_437 = arith.index_cast %parallel_loop3A_432 : i32 to index
      %parallel_loop3A_438 = arith.index_cast %parallel_loop3A_306 : i32 to index
      %parallel_loop3A_439 = tpu.vector_load %parallel_loop3A_436[%parallel_loop3A_437, %parallel_loop3A_438] {strides = array<i32>} : memref<16x1024xf32, #tpu.memory_space<vmem>>, vector<1x16xf32>,
      %parallel_loop3A_440 = vector.shape_cast %parallel_loop3A_439 : vector<1x16xf32> to vector<16xf32>
      %parallel_loop3A_441 = vector.shape_cast %parallel_loop3A_431 : vector<16xf32> to vector<1x16xf32>
      tpu.vector_store %parallel_loop3A_436[%parallel_loop3A_437, %parallel_loop3A_438], %parallel_loop3A_441 {add = true, strides = array<i32>} : memref<16x1024xf32, #tpu.memory_space<vmem>>, vector<1x16xf32>,
      %parallel_loop3A_442 = arith.constant 9 : i32
      %parallel_loop3A_443 = arith.index_cast %parallel_loop3A_442 : i32 to index
      %parallel_loop3A_444 = arith.index_cast %parallel_loop3A_306 : i32 to index
      %parallel_loop3A_445 = tpu.vector_load %arg5[%parallel_loop3A_443, %parallel_loop3A_444] {strides = array<i32>} : memref<16x1024xf32, #tpu.memory_space<vmem>>, vector<1x16xf32>,
      %parallel_loop3A_446 = vector.shape_cast %parallel_loop3A_445 : vector<1x16xf32> to vector<16xf32>
      %parallel_loop3A_447 = arith.constant 9 : i32
      %parallel_loop3A_448 = arith.constant 0 : i32
      %parallel_loop3A_449 = arith.constant 0 : i32
      %parallel_loop3A_450 = tpu.memref_slice %arg6[%parallel_loop3A_158, %parallel_loop3A_448, %parallel_loop3A_449] : memref<4x16x1024xf32, #tpu.memory_space<vmem>> -> memref<1x16x1024xf32, #tpu.memory_space<vmem>>
      %parallel_loop3A_451 = tpu.memref_squeeze %parallel_loop3A_450 : memref<1x16x1024xf32, #tpu.memory_space<vmem>> -> memref<16x1024xf32, #tpu.memory_space<vmem>>
      %parallel_loop3A_452 = arith.index_cast %parallel_loop3A_447 : i32 to index
      %parallel_loop3A_453 = arith.index_cast %parallel_loop3A_306 : i32 to index
      %parallel_loop3A_454 = tpu.vector_load %parallel_loop3A_451[%parallel_loop3A_452, %parallel_loop3A_453] {strides = array<i32>} : memref<16x1024xf32, #tpu.memory_space<vmem>>, vector<1x16xf32>,
      %parallel_loop3A_455 = vector.shape_cast %parallel_loop3A_454 : vector<1x16xf32> to vector<16xf32>
      %parallel_loop3A_456 = vector.shape_cast %parallel_loop3A_446 : vector<16xf32> to vector<1x16xf32>
      tpu.vector_store %parallel_loop3A_451[%parallel_loop3A_452, %parallel_loop3A_453], %parallel_loop3A_456 {add = true, strides = array<i32>} : memref<16x1024xf32, #tpu.memory_space<vmem>>, vector<1x16xf32>,
      %parallel_loop3A_457 = arith.constant 10 : i32
      %parallel_loop3A_458 = arith.index_cast %parallel_loop3A_457 : i32 to index
      %parallel_loop3A_459 = arith.index_cast %parallel_loop3A_306 : i32 to index
      %parallel_loop3A_460 = tpu.vector_load %arg5[%parallel_loop3A_458, %parallel_loop3A_459] {strides = array<i32>} : memref<16x1024xf32, #tpu.memory_space<vmem>>, vector<1x16xf32>,
      %parallel_loop3A_461 = vector.shape_cast %parallel_loop3A_460 : vector<1x16xf32> to vector<16xf32>
      %parallel_loop3A_462 = arith.constant 10 : i32
      %parallel_loop3A_463 = arith.constant 0 : i32
      %parallel_loop3A_464 = arith.constant 0 : i32
      %parallel_loop3A_465 = tpu.memref_slice %arg6[%parallel_loop3A_158, %parallel_loop3A_463, %parallel_loop3A_464] : memref<4x16x1024xf32, #tpu.memory_space<vmem>> -> memref<1x16x1024xf32, #tpu.memory_space<vmem>>
      %parallel_loop3A_466 = tpu.memref_squeeze %parallel_loop3A_465 : memref<1x16x1024xf32, #tpu.memory_space<vmem>> -> memref<16x1024xf32, #tpu.memory_space<vmem>>
      %parallel_loop3A_467 = arith.index_cast %parallel_loop3A_462 : i32 to index
      %parallel_loop3A_468 = arith.index_cast %parallel_loop3A_306 : i32 to index
      %parallel_loop3A_469 = tpu.vector_load %parallel_loop3A_466[%parallel_loop3A_467, %parallel_loop3A_468] {strides = array<i32>} : memref<16x1024xf32, #tpu.memory_space<vmem>>, vector<1x16xf32>,
      %parallel_loop3A_470 = vector.shape_cast %parallel_loop3A_469 : vector<1x16xf32> to vector<16xf32>
      %parallel_loop3A_471 = vector.shape_cast %parallel_loop3A_461 : vector<16xf32> to vector<1x16xf32>
      tpu.vector_store %parallel_loop3A_466[%parallel_loop3A_467, %parallel_loop3A_468], %parallel_loop3A_471 {add = true, strides = array<i32>} : memref<16x1024xf32, #tpu.memory_space<vmem>>, vector<1x16xf32>,
      %parallel_loop3A_472 = arith.constant 11 : i32
      %parallel_loop3A_473 = arith.index_cast %parallel_loop3A_472 : i32 to index
      %parallel_loop3A_474 = arith.index_cast %parallel_loop3A_306 : i32 to index
      %parallel_loop3A_475 = tpu.vector_load %arg5[%parallel_loop3A_473, %parallel_loop3A_474] {strides = array<i32>} : memref<16x1024xf32, #tpu.memory_space<vmem>>, vector<1x16xf32>,
      %parallel_loop3A_476 = vector.shape_cast %parallel_loop3A_475 : vector<1x16xf32> to vector<16xf32>
      %parallel_loop3A_477 = arith.constant 11 : i32
      %parallel_loop3A_478 = arith.constant 0 : i32
      %parallel_loop3A_479 = arith.constant 0 : i32
      %parallel_loop3A_480 = tpu.memref_slice %arg6[%parallel_loop3A_158, %parallel_loop3A_478, %parallel_loop3A_479] : memref<4x16x1024xf32, #tpu.memory_space<vmem>> -> memref<1x16x1024xf32, #tpu.memory_space<vmem>>
      %parallel_loop3A_481 = tpu.memref_squeeze %parallel_loop3A_480 : memref<1x16x1024xf32, #tpu.memory_space<vmem>> -> memref<16x1024xf32, #tpu.memory_space<vmem>>
      %parallel_loop3A_482 = arith.index_cast %parallel_loop3A_477 : i32 to index
      %parallel_loop3A_483 = arith.index_cast %parallel_loop3A_306 : i32 to index
      %parallel_loop3A_484 = tpu.vector_load %parallel_loop3A_481[%parallel_loop3A_482, %parallel_loop3A_483] {strides = array<i32>} : memref<16x1024xf32, #tpu.memory_space<vmem>>, vector<1x16xf32>,
      %parallel_loop3A_485 = vector.shape_cast %parallel_loop3A_484 : vector<1x16xf32> to vector<16xf32>
      %parallel_loop3A_486 = vector.shape_cast %parallel_loop3A_476 : vector<16xf32> to vector<1x16xf32>
      tpu.vector_store %parallel_loop3A_481[%parallel_loop3A_482, %parallel_loop3A_483], %parallel_loop3A_486 {add = true, strides = array<i32>} : memref<16x1024xf32, #tpu.memory_space<vmem>>, vector<1x16xf32>,
      %parallel_loop3A_487 = arith.constant 12 : i32
      %parallel_loop3A_488 = arith.index_cast %parallel_loop3A_487 : i32 to index
      %parallel_loop3A_489 = arith.index_cast %parallel_loop3A_306 : i32 to index
      %parallel_loop3A_490 = tpu.vector_load %arg5[%parallel_loop3A_488, %parallel_loop3A_489] {strides = array<i32>} : memref<16x1024xf32, #tpu.memory_space<vmem>>, vector<1x16xf32>,
      %parallel_loop3A_491 = vector.shape_cast %parallel_loop3A_490 : vector<1x16xf32> to vector<16xf32>
      %parallel_loop3A_492 = arith.constant 12 : i32
      %parallel_loop3A_493 = arith.constant 0 : i32
      %parallel_loop3A_494 = arith.constant 0 : i32
      %parallel_loop3A_495 = tpu.memref_slice %arg6[%parallel_loop3A_158, %parallel_loop3A_493, %parallel_loop3A_494] : memref<4x16x1024xf32, #tpu.memory_space<vmem>> -> memref<1x16x1024xf32, #tpu.memory_space<vmem>>
      %parallel_loop3A_496 = tpu.memref_squeeze %parallel_loop3A_495 : memref<1x16x1024xf32, #tpu.memory_space<vmem>> -> memref<16x1024xf32, #tpu.memory_space<vmem>>
      %parallel_loop3A_497 = arith.index_cast %parallel_loop3A_492 : i32 to index
      %parallel_loop3A_498 = arith.index_cast %parallel_loop3A_306 : i32 to index
      %parallel_loop3A_499 = tpu.vector_load %parallel_loop3A_496[%parallel_loop3A_497, %parallel_loop3A_498] {strides = array<i32>} : memref<16x1024xf32, #tpu.memory_space<vmem>>, vector<1x16xf32>,
      %parallel_loop3A_500 = vector.shape_cast %parallel_loop3A_499 : vector<1x16xf32> to vector<16xf32>
      %parallel_loop3A_501 = vector.shape_cast %parallel_loop3A_491 : vector<16xf32> to vector<1x16xf32>
      tpu.vector_store %parallel_loop3A_496[%parallel_loop3A_497, %parallel_loop3A_498], %parallel_loop3A_501 {add = true, strides = array<i32>} : memref<16x1024xf32, #tpu.memory_space<vmem>>, vector<1x16xf32>,
      %parallel_loop3A_502 = arith.constant 13 : i32
      %parallel_loop3A_503 = arith.index_cast %parallel_loop3A_502 : i32 to index
      %parallel_loop3A_504 = arith.index_cast %parallel_loop3A_306 : i32 to index
      %parallel_loop3A_505 = tpu.vector_load %arg5[%parallel_loop3A_503, %parallel_loop3A_504] {strides = array<i32>} : memref<16x1024xf32, #tpu.memory_space<vmem>>, vector<1x16xf32>,
      %parallel_loop3A_506 = vector.shape_cast %parallel_loop3A_505 : vector<1x16xf32> to vector<16xf32>
      %parallel_loop3A_507 = arith.constant 13 : i32
      %parallel_loop3A_508 = arith.constant 0 : i32
      %parallel_loop3A_509 = arith.constant 0 : i32
      %parallel_loop3A_510 = tpu.memref_slice %arg6[%parallel_loop3A_158, %parallel_loop3A_508, %parallel_loop3A_509] : memref<4x16x1024xf32, #tpu.memory_space<vmem>> -> memref<1x16x1024xf32, #tpu.memory_space<vmem>>
      %parallel_loop3A_511 = tpu.memref_squeeze %parallel_loop3A_510 : memref<1x16x1024xf32, #tpu.memory_space<vmem>> -> memref<16x1024xf32, #tpu.memory_space<vmem>>
      %parallel_loop3A_512 = arith.index_cast %parallel_loop3A_507 : i32 to index
      %parallel_loop3A_513 = arith.index_cast %parallel_loop3A_306 : i32 to index
      %parallel_loop3A_514 = tpu.vector_load %parallel_loop3A_511[%parallel_loop3A_512, %parallel_loop3A_513] {strides = array<i32>} : memref<16x1024xf32, #tpu.memory_space<vmem>>, vector<1x16xf32>,
      %parallel_loop3A_515 = vector.shape_cast %parallel_loop3A_514 : vector<1x16xf32> to vector<16xf32>
      %parallel_loop3A_516 = vector.shape_cast %parallel_loop3A_506 : vector<16xf32> to vector<1x16xf32>
      tpu.vector_store %parallel_loop3A_511[%parallel_loop3A_512, %parallel_loop3A_513], %parallel_loop3A_516 {add = true, strides = array<i32>} : memref<16x1024xf32, #tpu.memory_space<vmem>>, vector<1x16xf32>,
      %parallel_loop3A_517 = arith.constant 14 : i32
      %parallel_loop3A_518 = arith.index_cast %parallel_loop3A_517 : i32 to index
      %parallel_loop3A_519 = arith.index_cast %parallel_loop3A_306 : i32 to index
      %parallel_loop3A_520 = tpu.vector_load %arg5[%parallel_loop3A_518, %parallel_loop3A_519] {strides = array<i32>} : memref<16x1024xf32, #tpu.memory_space<vmem>>, vector<1x16xf32>,
      %parallel_loop3A_521 = vector.shape_cast %parallel_loop3A_520 : vector<1x16xf32> to vector<16xf32>
      %parallel_loop3A_522 = arith.constant 14 : i32
      %parallel_loop3A_523 = arith.constant 0 : i32
      %parallel_loop3A_524 = arith.constant 0 : i32
      %parallel_loop3A_525 = tpu.memref_slice %arg6[%parallel_loop3A_158, %parallel_loop3A_523, %parallel_loop3A_524] : memref<4x16x1024xf32, #tpu.memory_space<vmem>> -> memref<1x16x1024xf32, #tpu.memory_space<vmem>>
      %parallel_loop3A_526 = tpu.memref_squeeze %parallel_loop3A_525 : memref<1x16x1024xf32, #tpu.memory_space<vmem>> -> memref<16x1024xf32, #tpu.memory_space<vmem>>
      %parallel_loop3A_527 = arith.index_cast %parallel_loop3A_522 : i32 to index
      %parallel_loop3A_528 = arith.index_cast %parallel_loop3A_306 : i32 to index
      %parallel_loop3A_529 = tpu.vector_load %parallel_loop3A_526[%parallel_loop3A_527, %parallel_loop3A_528] {strides = array<i32>} : memref<16x1024xf32, #tpu.memory_space<vmem>>, vector<1x16xf32>,
      %parallel_loop3A_530 = vector.shape_cast %parallel_loop3A_529 : vector<1x16xf32> to vector<16xf32>
      %parallel_loop3A_531 = vector.shape_cast %parallel_loop3A_521 : vector<16xf32> to vector<1x16xf32>
      tpu.vector_store %parallel_loop3A_526[%parallel_loop3A_527, %parallel_loop3A_528], %parallel_loop3A_531 {add = true, strides = array<i32>} : memref<16x1024xf32, #tpu.memory_space<vmem>>, vector<1x16xf32>,
      %parallel_loop3A_532 = arith.constant 15 : i32
      %parallel_loop3A_533 = arith.index_cast %parallel_loop3A_532 : i32 to index
      %parallel_loop3A_534 = arith.index_cast %parallel_loop3A_306 : i32 to index
      %parallel_loop3A_535 = tpu.vector_load %arg5[%parallel_loop3A_533, %parallel_loop3A_534] {strides = array<i32>} : memref<16x1024xf32, #tpu.memory_space<vmem>>, vector<1x16xf32>,
      %parallel_loop3A_536 = vector.shape_cast %parallel_loop3A_535 : vector<1x16xf32> to vector<16xf32>
      %parallel_loop3A_537 = arith.constant 15 : i32
      %parallel_loop3A_538 = arith.constant 0 : i32
      %parallel_loop3A_539 = arith.constant 0 : i32
      %parallel_loop3A_540 = tpu.memref_slice %arg6[%parallel_loop3A_158, %parallel_loop3A_538, %parallel_loop3A_539] : memref<4x16x1024xf32, #tpu.memory_space<vmem>> -> memref<1x16x1024xf32, #tpu.memory_space<vmem>>
      %parallel_loop3A_541 = tpu.memref_squeeze %parallel_loop3A_540 : memref<1x16x1024xf32, #tpu.memory_space<vmem>> -> memref<16x1024xf32, #tpu.memory_space<vmem>>
      %parallel_loop3A_542 = arith.index_cast %parallel_loop3A_537 : i32 to index
      %parallel_loop3A_543 = arith.index_cast %parallel_loop3A_306 : i32 to index
      %parallel_loop3A_544 = tpu.vector_load %parallel_loop3A_541[%parallel_loop3A_542, %parallel_loop3A_543] {strides = array<i32>} : memref<16x1024xf32, #tpu.memory_space<vmem>>, vector<1x16xf32>,
      %parallel_loop3A_545 = vector.shape_cast %parallel_loop3A_544 : vector<1x16xf32> to vector<16xf32>
      %parallel_loop3A_546 = vector.shape_cast %parallel_loop3A_536 : vector<16xf32> to vector<1x16xf32>
      tpu.vector_store %parallel_loop3A_541[%parallel_loop3A_542, %parallel_loop3A_543], %parallel_loop3A_546 {add = true, strides = array<i32>} : memref<16x1024xf32, #tpu.memory_space<vmem>>, vector<1x16xf32>,
    } {sc.loop_unroll_factor = 2 : i64, sc.parallel_access}
    %add3A_159 = arith.constant 0 : i32
    %add3A_160 = arith.addi %mul3A_2, %add3A_159 : i32
    %dma_start3A_161 = arith.constant 1 : i32
    %dma_start3A_162 = arith.constant 1 : i32
    %dma_start3A_163 = arith.constant 1 : i32
    %dma_start3A_164 = arith.constant 0 : i32
    %dma_start3A_165 = arith.constant 0 : i32
    %dma_start3A_166 = tpu.memref_slice %arg6[%dma_start3A_161, %dma_start3A_164, %dma_start3A_165] : memref<4x16x1024xf32, #tpu.memory_space<vmem>> -> memref<1x16x1024xf32, #tpu.memory_space<vmem>>
    %dma_start3A_167 = tpu.memref_squeeze %dma_start3A_166 : memref<1x16x1024xf32, #tpu.memory_space<vmem>> -> memref<16x1024xf32, #tpu.memory_space<vmem>>
    %dma_start3A_168 = arith.constant 0 : i32
    %dma_start3A_169 = tpu.memref_slice %arg4[%dma_start3A_162, %add3A_160, %dma_start3A_168] : memref<4x512x1024xf32, #tpu.memory_space<hbm>> -> memref<1x16x1024xf32, #tpu.memory_space<hbm>>
    %dma_start3A_170 = tpu.memref_squeeze %dma_start3A_169 : memref<1x16x1024xf32, #tpu.memory_space<hbm>> -> memref<16x1024xf32, #tpu.memory_space<hbm>>
    %dma_start3A_171 = tpu.memref_slice %arg9[%dma_start3A_163] : memref<4x!tpu.dma_semaphore, #tpu.memory_space<semaphore_mem>> -> memref<1x!tpu.dma_semaphore, #tpu.memory_space<semaphore_mem>>
    %dma_start3A_172 = tpu.memref_squeeze %dma_start3A_171 : memref<1x!tpu.dma_semaphore, #tpu.memory_space<semaphore_mem>> -> memref<!tpu.dma_semaphore, #tpu.memory_space<semaphore_mem>>
    %dma_start3A_173 = arith.constant 0 : i32
    %dma_start3A_174 = tpu.memref_slice %arg4[%dma_start3A_162, %add3A_160, %dma_start3A_173] : memref<4x512x1024xf32, #tpu.memory_space<hbm>> -> memref<1x16x1024xf32, #tpu.memory_space<hbm>>
    %dma_start3A_175 = tpu.memref_squeeze %dma_start3A_174 : memref<1x16x1024xf32, #tpu.memory_space<hbm>> -> memref<16x1024xf32, #tpu.memory_space<hbm>>
    %dma_start3A_176 = arith.constant 0 : i32
    %dma_start3A_177 = arith.constant 0 : i32
    %dma_start3A_178 = tpu.memref_slice %arg6[%dma_start3A_161, %dma_start3A_176, %dma_start3A_177] : memref<4x16x1024xf32, #tpu.memory_space<vmem>> -> memref<1x16x1024xf32, #tpu.memory_space<vmem>>
    %dma_start3A_179 = tpu.memref_squeeze %dma_start3A_178 : memref<1x16x1024xf32, #tpu.memory_space<vmem>> -> memref<16x1024xf32, #tpu.memory_space<vmem>>
    tpu.enqueue_dma source(%dma_start3A_179 : memref<16x1024xf32, #tpu.memory_space<vmem>>) target(%dma_start3A_175 : memref<16x1024xf32, #tpu.memory_space<hbm>>) target_semaphore(%dma_start3A_172 : memref<!tpu.dma_semaphore, #tpu.memory_space<semaphore_mem>>)
    %dma_wait3A_180 = arith.constant 2 : i32
    %dma_wait3A_181 = arith.constant 2 : i32
    %dma_wait3A_182 = arith.constant 2 : i32
    %dma_wait3A_183 = arith.constant 0 : i32
    %dma_wait3A_184 = arith.constant 0 : i32
    %dma_wait3A_185 = tpu.memref_slice %arg6[%dma_wait3A_181, %dma_wait3A_183, %dma_wait3A_184] : memref<4x16x1024xf32, #tpu.memory_space<vmem>> -> memref<1x16x1024xf32, #tpu.memory_space<vmem>>
    %dma_wait3A_186 = tpu.memref_squeeze %dma_wait3A_185 : memref<1x16x1024xf32, #tpu.memory_space<vmem>> -> memref<16x1024xf32, #tpu.memory_space<vmem>>
    %dma_wait3A_187 = arith.constant 0 : i32
    %dma_wait3A_188 = tpu.memref_slice %arg2[%dma_wait3A_180, %add3A_49, %dma_wait3A_187] : memref<4x2048x1024xf32, #tpu.memory_space<hbm>> -> memref<1x16x1024xf32, #tpu.memory_space<hbm>>
    %dma_wait3A_189 = tpu.memref_squeeze %dma_wait3A_188 : memref<1x16x1024xf32, #tpu.memory_space<hbm>> -> memref<16x1024xf32, #tpu.memory_space<hbm>>
    %dma_wait3A_190 = tpu.memref_slice %arg8[%dma_wait3A_182] : memref<4x!tpu.dma_semaphore, #tpu.memory_space<semaphore_mem>> -> memref<1x!tpu.dma_semaphore, #tpu.memory_space<semaphore_mem>>
    %dma_wait3A_191 = tpu.memref_squeeze %dma_wait3A_190 : memref<1x!tpu.dma_semaphore, #tpu.memory_space<semaphore_mem>> -> memref<!tpu.dma_semaphore, #tpu.memory_space<semaphore_mem>>
    %dma_wait3A_192 = arith.constant 0 : i32
    %dma_wait3A_193 = arith.constant 0 : i32
    %dma_wait3A_194 = tpu.memref_slice %arg6[%dma_wait3A_181, %dma_wait3A_192, %dma_wait3A_193] : memref<4x16x1024xf32, #tpu.memory_space<vmem>> -> memref<1x16x1024xf32, #tpu.memory_space<vmem>>
    %dma_wait3A_195 = tpu.memref_squeeze %dma_wait3A_194 : memref<1x16x1024xf32, #tpu.memory_space<vmem>> -> memref<16x1024xf32, #tpu.memory_space<vmem>>
    %dma_wait3A_196 = arith.constant 0 : i32
    %dma_wait3A_197 = tpu.memref_slice %arg2[%dma_wait3A_180, %add3A_49, %dma_wait3A_196] : memref<4x2048x1024xf32, #tpu.memory_space<hbm>> -> memref<1x16x1024xf32, #tpu.memory_space<hbm>>
    %dma_wait3A_198 = tpu.memref_squeeze %dma_wait3A_197 : memref<1x16x1024xf32, #tpu.memory_space<hbm>> -> memref<16x1024xf32, #tpu.memory_space<hbm>>
    tpu.wait_dma2 semaphore(%dma_wait3A_191 : memref<!tpu.dma_semaphore, #tpu.memory_space<semaphore_mem>>) src(%dma_wait3A_198 : memref<16x1024xf32, #tpu.memory_space<hbm>>) dst(%dma_wait3A_195 : memref<16x1024xf32, #tpu.memory_space<vmem>>)
    %parallel_loop3A_199 = arith.constant 0 : i32
    %parallel_loop3A_200 = arith.constant 1024 : i32
    %parallel_loop3A_201 = arith.constant 16 : i32
    %parallel_loop3A_202 = arith.constant 2 : i32
    scf.for %parallel_loop3A_306 = %parallel_loop3A_199 to %parallel_loop3A_200 step %parallel_loop3A_201  : i32 {
      %parallel_loop3A_307 = arith.constant 0 : i32
      %parallel_loop3A_308 = arith.index_cast %parallel_loop3A_307 : i32 to index
      %parallel_loop3A_309 = arith.index_cast %parallel_loop3A_306 : i32 to index
      %parallel_loop3A_310 = tpu.vector_load %arg5[%parallel_loop3A_308, %parallel_loop3A_309] {strides = array<i32>} : memref<16x1024xf32, #tpu.memory_space<vmem>>, vector<1x16xf32>,
      %parallel_loop3A_311 = vector.shape_cast %parallel_loop3A_310 : vector<1x16xf32> to vector<16xf32>
      %parallel_loop3A_312 = arith.constant 0 : i32
      %parallel_loop3A_313 = arith.constant 0 : i32
      %parallel_loop3A_314 = arith.constant 0 : i32
      %parallel_loop3A_315 = tpu.memref_slice %arg6[%parallel_loop3A_202, %parallel_loop3A_313, %parallel_loop3A_314] : memref<4x16x1024xf32, #tpu.memory_space<vmem>> -> memref<1x16x1024xf32, #tpu.memory_space<vmem>>
      %parallel_loop3A_316 = tpu.memref_squeeze %parallel_loop3A_315 : memref<1x16x1024xf32, #tpu.memory_space<vmem>> -> memref<16x1024xf32, #tpu.memory_space<vmem>>
      %parallel_loop3A_317 = arith.index_cast %parallel_loop3A_312 : i32 to index
      %parallel_loop3A_318 = arith.index_cast %parallel_loop3A_306 : i32 to index
      %parallel_loop3A_319 = tpu.vector_load %parallel_loop3A_316[%parallel_loop3A_317, %parallel_loop3A_318] {strides = array<i32>} : memref<16x1024xf32, #tpu.memory_space<vmem>>, vector<1x16xf32>,
      %parallel_loop3A_320 = vector.shape_cast %parallel_loop3A_319 : vector<1x16xf32> to vector<16xf32>
      %parallel_loop3A_321 = vector.shape_cast %parallel_loop3A_311 : vector<16xf32> to vector<1x16xf32>
      tpu.vector_store %parallel_loop3A_316[%parallel_loop3A_317, %parallel_loop3A_318], %parallel_loop3A_321 {add = true, strides = array<i32>} : memref<16x1024xf32, #tpu.memory_space<vmem>>, vector<1x16xf32>,
      %parallel_loop3A_322 = arith.constant 1 : i32
      %parallel_loop3A_323 = arith.index_cast %parallel_loop3A_322 : i32 to index
      %parallel_loop3A_324 = arith.index_cast %parallel_loop3A_306 : i32 to index
      %parallel_loop3A_325 = tpu.vector_load %arg5[%parallel_loop3A_323, %parallel_loop3A_324] {strides = array<i32>} : memref<16x1024xf32, #tpu.memory_space<vmem>>, vector<1x16xf32>,
      %parallel_loop3A_326 = vector.shape_cast %parallel_loop3A_325 : vector<1x16xf32> to vector<16xf32>
      %parallel_loop3A_327 = arith.constant 1 : i32
      %parallel_loop3A_328 = arith.constant 0 : i32
      %parallel_loop3A_329 = arith.constant 0 : i32
      %parallel_loop3A_330 = tpu.memref_slice %arg6[%parallel_loop3A_202, %parallel_loop3A_328, %parallel_loop3A_329] : memref<4x16x1024xf32, #tpu.memory_space<vmem>> -> memref<1x16x1024xf32, #tpu.memory_space<vmem>>
      %parallel_loop3A_331 = tpu.memref_squeeze %parallel_loop3A_330 : memref<1x16x1024xf32, #tpu.memory_space<vmem>> -> memref<16x1024xf32, #tpu.memory_space<vmem>>
      %parallel_loop3A_332 = arith.index_cast %parallel_loop3A_327 : i32 to index
      %parallel_loop3A_333 = arith.index_cast %parallel_loop3A_306 : i32 to index
      %parallel_loop3A_334 = tpu.vector_load %parallel_loop3A_331[%parallel_loop3A_332, %parallel_loop3A_333] {strides = array<i32>} : memref<16x1024xf32, #tpu.memory_space<vmem>>, vector<1x16xf32>,
      %parallel_loop3A_335 = vector.shape_cast %parallel_loop3A_334 : vector<1x16xf32> to vector<16xf32>
      %parallel_loop3A_336 = vector.shape_cast %parallel_loop3A_326 : vector<16xf32> to vector<1x16xf32>
      tpu.vector_store %parallel_loop3A_331[%parallel_loop3A_332, %parallel_loop3A_333], %parallel_loop3A_336 {add = true, strides = array<i32>} : memref<16x1024xf32, #tpu.memory_space<vmem>>, vector<1x16xf32>,
      %parallel_loop3A_337 = arith.constant 2 : i32
      %parallel_loop3A_338 = arith.index_cast %parallel_loop3A_337 : i32 to index
      %parallel_loop3A_339 = arith.index_cast %parallel_loop3A_306 : i32 to index
      %parallel_loop3A_340 = tpu.vector_load %arg5[%parallel_loop3A_338, %parallel_loop3A_339] {strides = array<i32>} : memref<16x1024xf32, #tpu.memory_space<vmem>>, vector<1x16xf32>,
      %parallel_loop3A_341 = vector.shape_cast %parallel_loop3A_340 : vector<1x16xf32> to vector<16xf32>
      %parallel_loop3A_342 = arith.constant 2 : i32
      %parallel_loop3A_343 = arith.constant 0 : i32
      %parallel_loop3A_344 = arith.constant 0 : i32
      %parallel_loop3A_345 = tpu.memref_slice %arg6[%parallel_loop3A_202, %parallel_loop3A_343, %parallel_loop3A_344] : memref<4x16x1024xf32, #tpu.memory_space<vmem>> -> memref<1x16x1024xf32, #tpu.memory_space<vmem>>
      %parallel_loop3A_346 = tpu.memref_squeeze %parallel_loop3A_345 : memref<1x16x1024xf32, #tpu.memory_space<vmem>> -> memref<16x1024xf32, #tpu.memory_space<vmem>>
      %parallel_loop3A_347 = arith.index_cast %parallel_loop3A_342 : i32 to index
      %parallel_loop3A_348 = arith.index_cast %parallel_loop3A_306 : i32 to index
      %parallel_loop3A_349 = tpu.vector_load %parallel_loop3A_346[%parallel_loop3A_347, %parallel_loop3A_348] {strides = array<i32>} : memref<16x1024xf32, #tpu.memory_space<vmem>>, vector<1x16xf32>,
      %parallel_loop3A_350 = vector.shape_cast %parallel_loop3A_349 : vector<1x16xf32> to vector<16xf32>
      %parallel_loop3A_351 = vector.shape_cast %parallel_loop3A_341 : vector<16xf32> to vector<1x16xf32>
      tpu.vector_store %parallel_loop3A_346[%parallel_loop3A_347, %parallel_loop3A_348], %parallel_loop3A_351 {add = true, strides = array<i32>} : memref<16x1024xf32, #tpu.memory_space<vmem>>, vector<1x16xf32>,
      %parallel_loop3A_352 = arith.constant 3 : i32
      %parallel_loop3A_353 = arith.index_cast %parallel_loop3A_352 : i32 to index
      %parallel_loop3A_354 = arith.index_cast %parallel_loop3A_306 : i32 to index
      %parallel_loop3A_355 = tpu.vector_load %arg5[%parallel_loop3A_353, %parallel_loop3A_354] {strides = array<i32>} : memref<16x1024xf32, #tpu.memory_space<vmem>>, vector<1x16xf32>,
      %parallel_loop3A_356 = vector.shape_cast %parallel_loop3A_355 : vector<1x16xf32> to vector<16xf32>
      %parallel_loop3A_357 = arith.constant 3 : i32
      %parallel_loop3A_358 = arith.constant 0 : i32
      %parallel_loop3A_359 = arith.constant 0 : i32
      %parallel_loop3A_360 = tpu.memref_slice %arg6[%parallel_loop3A_202, %parallel_loop3A_358, %parallel_loop3A_359] : memref<4x16x1024xf32, #tpu.memory_space<vmem>> -> memref<1x16x1024xf32, #tpu.memory_space<vmem>>
      %parallel_loop3A_361 = tpu.memref_squeeze %parallel_loop3A_360 : memref<1x16x1024xf32, #tpu.memory_space<vmem>> -> memref<16x1024xf32, #tpu.memory_space<vmem>>
      %parallel_loop3A_362 = arith.index_cast %parallel_loop3A_357 : i32 to index
      %parallel_loop3A_363 = arith.index_cast %parallel_loop3A_306 : i32 to index
      %parallel_loop3A_364 = tpu.vector_load %parallel_loop3A_361[%parallel_loop3A_362, %parallel_loop3A_363] {strides = array<i32>} : memref<16x1024xf32, #tpu.memory_space<vmem>>, vector<1x16xf32>,
      %parallel_loop3A_365 = vector.shape_cast %parallel_loop3A_364 : vector<1x16xf32> to vector<16xf32>
      %parallel_loop3A_366 = vector.shape_cast %parallel_loop3A_356 : vector<16xf32> to vector<1x16xf32>
      tpu.vector_store %parallel_loop3A_361[%parallel_loop3A_362, %parallel_loop3A_363], %parallel_loop3A_366 {add = true, strides = array<i32>} : memref<16x1024xf32, #tpu.memory_space<vmem>>, vector<1x16xf32>,
      %parallel_loop3A_367 = arith.constant 4 : i32
      %parallel_loop3A_368 = arith.index_cast %parallel_loop3A_367 : i32 to index
      %parallel_loop3A_369 = arith.index_cast %parallel_loop3A_306 : i32 to index
      %parallel_loop3A_370 = tpu.vector_load %arg5[%parallel_loop3A_368, %parallel_loop3A_369] {strides = array<i32>} : memref<16x1024xf32, #tpu.memory_space<vmem>>, vector<1x16xf32>,
      %parallel_loop3A_371 = vector.shape_cast %parallel_loop3A_370 : vector<1x16xf32> to vector<16xf32>
      %parallel_loop3A_372 = arith.constant 4 : i32
      %parallel_loop3A_373 = arith.constant 0 : i32
      %parallel_loop3A_374 = arith.constant 0 : i32
      %parallel_loop3A_375 = tpu.memref_slice %arg6[%parallel_loop3A_202, %parallel_loop3A_373, %parallel_loop3A_374] : memref<4x16x1024xf32, #tpu.memory_space<vmem>> -> memref<1x16x1024xf32, #tpu.memory_space<vmem>>
      %parallel_loop3A_376 = tpu.memref_squeeze %parallel_loop3A_375 : memref<1x16x1024xf32, #tpu.memory_space<vmem>> -> memref<16x1024xf32, #tpu.memory_space<vmem>>
      %parallel_loop3A_377 = arith.index_cast %parallel_loop3A_372 : i32 to index
      %parallel_loop3A_378 = arith.index_cast %parallel_loop3A_306 : i32 to index
      %parallel_loop3A_379 = tpu.vector_load %parallel_loop3A_376[%parallel_loop3A_377, %parallel_loop3A_378] {strides = array<i32>} : memref<16x1024xf32, #tpu.memory_space<vmem>>, vector<1x16xf32>,
      %parallel_loop3A_380 = vector.shape_cast %parallel_loop3A_379 : vector<1x16xf32> to vector<16xf32>
      %parallel_loop3A_381 = vector.shape_cast %parallel_loop3A_371 : vector<16xf32> to vector<1x16xf32>
      tpu.vector_store %parallel_loop3A_376[%parallel_loop3A_377, %parallel_loop3A_378], %parallel_loop3A_381 {add = true, strides = array<i32>} : memref<16x1024xf32, #tpu.memory_space<vmem>>, vector<1x16xf32>,
      %parallel_loop3A_382 = arith.constant 5 : i32
      %parallel_loop3A_383 = arith.index_cast %parallel_loop3A_382 : i32 to index
      %parallel_loop3A_384 = arith.index_cast %parallel_loop3A_306 : i32 to index
      %parallel_loop3A_385 = tpu.vector_load %arg5[%parallel_loop3A_383, %parallel_loop3A_384] {strides = array<i32>} : memref<16x1024xf32, #tpu.memory_space<vmem>>, vector<1x16xf32>,
      %parallel_loop3A_386 = vector.shape_cast %parallel_loop3A_385 : vector<1x16xf32> to vector<16xf32>
      %parallel_loop3A_387 = arith.constant 5 : i32
      %parallel_loop3A_388 = arith.constant 0 : i32
      %parallel_loop3A_389 = arith.constant 0 : i32
      %parallel_loop3A_390 = tpu.memref_slice %arg6[%parallel_loop3A_202, %parallel_loop3A_388, %parallel_loop3A_389] : memref<4x16x1024xf32, #tpu.memory_space<vmem>> -> memref<1x16x1024xf32, #tpu.memory_space<vmem>>
      %parallel_loop3A_391 = tpu.memref_squeeze %parallel_loop3A_390 : memref<1x16x1024xf32, #tpu.memory_space<vmem>> -> memref<16x1024xf32, #tpu.memory_space<vmem>>
      %parallel_loop3A_392 = arith.index_cast %parallel_loop3A_387 : i32 to index
      %parallel_loop3A_393 = arith.index_cast %parallel_loop3A_306 : i32 to index
      %parallel_loop3A_394 = tpu.vector_load %parallel_loop3A_391[%parallel_loop3A_392, %parallel_loop3A_393] {strides = array<i32>} : memref<16x1024xf32, #tpu.memory_space<vmem>>, vector<1x16xf32>,
      %parallel_loop3A_395 = vector.shape_cast %parallel_loop3A_394 : vector<1x16xf32> to vector<16xf32>
      %parallel_loop3A_396 = vector.shape_cast %parallel_loop3A_386 : vector<16xf32> to vector<1x16xf32>
      tpu.vector_store %parallel_loop3A_391[%parallel_loop3A_392, %parallel_loop3A_393], %parallel_loop3A_396 {add = true, strides = array<i32>} : memref<16x1024xf32, #tpu.memory_space<vmem>>, vector<1x16xf32>,
      %parallel_loop3A_397 = arith.constant 6 : i32
      %parallel_loop3A_398 = arith.index_cast %parallel_loop3A_397 : i32 to index
      %parallel_loop3A_399 = arith.index_cast %parallel_loop3A_306 : i32 to index
      %parallel_loop3A_400 = tpu.vector_load %arg5[%parallel_loop3A_398, %parallel_loop3A_399] {strides = array<i32>} : memref<16x1024xf32, #tpu.memory_space<vmem>>, vector<1x16xf32>,
      %parallel_loop3A_401 = vector.shape_cast %parallel_loop3A_400 : vector<1x16xf32> to vector<16xf32>
      %parallel_loop3A_402 = arith.constant 6 : i32
      %parallel_loop3A_403 = arith.constant 0 : i32
      %parallel_loop3A_404 = arith.constant 0 : i32
      %parallel_loop3A_405 = tpu.memref_slice %arg6[%parallel_loop3A_202, %parallel_loop3A_403, %parallel_loop3A_404] : memref<4x16x1024xf32, #tpu.memory_space<vmem>> -> memref<1x16x1024xf32, #tpu.memory_space<vmem>>
      %parallel_loop3A_406 = tpu.memref_squeeze %parallel_loop3A_405 : memref<1x16x1024xf32, #tpu.memory_space<vmem>> -> memref<16x1024xf32, #tpu.memory_space<vmem>>
      %parallel_loop3A_407 = arith.index_cast %parallel_loop3A_402 : i32 to index
      %parallel_loop3A_408 = arith.index_cast %parallel_loop3A_306 : i32 to index
      %parallel_loop3A_409 = tpu.vector_load %parallel_loop3A_406[%parallel_loop3A_407, %parallel_loop3A_408] {strides = array<i32>} : memref<16x1024xf32, #tpu.memory_space<vmem>>, vector<1x16xf32>,
      %parallel_loop3A_410 = vector.shape_cast %parallel_loop3A_409 : vector<1x16xf32> to vector<16xf32>
      %parallel_loop3A_411 = vector.shape_cast %parallel_loop3A_401 : vector<16xf32> to vector<1x16xf32>
      tpu.vector_store %parallel_loop3A_406[%parallel_loop3A_407, %parallel_loop3A_408], %parallel_loop3A_411 {add = true, strides = array<i32>} : memref<16x1024xf32, #tpu.memory_space<vmem>>, vector<1x16xf32>,
      %parallel_loop3A_412 = arith.constant 7 : i32
      %parallel_loop3A_413 = arith.index_cast %parallel_loop3A_412 : i32 to index
      %parallel_loop3A_414 = arith.index_cast %parallel_loop3A_306 : i32 to index
      %parallel_loop3A_415 = tpu.vector_load %arg5[%parallel_loop3A_413, %parallel_loop3A_414] {strides = array<i32>} : memref<16x1024xf32, #tpu.memory_space<vmem>>, vector<1x16xf32>,
      %parallel_loop3A_416 = vector.shape_cast %parallel_loop3A_415 : vector<1x16xf32> to vector<16xf32>
      %parallel_loop3A_417 = arith.constant 7 : i32
      %parallel_loop3A_418 = arith.constant 0 : i32
      %parallel_loop3A_419 = arith.constant 0 : i32
      %parallel_loop3A_420 = tpu.memref_slice %arg6[%parallel_loop3A_202, %parallel_loop3A_418, %parallel_loop3A_419] : memref<4x16x1024xf32, #tpu.memory_space<vmem>> -> memref<1x16x1024xf32, #tpu.memory_space<vmem>>
      %parallel_loop3A_421 = tpu.memref_squeeze %parallel_loop3A_420 : memref<1x16x1024xf32, #tpu.memory_space<vmem>> -> memref<16x1024xf32, #tpu.memory_space<vmem>>
      %parallel_loop3A_422 = arith.index_cast %parallel_loop3A_417 : i32 to index
      %parallel_loop3A_423 = arith.index_cast %parallel_loop3A_306 : i32 to index
      %parallel_loop3A_424 = tpu.vector_load %parallel_loop3A_421[%parallel_loop3A_422, %parallel_loop3A_423] {strides = array<i32>} : memref<16x1024xf32, #tpu.memory_space<vmem>>, vector<1x16xf32>,
      %parallel_loop3A_425 = vector.shape_cast %parallel_loop3A_424 : vector<1x16xf32> to vector<16xf32>
      %parallel_loop3A_426 = vector.shape_cast %parallel_loop3A_416 : vector<16xf32> to vector<1x16xf32>
      tpu.vector_store %parallel_loop3A_421[%parallel_loop3A_422, %parallel_loop3A_423], %parallel_loop3A_426 {add = true, strides = array<i32>} : memref<16x1024xf32, #tpu.memory_space<vmem>>, vector<1x16xf32>,
      %parallel_loop3A_427 = arith.constant 8 : i32
      %parallel_loop3A_428 = arith.index_cast %parallel_loop3A_427 : i32 to index
      %parallel_loop3A_429 = arith.index_cast %parallel_loop3A_306 : i32 to index
      %parallel_loop3A_430 = tpu.vector_load %arg5[%parallel_loop3A_428, %parallel_loop3A_429] {strides = array<i32>} : memref<16x1024xf32, #tpu.memory_space<vmem>>, vector<1x16xf32>,
      %parallel_loop3A_431 = vector.shape_cast %parallel_loop3A_430 : vector<1x16xf32> to vector<16xf32>
      %parallel_loop3A_432 = arith.constant 8 : i32
      %parallel_loop3A_433 = arith.constant 0 : i32
      %parallel_loop3A_434 = arith.constant 0 : i32
      %parallel_loop3A_435 = tpu.memref_slice %arg6[%parallel_loop3A_202, %parallel_loop3A_433, %parallel_loop3A_434] : memref<4x16x1024xf32, #tpu.memory_space<vmem>> -> memref<1x16x1024xf32, #tpu.memory_space<vmem>>
      %parallel_loop3A_436 = tpu.memref_squeeze %parallel_loop3A_435 : memref<1x16x1024xf32, #tpu.memory_space<vmem>> -> memref<16x1024xf32, #tpu.memory_space<vmem>>
      %parallel_loop3A_437 = arith.index_cast %parallel_loop3A_432 : i32 to index
      %parallel_loop3A_438 = arith.index_cast %parallel_loop3A_306 : i32 to index
      %parallel_loop3A_439 = tpu.vector_load %parallel_loop3A_436[%parallel_loop3A_437, %parallel_loop3A_438] {strides = array<i32>} : memref<16x1024xf32, #tpu.memory_space<vmem>>, vector<1x16xf32>,
      %parallel_loop3A_440 = vector.shape_cast %parallel_loop3A_439 : vector<1x16xf32> to vector<16xf32>
      %parallel_loop3A_441 = vector.shape_cast %parallel_loop3A_431 : vector<16xf32> to vector<1x16xf32>
      tpu.vector_store %parallel_loop3A_436[%parallel_loop3A_437, %parallel_loop3A_438], %parallel_loop3A_441 {add = true, strides = array<i32>} : memref<16x1024xf32, #tpu.memory_space<vmem>>, vector<1x16xf32>,
      %parallel_loop3A_442 = arith.constant 9 : i32
      %parallel_loop3A_443 = arith.index_cast %parallel_loop3A_442 : i32 to index
      %parallel_loop3A_444 = arith.index_cast %parallel_loop3A_306 : i32 to index
      %parallel_loop3A_445 = tpu.vector_load %arg5[%parallel_loop3A_443, %parallel_loop3A_444] {strides = array<i32>} : memref<16x1024xf32, #tpu.memory_space<vmem>>, vector<1x16xf32>,
      %parallel_loop3A_446 = vector.shape_cast %parallel_loop3A_445 : vector<1x16xf32> to vector<16xf32>
      %parallel_loop3A_447 = arith.constant 9 : i32
      %parallel_loop3A_448 = arith.constant 0 : i32
      %parallel_loop3A_449 = arith.constant 0 : i32
      %parallel_loop3A_450 = tpu.memref_slice %arg6[%parallel_loop3A_202, %parallel_loop3A_448, %parallel_loop3A_449] : memref<4x16x1024xf32, #tpu.memory_space<vmem>> -> memref<1x16x1024xf32, #tpu.memory_space<vmem>>
      %parallel_loop3A_451 = tpu.memref_squeeze %parallel_loop3A_450 : memref<1x16x1024xf32, #tpu.memory_space<vmem>> -> memref<16x1024xf32, #tpu.memory_space<vmem>>
      %parallel_loop3A_452 = arith.index_cast %parallel_loop3A_447 : i32 to index
      %parallel_loop3A_453 = arith.index_cast %parallel_loop3A_306 : i32 to index
      %parallel_loop3A_454 = tpu.vector_load %parallel_loop3A_451[%parallel_loop3A_452, %parallel_loop3A_453] {strides = array<i32>} : memref<16x1024xf32, #tpu.memory_space<vmem>>, vector<1x16xf32>,
      %parallel_loop3A_455 = vector.shape_cast %parallel_loop3A_454 : vector<1x16xf32> to vector<16xf32>
      %parallel_loop3A_456 = vector.shape_cast %parallel_loop3A_446 : vector<16xf32> to vector<1x16xf32>
      tpu.vector_store %parallel_loop3A_451[%parallel_loop3A_452, %parallel_loop3A_453], %parallel_loop3A_456 {add = true, strides = array<i32>} : memref<16x1024xf32, #tpu.memory_space<vmem>>, vector<1x16xf32>,
      %parallel_loop3A_457 = arith.constant 10 : i32
      %parallel_loop3A_458 = arith.index_cast %parallel_loop3A_457 : i32 to index
      %parallel_loop3A_459 = arith.index_cast %parallel_loop3A_306 : i32 to index
      %parallel_loop3A_460 = tpu.vector_load %arg5[%parallel_loop3A_458, %parallel_loop3A_459] {strides = array<i32>} : memref<16x1024xf32, #tpu.memory_space<vmem>>, vector<1x16xf32>,
      %parallel_loop3A_461 = vector.shape_cast %parallel_loop3A_460 : vector<1x16xf32> to vector<16xf32>
      %parallel_loop3A_462 = arith.constant 10 : i32
      %parallel_loop3A_463 = arith.constant 0 : i32
      %parallel_loop3A_464 = arith.constant 0 : i32
      %parallel_loop3A_465 = tpu.memref_slice %arg6[%parallel_loop3A_202, %parallel_loop3A_463, %parallel_loop3A_464] : memref<4x16x1024xf32, #tpu.memory_space<vmem>> -> memref<1x16x1024xf32, #tpu.memory_space<vmem>>
      %parallel_loop3A_466 = tpu.memref_squeeze %parallel_loop3A_465 : memref<1x16x1024xf32, #tpu.memory_space<vmem>> -> memref<16x1024xf32, #tpu.memory_space<vmem>>
      %parallel_loop3A_467 = arith.index_cast %parallel_loop3A_462 : i32 to index
      %parallel_loop3A_468 = arith.index_cast %parallel_loop3A_306 : i32 to index
      %parallel_loop3A_469 = tpu.vector_load %parallel_loop3A_466[%parallel_loop3A_467, %parallel_loop3A_468] {strides = array<i32>} : memref<16x1024xf32, #tpu.memory_space<vmem>>, vector<1x16xf32>,
      %parallel_loop3A_470 = vector.shape_cast %parallel_loop3A_469 : vector<1x16xf32> to vector<16xf32>
      %parallel_loop3A_471 = vector.shape_cast %parallel_loop3A_461 : vector<16xf32> to vector<1x16xf32>
      tpu.vector_store %parallel_loop3A_466[%parallel_loop3A_467, %parallel_loop3A_468], %parallel_loop3A_471 {add = true, strides = array<i32>} : memref<16x1024xf32, #tpu.memory_space<vmem>>, vector<1x16xf32>,
      %parallel_loop3A_472 = arith.constant 11 : i32
      %parallel_loop3A_473 = arith.index_cast %parallel_loop3A_472 : i32 to index
      %parallel_loop3A_474 = arith.index_cast %parallel_loop3A_306 : i32 to index
      %parallel_loop3A_475 = tpu.vector_load %arg5[%parallel_loop3A_473, %parallel_loop3A_474] {strides = array<i32>} : memref<16x1024xf32, #tpu.memory_space<vmem>>, vector<1x16xf32>,
      %parallel_loop3A_476 = vector.shape_cast %parallel_loop3A_475 : vector<1x16xf32> to vector<16xf32>
      %parallel_loop3A_477 = arith.constant 11 : i32
      %parallel_loop3A_478 = arith.constant 0 : i32
      %parallel_loop3A_479 = arith.constant 0 : i32
      %parallel_loop3A_480 = tpu.memref_slice %arg6[%parallel_loop3A_202, %parallel_loop3A_478, %parallel_loop3A_479] : memref<4x16x1024xf32, #tpu.memory_space<vmem>> -> memref<1x16x1024xf32, #tpu.memory_space<vmem>>
      %parallel_loop3A_481 = tpu.memref_squeeze %parallel_loop3A_480 : memref<1x16x1024xf32, #tpu.memory_space<vmem>> -> memref<16x1024xf32, #tpu.memory_space<vmem>>
      %parallel_loop3A_482 = arith.index_cast %parallel_loop3A_477 : i32 to index
      %parallel_loop3A_483 = arith.index_cast %parallel_loop3A_306 : i32 to index
      %parallel_loop3A_484 = tpu.vector_load %parallel_loop3A_481[%parallel_loop3A_482, %parallel_loop3A_483] {strides = array<i32>} : memref<16x1024xf32, #tpu.memory_space<vmem>>, vector<1x16xf32>,
      %parallel_loop3A_485 = vector.shape_cast %parallel_loop3A_484 : vector<1x16xf32> to vector<16xf32>
      %parallel_loop3A_486 = vector.shape_cast %parallel_loop3A_476 : vector<16xf32> to vector<1x16xf32>
      tpu.vector_store %parallel_loop3A_481[%parallel_loop3A_482, %parallel_loop3A_483], %parallel_loop3A_486 {add = true, strides = array<i32>} : memref<16x1024xf32, #tpu.memory_space<vmem>>, vector<1x16xf32>,
      %parallel_loop3A_487 = arith.constant 12 : i32
      %parallel_loop3A_488 = arith.index_cast %parallel_loop3A_487 : i32 to index
      %parallel_loop3A_489 = arith.index_cast %parallel_loop3A_306 : i32 to index
      %parallel_loop3A_490 = tpu.vector_load %arg5[%parallel_loop3A_488, %parallel_loop3A_489] {strides = array<i32>} : memref<16x1024xf32, #tpu.memory_space<vmem>>, vector<1x16xf32>,
      %parallel_loop3A_491 = vector.shape_cast %parallel_loop3A_490 : vector<1x16xf32> to vector<16xf32>
      %parallel_loop3A_492 = arith.constant 12 : i32
      %parallel_loop3A_493 = arith.constant 0 : i32
      %parallel_loop3A_494 = arith.constant 0 : i32
      %parallel_loop3A_495 = tpu.memref_slice %arg6[%parallel_loop3A_202, %parallel_loop3A_493, %parallel_loop3A_494] : memref<4x16x1024xf32, #tpu.memory_space<vmem>> -> memref<1x16x1024xf32, #tpu.memory_space<vmem>>
      %parallel_loop3A_496 = tpu.memref_squeeze %parallel_loop3A_495 : memref<1x16x1024xf32, #tpu.memory_space<vmem>> -> memref<16x1024xf32, #tpu.memory_space<vmem>>
      %parallel_loop3A_497 = arith.index_cast %parallel_loop3A_492 : i32 to index
      %parallel_loop3A_498 = arith.index_cast %parallel_loop3A_306 : i32 to index
      %parallel_loop3A_499 = tpu.vector_load %parallel_loop3A_496[%parallel_loop3A_497, %parallel_loop3A_498] {strides = array<i32>} : memref<16x1024xf32, #tpu.memory_space<vmem>>, vector<1x16xf32>,
      %parallel_loop3A_500 = vector.shape_cast %parallel_loop3A_499 : vector<1x16xf32> to vector<16xf32>
      %parallel_loop3A_501 = vector.shape_cast %parallel_loop3A_491 : vector<16xf32> to vector<1x16xf32>
      tpu.vector_store %parallel_loop3A_496[%parallel_loop3A_497, %parallel_loop3A_498], %parallel_loop3A_501 {add = true, strides = array<i32>} : memref<16x1024xf32, #tpu.memory_space<vmem>>, vector<1x16xf32>,
      %parallel_loop3A_502 = arith.constant 13 : i32
      %parallel_loop3A_503 = arith.index_cast %parallel_loop3A_502 : i32 to index
      %parallel_loop3A_504 = arith.index_cast %parallel_loop3A_306 : i32 to index
      %parallel_loop3A_505 = tpu.vector_load %arg5[%parallel_loop3A_503, %parallel_loop3A_504] {strides = array<i32>} : memref<16x1024xf32, #tpu.memory_space<vmem>>, vector<1x16xf32>,
      %parallel_loop3A_506 = vector.shape_cast %parallel_loop3A_505 : vector<1x16xf32> to vector<16xf32>
      %parallel_loop3A_507 = arith.constant 13 : i32
      %parallel_loop3A_508 = arith.constant 0 : i32
      %parallel_loop3A_509 = arith.constant 0 : i32
      %parallel_loop3A_510 = tpu.memref_slice %arg6[%parallel_loop3A_202, %parallel_loop3A_508, %parallel_loop3A_509] : memref<4x16x1024xf32, #tpu.memory_space<vmem>> -> memref<1x16x1024xf32, #tpu.memory_space<vmem>>
      %parallel_loop3A_511 = tpu.memref_squeeze %parallel_loop3A_510 : memref<1x16x1024xf32, #tpu.memory_space<vmem>> -> memref<16x1024xf32, #tpu.memory_space<vmem>>
      %parallel_loop3A_512 = arith.index_cast %parallel_loop3A_507 : i32 to index
      %parallel_loop3A_513 = arith.index_cast %parallel_loop3A_306 : i32 to index
      %parallel_loop3A_514 = tpu.vector_load %parallel_loop3A_511[%parallel_loop3A_512, %parallel_loop3A_513] {strides = array<i32>} : memref<16x1024xf32, #tpu.memory_space<vmem>>, vector<1x16xf32>,
      %parallel_loop3A_515 = vector.shape_cast %parallel_loop3A_514 : vector<1x16xf32> to vector<16xf32>
      %parallel_loop3A_516 = vector.shape_cast %parallel_loop3A_506 : vector<16xf32> to vector<1x16xf32>
      tpu.vector_store %parallel_loop3A_511[%parallel_loop3A_512, %parallel_loop3A_513], %parallel_loop3A_516 {add = true, strides = array<i32>} : memref<16x1024xf32, #tpu.memory_space<vmem>>, vector<1x16xf32>,
      %parallel_loop3A_517 = arith.constant 14 : i32
      %parallel_loop3A_518 = arith.index_cast %parallel_loop3A_517 : i32 to index
      %parallel_loop3A_519 = arith.index_cast %parallel_loop3A_306 : i32 to index
      %parallel_loop3A_520 = tpu.vector_load %arg5[%parallel_loop3A_518, %parallel_loop3A_519] {strides = array<i32>} : memref<16x1024xf32, #tpu.memory_space<vmem>>, vector<1x16xf32>,
      %parallel_loop3A_521 = vector.shape_cast %parallel_loop3A_520 : vector<1x16xf32> to vector<16xf32>
      %parallel_loop3A_522 = arith.constant 14 : i32
      %parallel_loop3A_523 = arith.constant 0 : i32
      %parallel_loop3A_524 = arith.constant 0 : i32
      %parallel_loop3A_525 = tpu.memref_slice %arg6[%parallel_loop3A_202, %parallel_loop3A_523, %parallel_loop3A_524] : memref<4x16x1024xf32, #tpu.memory_space<vmem>> -> memref<1x16x1024xf32, #tpu.memory_space<vmem>>
      %parallel_loop3A_526 = tpu.memref_squeeze %parallel_loop3A_525 : memref<1x16x1024xf32, #tpu.memory_space<vmem>> -> memref<16x1024xf32, #tpu.memory_space<vmem>>
      %parallel_loop3A_527 = arith.index_cast %parallel_loop3A_522 : i32 to index
      %parallel_loop3A_528 = arith.index_cast %parallel_loop3A_306 : i32 to index
      %parallel_loop3A_529 = tpu.vector_load %parallel_loop3A_526[%parallel_loop3A_527, %parallel_loop3A_528] {strides = array<i32>} : memref<16x1024xf32, #tpu.memory_space<vmem>>, vector<1x16xf32>,
      %parallel_loop3A_530 = vector.shape_cast %parallel_loop3A_529 : vector<1x16xf32> to vector<16xf32>
      %parallel_loop3A_531 = vector.shape_cast %parallel_loop3A_521 : vector<16xf32> to vector<1x16xf32>
      tpu.vector_store %parallel_loop3A_526[%parallel_loop3A_527, %parallel_loop3A_528], %parallel_loop3A_531 {add = true, strides = array<i32>} : memref<16x1024xf32, #tpu.memory_space<vmem>>, vector<1x16xf32>,
      %parallel_loop3A_532 = arith.constant 15 : i32
      %parallel_loop3A_533 = arith.index_cast %parallel_loop3A_532 : i32 to index
      %parallel_loop3A_534 = arith.index_cast %parallel_loop3A_306 : i32 to index
      %parallel_loop3A_535 = tpu.vector_load %arg5[%parallel_loop3A_533, %parallel_loop3A_534] {strides = array<i32>} : memref<16x1024xf32, #tpu.memory_space<vmem>>, vector<1x16xf32>,
      %parallel_loop3A_536 = vector.shape_cast %parallel_loop3A_535 : vector<1x16xf32> to vector<16xf32>
      %parallel_loop3A_537 = arith.constant 15 : i32
      %parallel_loop3A_538 = arith.constant 0 : i32
      %parallel_loop3A_539 = arith.constant 0 : i32
      %parallel_loop3A_540 = tpu.memref_slice %arg6[%parallel_loop3A_202, %parallel_loop3A_538, %parallel_loop3A_539] : memref<4x16x1024xf32, #tpu.memory_space<vmem>> -> memref<1x16x1024xf32, #tpu.memory_space<vmem>>
      %parallel_loop3A_541 = tpu.memref_squeeze %parallel_loop3A_540 : memref<1x16x1024xf32, #tpu.memory_space<vmem>> -> memref<16x1024xf32, #tpu.memory_space<vmem>>
      %parallel_loop3A_542 = arith.index_cast %parallel_loop3A_537 : i32 to index
      %parallel_loop3A_543 = arith.index_cast %parallel_loop3A_306 : i32 to index
      %parallel_loop3A_544 = tpu.vector_load %parallel_loop3A_541[%parallel_loop3A_542, %parallel_loop3A_543] {strides = array<i32>} : memref<16x1024xf32, #tpu.memory_space<vmem>>, vector<1x16xf32>,
      %parallel_loop3A_545 = vector.shape_cast %parallel_loop3A_544 : vector<1x16xf32> to vector<16xf32>
      %parallel_loop3A_546 = vector.shape_cast %parallel_loop3A_536 : vector<16xf32> to vector<1x16xf32>
      tpu.vector_store %parallel_loop3A_541[%parallel_loop3A_542, %parallel_loop3A_543], %parallel_loop3A_546 {add = true, strides = array<i32>} : memref<16x1024xf32, #tpu.memory_space<vmem>>, vector<1x16xf32>,
    } {sc.loop_unroll_factor = 2 : i64, sc.parallel_access}
    %add3A_203 = arith.constant 0 : i32
    %add3A_204 = arith.addi %mul3A_2, %add3A_203 : i32
    %dma_start3A_205 = arith.constant 2 : i32
    %dma_start3A_206 = arith.constant 2 : i32
    %dma_start3A_207 = arith.constant 2 : i32
    %dma_start3A_208 = arith.constant 0 : i32
    %dma_start3A_209 = arith.constant 0 : i32
    %dma_start3A_210 = tpu.memref_slice %arg6[%dma_start3A_205, %dma_start3A_208, %dma_start3A_209] : memref<4x16x1024xf32, #tpu.memory_space<vmem>> -> memref<1x16x1024xf32, #tpu.memory_space<vmem>>
    %dma_start3A_211 = tpu.memref_squeeze %dma_start3A_210 : memref<1x16x1024xf32, #tpu.memory_space<vmem>> -> memref<16x1024xf32, #tpu.memory_space<vmem>>
    %dma_start3A_212 = arith.constant 0 : i32
    %dma_start3A_213 = tpu.memref_slice %arg4[%dma_start3A_206, %add3A_204, %dma_start3A_212] : memref<4x512x1024xf32, #tpu.memory_space<hbm>> -> memref<1x16x1024xf32, #tpu.memory_space<hbm>>
    %dma_start3A_214 = tpu.memref_squeeze %dma_start3A_213 : memref<1x16x1024xf32, #tpu.memory_space<hbm>> -> memref<16x1024xf32, #tpu.memory_space<hbm>>
    %dma_start3A_215 = tpu.memref_slice %arg9[%dma_start3A_207] : memref<4x!tpu.dma_semaphore, #tpu.memory_space<semaphore_mem>> -> memref<1x!tpu.dma_semaphore, #tpu.memory_space<semaphore_mem>>
    %dma_start3A_216 = tpu.memref_squeeze %dma_start3A_215 : memref<1x!tpu.dma_semaphore, #tpu.memory_space<semaphore_mem>> -> memref<!tpu.dma_semaphore, #tpu.memory_space<semaphore_mem>>
    %dma_start3A_217 = arith.constant 0 : i32
    %dma_start3A_218 = tpu.memref_slice %arg4[%dma_start3A_206, %add3A_204, %dma_start3A_217] : memref<4x512x1024xf32, #tpu.memory_space<hbm>> -> memref<1x16x1024xf32, #tpu.memory_space<hbm>>
    %dma_start3A_219 = tpu.memref_squeeze %dma_start3A_218 : memref<1x16x1024xf32, #tpu.memory_space<hbm>> -> memref<16x1024xf32, #tpu.memory_space<hbm>>
    %dma_start3A_220 = arith.constant 0 : i32
    %dma_start3A_221 = arith.constant 0 : i32
    %dma_start3A_222 = tpu.memref_slice %arg6[%dma_start3A_205, %dma_start3A_220, %dma_start3A_221] : memref<4x16x1024xf32, #tpu.memory_space<vmem>> -> memref<1x16x1024xf32, #tpu.memory_space<vmem>>
    %dma_start3A_223 = tpu.memref_squeeze %dma_start3A_222 : memref<1x16x1024xf32, #tpu.memory_space<vmem>> -> memref<16x1024xf32, #tpu.memory_space<vmem>>
    tpu.enqueue_dma source(%dma_start3A_223 : memref<16x1024xf32, #tpu.memory_space<vmem>>) target(%dma_start3A_219 : memref<16x1024xf32, #tpu.memory_space<hbm>>) target_semaphore(%dma_start3A_216 : memref<!tpu.dma_semaphore, #tpu.memory_space<semaphore_mem>>)
    %dma_wait3A_224 = arith.constant 3 : i32
    %dma_wait3A_225 = arith.constant 3 : i32
    %dma_wait3A_226 = arith.constant 3 : i32
    %dma_wait3A_227 = arith.constant 0 : i32
    %dma_wait3A_228 = arith.constant 0 : i32
    %dma_wait3A_229 = tpu.memref_slice %arg6[%dma_wait3A_225, %dma_wait3A_227, %dma_wait3A_228] : memref<4x16x1024xf32, #tpu.memory_space<vmem>> -> memref<1x16x1024xf32, #tpu.memory_space<vmem>>
    %dma_wait3A_230 = tpu.memref_squeeze %dma_wait3A_229 : memref<1x16x1024xf32, #tpu.memory_space<vmem>> -> memref<16x1024xf32, #tpu.memory_space<vmem>>
    %dma_wait3A_231 = arith.constant 0 : i32
    %dma_wait3A_232 = tpu.memref_slice %arg2[%dma_wait3A_224, %add3A_116, %dma_wait3A_231] : memref<4x2048x1024xf32, #tpu.memory_space<hbm>> -> memref<1x16x1024xf32, #tpu.memory_space<hbm>>
    %dma_wait3A_233 = tpu.memref_squeeze %dma_wait3A_232 : memref<1x16x1024xf32, #tpu.memory_space<hbm>> -> memref<16x1024xf32, #tpu.memory_space<hbm>>
    %dma_wait3A_234 = tpu.memref_slice %arg8[%dma_wait3A_226] : memref<4x!tpu.dma_semaphore, #tpu.memory_space<semaphore_mem>> -> memref<1x!tpu.dma_semaphore, #tpu.memory_space<semaphore_mem>>
    %dma_wait3A_235 = tpu.memref_squeeze %dma_wait3A_234 : memref<1x!tpu.dma_semaphore, #tpu.memory_space<semaphore_mem>> -> memref<!tpu.dma_semaphore, #tpu.memory_space<semaphore_mem>>
    %dma_wait3A_236 = arith.constant 0 : i32
    %dma_wait3A_237 = arith.constant 0 : i32
    %dma_wait3A_238 = tpu.memref_slice %arg6[%dma_wait3A_225, %dma_wait3A_236, %dma_wait3A_237] : memref<4x16x1024xf32, #tpu.memory_space<vmem>> -> memref<1x16x1024xf32, #tpu.memory_space<vmem>>
    %dma_wait3A_239 = tpu.memref_squeeze %dma_wait3A_238 : memref<1x16x1024xf32, #tpu.memory_space<vmem>> -> memref<16x1024xf32, #tpu.memory_space<vmem>>
    %dma_wait3A_240 = arith.constant 0 : i32
    %dma_wait3A_241 = tpu.memref_slice %arg2[%dma_wait3A_224, %add3A_116, %dma_wait3A_240] : memref<4x2048x1024xf32, #tpu.memory_space<hbm>> -> memref<1x16x1024xf32, #tpu.memory_space<hbm>>
    %dma_wait3A_242 = tpu.memref_squeeze %dma_wait3A_241 : memref<1x16x1024xf32, #tpu.memory_space<hbm>> -> memref<16x1024xf32, #tpu.memory_space<hbm>>
    tpu.wait_dma2 semaphore(%dma_wait3A_235 : memref<!tpu.dma_semaphore, #tpu.memory_space<semaphore_mem>>) src(%dma_wait3A_242 : memref<16x1024xf32, #tpu.memory_space<hbm>>) dst(%dma_wait3A_239 : memref<16x1024xf32, #tpu.memory_space<vmem>>)
    %parallel_loop3A_243 = arith.constant 0 : i32
    %parallel_loop3A_244 = arith.constant 1024 : i32
    %parallel_loop3A_245 = arith.constant 16 : i32
    %parallel_loop3A_246 = arith.constant 3 : i32
    scf.for %parallel_loop3A_306 = %parallel_loop3A_243 to %parallel_loop3A_244 step %parallel_loop3A_245  : i32 {
      %parallel_loop3A_307 = arith.constant 0 : i32
      %parallel_loop3A_308 = arith.index_cast %parallel_loop3A_307 : i32 to index
      %parallel_loop3A_309 = arith.index_cast %parallel_loop3A_306 : i32 to index
      %parallel_loop3A_310 = tpu.vector_load %arg5[%parallel_loop3A_308, %parallel_loop3A_309] {strides = array<i32>} : memref<16x1024xf32, #tpu.memory_space<vmem>>, vector<1x16xf32>,
      %parallel_loop3A_311 = vector.shape_cast %parallel_loop3A_310 : vector<1x16xf32> to vector<16xf32>
      %parallel_loop3A_312 = arith.constant 0 : i32
      %parallel_loop3A_313 = arith.constant 0 : i32
      %parallel_loop3A_314 = arith.constant 0 : i32
      %parallel_loop3A_315 = tpu.memref_slice %arg6[%parallel_loop3A_246, %parallel_loop3A_313, %parallel_loop3A_314] : memref<4x16x1024xf32, #tpu.memory_space<vmem>> -> memref<1x16x1024xf32, #tpu.memory_space<vmem>>
      %parallel_loop3A_316 = tpu.memref_squeeze %parallel_loop3A_315 : memref<1x16x1024xf32, #tpu.memory_space<vmem>> -> memref<16x1024xf32, #tpu.memory_space<vmem>>
      %parallel_loop3A_317 = arith.index_cast %parallel_loop3A_312 : i32 to index
      %parallel_loop3A_318 = arith.index_cast %parallel_loop3A_306 : i32 to index
      %parallel_loop3A_319 = tpu.vector_load %parallel_loop3A_316[%parallel_loop3A_317, %parallel_loop3A_318] {strides = array<i32>} : memref<16x1024xf32, #tpu.memory_space<vmem>>, vector<1x16xf32>,
      %parallel_loop3A_320 = vector.shape_cast %parallel_loop3A_319 : vector<1x16xf32> to vector<16xf32>
      %parallel_loop3A_321 = vector.shape_cast %parallel_loop3A_311 : vector<16xf32> to vector<1x16xf32>
      tpu.vector_store %parallel_loop3A_316[%parallel_loop3A_317, %parallel_loop3A_318], %parallel_loop3A_321 {add = true, strides = array<i32>} : memref<16x1024xf32, #tpu.memory_space<vmem>>, vector<1x16xf32>,
      %parallel_loop3A_322 = arith.constant 1 : i32
      %parallel_loop3A_323 = arith.index_cast %parallel_loop3A_322 : i32 to index
      %parallel_loop3A_324 = arith.index_cast %parallel_loop3A_306 : i32 to index
      %parallel_loop3A_325 = tpu.vector_load %arg5[%parallel_loop3A_323, %parallel_loop3A_324] {strides = array<i32>} : memref<16x1024xf32, #tpu.memory_space<vmem>>, vector<1x16xf32>,
      %parallel_loop3A_326 = vector.shape_cast %parallel_loop3A_325 : vector<1x16xf32> to vector<16xf32>
      %parallel_loop3A_327 = arith.constant 1 : i32
      %parallel_loop3A_328 = arith.constant 0 : i32
      %parallel_loop3A_329 = arith.constant 0 : i32
      %parallel_loop3A_330 = tpu.memref_slice %arg6[%parallel_loop3A_246, %parallel_loop3A_328, %parallel_loop3A_329] : memref<4x16x1024xf32, #tpu.memory_space<vmem>> -> memref<1x16x1024xf32, #tpu.memory_space<vmem>>
      %parallel_loop3A_331 = tpu.memref_squeeze %parallel_loop3A_330 : memref<1x16x1024xf32, #tpu.memory_space<vmem>> -> memref<16x1024xf32, #tpu.memory_space<vmem>>
      %parallel_loop3A_332 = arith.index_cast %parallel_loop3A_327 : i32 to index
      %parallel_loop3A_333 = arith.index_cast %parallel_loop3A_306 : i32 to index
      %parallel_loop3A_334 = tpu.vector_load %parallel_loop3A_331[%parallel_loop3A_332, %parallel_loop3A_333] {strides = array<i32>} : memref<16x1024xf32, #tpu.memory_space<vmem>>, vector<1x16xf32>,
      %parallel_loop3A_335 = vector.shape_cast %parallel_loop3A_334 : vector<1x16xf32> to vector<16xf32>
      %parallel_loop3A_336 = vector.shape_cast %parallel_loop3A_326 : vector<16xf32> to vector<1x16xf32>
      tpu.vector_store %parallel_loop3A_331[%parallel_loop3A_332, %parallel_loop3A_333], %parallel_loop3A_336 {add = true, strides = array<i32>} : memref<16x1024xf32, #tpu.memory_space<vmem>>, vector<1x16xf32>,
      %parallel_loop3A_337 = arith.constant 2 : i32
      %parallel_loop3A_338 = arith.index_cast %parallel_loop3A_337 : i32 to index
      %parallel_loop3A_339 = arith.index_cast %parallel_loop3A_306 : i32 to index
      %parallel_loop3A_340 = tpu.vector_load %arg5[%parallel_loop3A_338, %parallel_loop3A_339] {strides = array<i32>} : memref<16x1024xf32, #tpu.memory_space<vmem>>, vector<1x16xf32>,
      %parallel_loop3A_341 = vector.shape_cast %parallel_loop3A_340 : vector<1x16xf32> to vector<16xf32>
      %parallel_loop3A_342 = arith.constant 2 : i32
      %parallel_loop3A_343 = arith.constant 0 : i32
      %parallel_loop3A_344 = arith.constant 0 : i32
      %parallel_loop3A_345 = tpu.memref_slice %arg6[%parallel_loop3A_246, %parallel_loop3A_343, %parallel_loop3A_344] : memref<4x16x1024xf32, #tpu.memory_space<vmem>> -> memref<1x16x1024xf32, #tpu.memory_space<vmem>>
      %parallel_loop3A_346 = tpu.memref_squeeze %parallel_loop3A_345 : memref<1x16x1024xf32, #tpu.memory_space<vmem>> -> memref<16x1024xf32, #tpu.memory_space<vmem>>
      %parallel_loop3A_347 = arith.index_cast %parallel_loop3A_342 : i32 to index
      %parallel_loop3A_348 = arith.index_cast %parallel_loop3A_306 : i32 to index
      %parallel_loop3A_349 = tpu.vector_load %parallel_loop3A_346[%parallel_loop3A_347, %parallel_loop3A_348] {strides = array<i32>} : memref<16x1024xf32, #tpu.memory_space<vmem>>, vector<1x16xf32>,
      %parallel_loop3A_350 = vector.shape_cast %parallel_loop3A_349 : vector<1x16xf32> to vector<16xf32>
      %parallel_loop3A_351 = vector.shape_cast %parallel_loop3A_341 : vector<16xf32> to vector<1x16xf32>
      tpu.vector_store %parallel_loop3A_346[%parallel_loop3A_347, %parallel_loop3A_348], %parallel_loop3A_351 {add = true, strides = array<i32>} : memref<16x1024xf32, #tpu.memory_space<vmem>>, vector<1x16xf32>,
      %parallel_loop3A_352 = arith.constant 3 : i32
      %parallel_loop3A_353 = arith.index_cast %parallel_loop3A_352 : i32 to index
      %parallel_loop3A_354 = arith.index_cast %parallel_loop3A_306 : i32 to index
      %parallel_loop3A_355 = tpu.vector_load %arg5[%parallel_loop3A_353, %parallel_loop3A_354] {strides = array<i32>} : memref<16x1024xf32, #tpu.memory_space<vmem>>, vector<1x16xf32>,
      %parallel_loop3A_356 = vector.shape_cast %parallel_loop3A_355 : vector<1x16xf32> to vector<16xf32>
      %parallel_loop3A_357 = arith.constant 3 : i32
      %parallel_loop3A_358 = arith.constant 0 : i32
      %parallel_loop3A_359 = arith.constant 0 : i32
      %parallel_loop3A_360 = tpu.memref_slice %arg6[%parallel_loop3A_246, %parallel_loop3A_358, %parallel_loop3A_359] : memref<4x16x1024xf32, #tpu.memory_space<vmem>> -> memref<1x16x1024xf32, #tpu.memory_space<vmem>>
      %parallel_loop3A_361 = tpu.memref_squeeze %parallel_loop3A_360 : memref<1x16x1024xf32, #tpu.memory_space<vmem>> -> memref<16x1024xf32, #tpu.memory_space<vmem>>
      %parallel_loop3A_362 = arith.index_cast %parallel_loop3A_357 : i32 to index
      %parallel_loop3A_363 = arith.index_cast %parallel_loop3A_306 : i32 to index
      %parallel_loop3A_364 = tpu.vector_load %parallel_loop3A_361[%parallel_loop3A_362, %parallel_loop3A_363] {strides = array<i32>} : memref<16x1024xf32, #tpu.memory_space<vmem>>, vector<1x16xf32>,
      %parallel_loop3A_365 = vector.shape_cast %parallel_loop3A_364 : vector<1x16xf32> to vector<16xf32>
      %parallel_loop3A_366 = vector.shape_cast %parallel_loop3A_356 : vector<16xf32> to vector<1x16xf32>
      tpu.vector_store %parallel_loop3A_361[%parallel_loop3A_362, %parallel_loop3A_363], %parallel_loop3A_366 {add = true, strides = array<i32>} : memref<16x1024xf32, #tpu.memory_space<vmem>>, vector<1x16xf32>,
      %parallel_loop3A_367 = arith.constant 4 : i32
      %parallel_loop3A_368 = arith.index_cast %parallel_loop3A_367 : i32 to index
      %parallel_loop3A_369 = arith.index_cast %parallel_loop3A_306 : i32 to index
      %parallel_loop3A_370 = tpu.vector_load %arg5[%parallel_loop3A_368, %parallel_loop3A_369] {strides = array<i32>} : memref<16x1024xf32, #tpu.memory_space<vmem>>, vector<1x16xf32>,
      %parallel_loop3A_371 = vector.shape_cast %parallel_loop3A_370 : vector<1x16xf32> to vector<16xf32>
      %parallel_loop3A_372 = arith.constant 4 : i32
      %parallel_loop3A_373 = arith.constant 0 : i32
      %parallel_loop3A_374 = arith.constant 0 : i32
      %parallel_loop3A_375 = tpu.memref_slice %arg6[%parallel_loop3A_246, %parallel_loop3A_373, %parallel_loop3A_374] : memref<4x16x1024xf32, #tpu.memory_space<vmem>> -> memref<1x16x1024xf32, #tpu.memory_space<vmem>>
      %parallel_loop3A_376 = tpu.memref_squeeze %parallel_loop3A_375 : memref<1x16x1024xf32, #tpu.memory_space<vmem>> -> memref<16x1024xf32, #tpu.memory_space<vmem>>
      %parallel_loop3A_377 = arith.index_cast %parallel_loop3A_372 : i32 to index
      %parallel_loop3A_378 = arith.index_cast %parallel_loop3A_306 : i32 to index
      %parallel_loop3A_379 = tpu.vector_load %parallel_loop3A_376[%parallel_loop3A_377, %parallel_loop3A_378] {strides = array<i32>} : memref<16x1024xf32, #tpu.memory_space<vmem>>, vector<1x16xf32>,
      %parallel_loop3A_380 = vector.shape_cast %parallel_loop3A_379 : vector<1x16xf32> to vector<16xf32>
      %parallel_loop3A_381 = vector.shape_cast %parallel_loop3A_371 : vector<16xf32> to vector<1x16xf32>
      tpu.vector_store %parallel_loop3A_376[%parallel_loop3A_377, %parallel_loop3A_378], %parallel_loop3A_381 {add = true, strides = array<i32>} : memref<16x1024xf32, #tpu.memory_space<vmem>>, vector<1x16xf32>,
      %parallel_loop3A_382 = arith.constant 5 : i32
      %parallel_loop3A_383 = arith.index_cast %parallel_loop3A_382 : i32 to index
      %parallel_loop3A_384 = arith.index_cast %parallel_loop3A_306 : i32 to index
      %parallel_loop3A_385 = tpu.vector_load %arg5[%parallel_loop3A_383, %parallel_loop3A_384] {strides = array<i32>} : memref<16x1024xf32, #tpu.memory_space<vmem>>, vector<1x16xf32>,
      %parallel_loop3A_386 = vector.shape_cast %parallel_loop3A_385 : vector<1x16xf32> to vector<16xf32>
      %parallel_loop3A_387 = arith.constant 5 : i32
      %parallel_loop3A_388 = arith.constant 0 : i32
      %parallel_loop3A_389 = arith.constant 0 : i32
      %parallel_loop3A_390 = tpu.memref_slice %arg6[%parallel_loop3A_246, %parallel_loop3A_388, %parallel_loop3A_389] : memref<4x16x1024xf32, #tpu.memory_space<vmem>> -> memref<1x16x1024xf32, #tpu.memory_space<vmem>>
      %parallel_loop3A_391 = tpu.memref_squeeze %parallel_loop3A_390 : memref<1x16x1024xf32, #tpu.memory_space<vmem>> -> memref<16x1024xf32, #tpu.memory_space<vmem>>
      %parallel_loop3A_392 = arith.index_cast %parallel_loop3A_387 : i32 to index
      %parallel_loop3A_393 = arith.index_cast %parallel_loop3A_306 : i32 to index
      %parallel_loop3A_394 = tpu.vector_load %parallel_loop3A_391[%parallel_loop3A_392, %parallel_loop3A_393] {strides = array<i32>} : memref<16x1024xf32, #tpu.memory_space<vmem>>, vector<1x16xf32>,
      %parallel_loop3A_395 = vector.shape_cast %parallel_loop3A_394 : vector<1x16xf32> to vector<16xf32>
      %parallel_loop3A_396 = vector.shape_cast %parallel_loop3A_386 : vector<16xf32> to vector<1x16xf32>
      tpu.vector_store %parallel_loop3A_391[%parallel_loop3A_392, %parallel_loop3A_393], %parallel_loop3A_396 {add = true, strides = array<i32>} : memref<16x1024xf32, #tpu.memory_space<vmem>>, vector<1x16xf32>,
      %parallel_loop3A_397 = arith.constant 6 : i32
      %parallel_loop3A_398 = arith.index_cast %parallel_loop3A_397 : i32 to index
      %parallel_loop3A_399 = arith.index_cast %parallel_loop3A_306 : i32 to index
      %parallel_loop3A_400 = tpu.vector_load %arg5[%parallel_loop3A_398, %parallel_loop3A_399] {strides = array<i32>} : memref<16x1024xf32, #tpu.memory_space<vmem>>, vector<1x16xf32>,
      %parallel_loop3A_401 = vector.shape_cast %parallel_loop3A_400 : vector<1x16xf32> to vector<16xf32>
      %parallel_loop3A_402 = arith.constant 6 : i32
      %parallel_loop3A_403 = arith.constant 0 : i32
      %parallel_loop3A_404 = arith.constant 0 : i32
      %parallel_loop3A_405 = tpu.memref_slice %arg6[%parallel_loop3A_246, %parallel_loop3A_403, %parallel_loop3A_404] : memref<4x16x1024xf32, #tpu.memory_space<vmem>> -> memref<1x16x1024xf32, #tpu.memory_space<vmem>>
      %parallel_loop3A_406 = tpu.memref_squeeze %parallel_loop3A_405 : memref<1x16x1024xf32, #tpu.memory_space<vmem>> -> memref<16x1024xf32, #tpu.memory_space<vmem>>
      %parallel_loop3A_407 = arith.index_cast %parallel_loop3A_402 : i32 to index
      %parallel_loop3A_408 = arith.index_cast %parallel_loop3A_306 : i32 to index
      %parallel_loop3A_409 = tpu.vector_load %parallel_loop3A_406[%parallel_loop3A_407, %parallel_loop3A_408] {strides = array<i32>} : memref<16x1024xf32, #tpu.memory_space<vmem>>, vector<1x16xf32>,
      %parallel_loop3A_410 = vector.shape_cast %parallel_loop3A_409 : vector<1x16xf32> to vector<16xf32>
      %parallel_loop3A_411 = vector.shape_cast %parallel_loop3A_401 : vector<16xf32> to vector<1x16xf32>
      tpu.vector_store %parallel_loop3A_406[%parallel_loop3A_407, %parallel_loop3A_408], %parallel_loop3A_411 {add = true, strides = array<i32>} : memref<16x1024xf32, #tpu.memory_space<vmem>>, vector<1x16xf32>,
      %parallel_loop3A_412 = arith.constant 7 : i32
      %parallel_loop3A_413 = arith.index_cast %parallel_loop3A_412 : i32 to index
      %parallel_loop3A_414 = arith.index_cast %parallel_loop3A_306 : i32 to index
      %parallel_loop3A_415 = tpu.vector_load %arg5[%parallel_loop3A_413, %parallel_loop3A_414] {strides = array<i32>} : memref<16x1024xf32, #tpu.memory_space<vmem>>, vector<1x16xf32>,
      %parallel_loop3A_416 = vector.shape_cast %parallel_loop3A_415 : vector<1x16xf32> to vector<16xf32>
      %parallel_loop3A_417 = arith.constant 7 : i32
      %parallel_loop3A_418 = arith.constant 0 : i32
      %parallel_loop3A_419 = arith.constant 0 : i32
      %parallel_loop3A_420 = tpu.memref_slice %arg6[%parallel_loop3A_246, %parallel_loop3A_418, %parallel_loop3A_419] : memref<4x16x1024xf32, #tpu.memory_space<vmem>> -> memref<1x16x1024xf32, #tpu.memory_space<vmem>>
      %parallel_loop3A_421 = tpu.memref_squeeze %parallel_loop3A_420 : memref<1x16x1024xf32, #tpu.memory_space<vmem>> -> memref<16x1024xf32, #tpu.memory_space<vmem>>
      %parallel_loop3A_422 = arith.index_cast %parallel_loop3A_417 : i32 to index
      %parallel_loop3A_423 = arith.index_cast %parallel_loop3A_306 : i32 to index
      %parallel_loop3A_424 = tpu.vector_load %parallel_loop3A_421[%parallel_loop3A_422, %parallel_loop3A_423] {strides = array<i32>} : memref<16x1024xf32, #tpu.memory_space<vmem>>, vector<1x16xf32>,
      %parallel_loop3A_425 = vector.shape_cast %parallel_loop3A_424 : vector<1x16xf32> to vector<16xf32>
      %parallel_loop3A_426 = vector.shape_cast %parallel_loop3A_416 : vector<16xf32> to vector<1x16xf32>
      tpu.vector_store %parallel_loop3A_421[%parallel_loop3A_422, %parallel_loop3A_423], %parallel_loop3A_426 {add = true, strides = array<i32>} : memref<16x1024xf32, #tpu.memory_space<vmem>>, vector<1x16xf32>,
      %parallel_loop3A_427 = arith.constant 8 : i32
      %parallel_loop3A_428 = arith.index_cast %parallel_loop3A_427 : i32 to index
      %parallel_loop3A_429 = arith.index_cast %parallel_loop3A_306 : i32 to index
      %parallel_loop3A_430 = tpu.vector_load %arg5[%parallel_loop3A_428, %parallel_loop3A_429] {strides = array<i32>} : memref<16x1024xf32, #tpu.memory_space<vmem>>, vector<1x16xf32>,
      %parallel_loop3A_431 = vector.shape_cast %parallel_loop3A_430 : vector<1x16xf32> to vector<16xf32>
      %parallel_loop3A_432 = arith.constant 8 : i32
      %parallel_loop3A_433 = arith.constant 0 : i32
      %parallel_loop3A_434 = arith.constant 0 : i32
      %parallel_loop3A_435 = tpu.memref_slice %arg6[%parallel_loop3A_246, %parallel_loop3A_433, %parallel_loop3A_434] : memref<4x16x1024xf32, #tpu.memory_space<vmem>> -> memref<1x16x1024xf32, #tpu.memory_space<vmem>>
      %parallel_loop3A_436 = tpu.memref_squeeze %parallel_loop3A_435 : memref<1x16x1024xf32, #tpu.memory_space<vmem>> -> memref<16x1024xf32, #tpu.memory_space<vmem>>
      %parallel_loop3A_437 = arith.index_cast %parallel_loop3A_432 : i32 to index
      %parallel_loop3A_438 = arith.index_cast %parallel_loop3A_306 : i32 to index
      %parallel_loop3A_439 = tpu.vector_load %parallel_loop3A_436[%parallel_loop3A_437, %parallel_loop3A_438] {strides = array<i32>} : memref<16x1024xf32, #tpu.memory_space<vmem>>, vector<1x16xf32>,
      %parallel_loop3A_440 = vector.shape_cast %parallel_loop3A_439 : vector<1x16xf32> to vector<16xf32>
      %parallel_loop3A_441 = vector.shape_cast %parallel_loop3A_431 : vector<16xf32> to vector<1x16xf32>
      tpu.vector_store %parallel_loop3A_436[%parallel_loop3A_437, %parallel_loop3A_438], %parallel_loop3A_441 {add = true, strides = array<i32>} : memref<16x1024xf32, #tpu.memory_space<vmem>>, vector<1x16xf32>,
      %parallel_loop3A_442 = arith.constant 9 : i32
      %parallel_loop3A_443 = arith.index_cast %parallel_loop3A_442 : i32 to index
      %parallel_loop3A_444 = arith.index_cast %parallel_loop3A_306 : i32 to index
      %parallel_loop3A_445 = tpu.vector_load %arg5[%parallel_loop3A_443, %parallel_loop3A_444] {strides = array<i32>} : memref<16x1024xf32, #tpu.memory_space<vmem>>, vector<1x16xf32>,
      %parallel_loop3A_446 = vector.shape_cast %parallel_loop3A_445 : vector<1x16xf32> to vector<16xf32>
      %parallel_loop3A_447 = arith.constant 9 : i32
      %parallel_loop3A_448 = arith.constant 0 : i32
      %parallel_loop3A_449 = arith.constant 0 : i32
      %parallel_loop3A_450 = tpu.memref_slice %arg6[%parallel_loop3A_246, %parallel_loop3A_448, %parallel_loop3A_449] : memref<4x16x1024xf32, #tpu.memory_space<vmem>> -> memref<1x16x1024xf32, #tpu.memory_space<vmem>>
      %parallel_loop3A_451 = tpu.memref_squeeze %parallel_loop3A_450 : memref<1x16x1024xf32, #tpu.memory_space<vmem>> -> memref<16x1024xf32, #tpu.memory_space<vmem>>
      %parallel_loop3A_452 = arith.index_cast %parallel_loop3A_447 : i32 to index
      %parallel_loop3A_453 = arith.index_cast %parallel_loop3A_306 : i32 to index
      %parallel_loop3A_454 = tpu.vector_load %parallel_loop3A_451[%parallel_loop3A_452, %parallel_loop3A_453] {strides = array<i32>} : memref<16x1024xf32, #tpu.memory_space<vmem>>, vector<1x16xf32>,
      %parallel_loop3A_455 = vector.shape_cast %parallel_loop3A_454 : vector<1x16xf32> to vector<16xf32>
      %parallel_loop3A_456 = vector.shape_cast %parallel_loop3A_446 : vector<16xf32> to vector<1x16xf32>
      tpu.vector_store %parallel_loop3A_451[%parallel_loop3A_452, %parallel_loop3A_453], %parallel_loop3A_456 {add = true, strides = array<i32>} : memref<16x1024xf32, #tpu.memory_space<vmem>>, vector<1x16xf32>,
      %parallel_loop3A_457 = arith.constant 10 : i32
      %parallel_loop3A_458 = arith.index_cast %parallel_loop3A_457 : i32 to index
      %parallel_loop3A_459 = arith.index_cast %parallel_loop3A_306 : i32 to index
      %parallel_loop3A_460 = tpu.vector_load %arg5[%parallel_loop3A_458, %parallel_loop3A_459] {strides = array<i32>} : memref<16x1024xf32, #tpu.memory_space<vmem>>, vector<1x16xf32>,
      %parallel_loop3A_461 = vector.shape_cast %parallel_loop3A_460 : vector<1x16xf32> to vector<16xf32>
      %parallel_loop3A_462 = arith.constant 10 : i32
      %parallel_loop3A_463 = arith.constant 0 : i32
      %parallel_loop3A_464 = arith.constant 0 : i32
      %parallel_loop3A_465 = tpu.memref_slice %arg6[%parallel_loop3A_246, %parallel_loop3A_463, %parallel_loop3A_464] : memref<4x16x1024xf32, #tpu.memory_space<vmem>> -> memref<1x16x1024xf32, #tpu.memory_space<vmem>>
      %parallel_loop3A_466 = tpu.memref_squeeze %parallel_loop3A_465 : memref<1x16x1024xf32, #tpu.memory_space<vmem>> -> memref<16x1024xf32, #tpu.memory_space<vmem>>
      %parallel_loop3A_467 = arith.index_cast %parallel_loop3A_462 : i32 to index
      %parallel_loop3A_468 = arith.index_cast %parallel_loop3A_306 : i32 to index
      %parallel_loop3A_469 = tpu.vector_load %parallel_loop3A_466[%parallel_loop3A_467, %parallel_loop3A_468] {strides = array<i32>} : memref<16x1024xf32, #tpu.memory_space<vmem>>, vector<1x16xf32>,
      %parallel_loop3A_470 = vector.shape_cast %parallel_loop3A_469 : vector<1x16xf32> to vector<16xf32>
      %parallel_loop3A_471 = vector.shape_cast %parallel_loop3A_461 : vector<16xf32> to vector<1x16xf32>
      tpu.vector_store %parallel_loop3A_466[%parallel_loop3A_467, %parallel_loop3A_468], %parallel_loop3A_471 {add = true, strides = array<i32>} : memref<16x1024xf32, #tpu.memory_space<vmem>>, vector<1x16xf32>,
      %parallel_loop3A_472 = arith.constant 11 : i32
      %parallel_loop3A_473 = arith.index_cast %parallel_loop3A_472 : i32 to index
      %parallel_loop3A_474 = arith.index_cast %parallel_loop3A_306 : i32 to index
      %parallel_loop3A_475 = tpu.vector_load %arg5[%parallel_loop3A_473, %parallel_loop3A_474] {strides = array<i32>} : memref<16x1024xf32, #tpu.memory_space<vmem>>, vector<1x16xf32>,
      %parallel_loop3A_476 = vector.shape_cast %parallel_loop3A_475 : vector<1x16xf32> to vector<16xf32>
      %parallel_loop3A_477 = arith.constant 11 : i32
      %parallel_loop3A_478 = arith.constant 0 : i32
      %parallel_loop3A_479 = arith.constant 0 : i32
      %parallel_loop3A_480 = tpu.memref_slice %arg6[%parallel_loop3A_246, %parallel_loop3A_478, %parallel_loop3A_479] : memref<4x16x1024xf32, #tpu.memory_space<vmem>> -> memref<1x16x1024xf32, #tpu.memory_space<vmem>>
      %parallel_loop3A_481 = tpu.memref_squeeze %parallel_loop3A_480 : memref<1x16x1024xf32, #tpu.memory_space<vmem>> -> memref<16x1024xf32, #tpu.memory_space<vmem>>
      %parallel_loop3A_482 = arith.index_cast %parallel_loop3A_477 : i32 to index
      %parallel_loop3A_483 = arith.index_cast %parallel_loop3A_306 : i32 to index
      %parallel_loop3A_484 = tpu.vector_load %parallel_loop3A_481[%parallel_loop3A_482, %parallel_loop3A_483] {strides = array<i32>} : memref<16x1024xf32, #tpu.memory_space<vmem>>, vector<1x16xf32>,
      %parallel_loop3A_485 = vector.shape_cast %parallel_loop3A_484 : vector<1x16xf32> to vector<16xf32>
      %parallel_loop3A_486 = vector.shape_cast %parallel_loop3A_476 : vector<16xf32> to vector<1x16xf32>
      tpu.vector_store %parallel_loop3A_481[%parallel_loop3A_482, %parallel_loop3A_483], %parallel_loop3A_486 {add = true, strides = array<i32>} : memref<16x1024xf32, #tpu.memory_space<vmem>>, vector<1x16xf32>,
      %parallel_loop3A_487 = arith.constant 12 : i32
      %parallel_loop3A_488 = arith.index_cast %parallel_loop3A_487 : i32 to index
      %parallel_loop3A_489 = arith.index_cast %parallel_loop3A_306 : i32 to index
      %parallel_loop3A_490 = tpu.vector_load %arg5[%parallel_loop3A_488, %parallel_loop3A_489] {strides = array<i32>} : memref<16x1024xf32, #tpu.memory_space<vmem>>, vector<1x16xf32>,
      %parallel_loop3A_491 = vector.shape_cast %parallel_loop3A_490 : vector<1x16xf32> to vector<16xf32>
      %parallel_loop3A_492 = arith.constant 12 : i32
      %parallel_loop3A_493 = arith.constant 0 : i32
      %parallel_loop3A_494 = arith.constant 0 : i32
      %parallel_loop3A_495 = tpu.memref_slice %arg6[%parallel_loop3A_246, %parallel_loop3A_493, %parallel_loop3A_494] : memref<4x16x1024xf32, #tpu.memory_space<vmem>> -> memref<1x16x1024xf32, #tpu.memory_space<vmem>>
      %parallel_loop3A_496 = tpu.memref_squeeze %parallel_loop3A_495 : memref<1x16x1024xf32, #tpu.memory_space<vmem>> -> memref<16x1024xf32, #tpu.memory_space<vmem>>
      %parallel_loop3A_497 = arith.index_cast %parallel_loop3A_492 : i32 to index
      %parallel_loop3A_498 = arith.index_cast %parallel_loop3A_306 : i32 to index
      %parallel_loop3A_499 = tpu.vector_load %parallel_loop3A_496[%parallel_loop3A_497, %parallel_loop3A_498] {strides = array<i32>} : memref<16x1024xf32, #tpu.memory_space<vmem>>, vector<1x16xf32>,
      %parallel_loop3A_500 = vector.shape_cast %parallel_loop3A_499 : vector<1x16xf32> to vector<16xf32>
      %parallel_loop3A_501 = vector.shape_cast %parallel_loop3A_491 : vector<16xf32> to vector<1x16xf32>
      tpu.vector_store %parallel_loop3A_496[%parallel_loop3A_497, %parallel_loop3A_498], %parallel_loop3A_501 {add = true, strides = array<i32>} : memref<16x1024xf32, #tpu.memory_space<vmem>>, vector<1x16xf32>,
      %parallel_loop3A_502 = arith.constant 13 : i32
      %parallel_loop3A_503 = arith.index_cast %parallel_loop3A_502 : i32 to index
      %parallel_loop3A_504 = arith.index_cast %parallel_loop3A_306 : i32 to index
      %parallel_loop3A_505 = tpu.vector_load %arg5[%parallel_loop3A_503, %parallel_loop3A_504] {strides = array<i32>} : memref<16x1024xf32, #tpu.memory_space<vmem>>, vector<1x16xf32>,
      %parallel_loop3A_506 = vector.shape_cast %parallel_loop3A_505 : vector<1x16xf32> to vector<16xf32>
      %parallel_loop3A_507 = arith.constant 13 : i32
      %parallel_loop3A_508 = arith.constant 0 : i32
      %parallel_loop3A_509 = arith.constant 0 : i32
      %parallel_loop3A_510 = tpu.memref_slice %arg6[%parallel_loop3A_246, %parallel_loop3A_508, %parallel_loop3A_509] : memref<4x16x1024xf32, #tpu.memory_space<vmem>> -> memref<1x16x1024xf32, #tpu.memory_space<vmem>>
      %parallel_loop3A_511 = tpu.memref_squeeze %parallel_loop3A_510 : memref<1x16x1024xf32, #tpu.memory_space<vmem>> -> memref<16x1024xf32, #tpu.memory_space<vmem>>
      %parallel_loop3A_512 = arith.index_cast %parallel_loop3A_507 : i32 to index
      %parallel_loop3A_513 = arith.index_cast %parallel_loop3A_306 : i32 to index
      %parallel_loop3A_514 = tpu.vector_load %parallel_loop3A_511[%parallel_loop3A_512, %parallel_loop3A_513] {strides = array<i32>} : memref<16x1024xf32, #tpu.memory_space<vmem>>, vector<1x16xf32>,
      %parallel_loop3A_515 = vector.shape_cast %parallel_loop3A_514 : vector<1x16xf32> to vector<16xf32>
      %parallel_loop3A_516 = vector.shape_cast %parallel_loop3A_506 : vector<16xf32> to vector<1x16xf32>
      tpu.vector_store %parallel_loop3A_511[%parallel_loop3A_512, %parallel_loop3A_513], %parallel_loop3A_516 {add = true, strides = array<i32>} : memref<16x1024xf32, #tpu.memory_space<vmem>>, vector<1x16xf32>,
      %parallel_loop3A_517 = arith.constant 14 : i32
      %parallel_loop3A_518 = arith.index_cast %parallel_loop3A_517 : i32 to index
      %parallel_loop3A_519 = arith.index_cast %parallel_loop3A_306 : i32 to index
      %parallel_loop3A_520 = tpu.vector_load %arg5[%parallel_loop3A_518, %parallel_loop3A_519] {strides = array<i32>} : memref<16x1024xf32, #tpu.memory_space<vmem>>, vector<1x16xf32>,
      %parallel_loop3A_521 = vector.shape_cast %parallel_loop3A_520 : vector<1x16xf32> to vector<16xf32>
      %parallel_loop3A_522 = arith.constant 14 : i32
      %parallel_loop3A_523 = arith.constant 0 : i32
      %parallel_loop3A_524 = arith.constant 0 : i32
      %parallel_loop3A_525 = tpu.memref_slice %arg6[%parallel_loop3A_246, %parallel_loop3A_523, %parallel_loop3A_524] : memref<4x16x1024xf32, #tpu.memory_space<vmem>> -> memref<1x16x1024xf32, #tpu.memory_space<vmem>>
      %parallel_loop3A_526 = tpu.memref_squeeze %parallel_loop3A_525 : memref<1x16x1024xf32, #tpu.memory_space<vmem>> -> memref<16x1024xf32, #tpu.memory_space<vmem>>
      %parallel_loop3A_527 = arith.index_cast %parallel_loop3A_522 : i32 to index
      %parallel_loop3A_528 = arith.index_cast %parallel_loop3A_306 : i32 to index
      %parallel_loop3A_529 = tpu.vector_load %parallel_loop3A_526[%parallel_loop3A_527, %parallel_loop3A_528] {strides = array<i32>} : memref<16x1024xf32, #tpu.memory_space<vmem>>, vector<1x16xf32>,
      %parallel_loop3A_530 = vector.shape_cast %parallel_loop3A_529 : vector<1x16xf32> to vector<16xf32>
      %parallel_loop3A_531 = vector.shape_cast %parallel_loop3A_521 : vector<16xf32> to vector<1x16xf32>
      tpu.vector_store %parallel_loop3A_526[%parallel_loop3A_527, %parallel_loop3A_528], %parallel_loop3A_531 {add = true, strides = array<i32>} : memref<16x1024xf32, #tpu.memory_space<vmem>>, vector<1x16xf32>,
      %parallel_loop3A_532 = arith.constant 15 : i32
      %parallel_loop3A_533 = arith.index_cast %parallel_loop3A_532 : i32 to index
      %parallel_loop3A_534 = arith.index_cast %parallel_loop3A_306 : i32 to index
      %parallel_loop3A_535 = tpu.vector_load %arg5[%parallel_loop3A_533, %parallel_loop3A_534] {strides = array<i32>} : memref<16x1024xf32, #tpu.memory_space<vmem>>, vector<1x16xf32>,
      %parallel_loop3A_536 = vector.shape_cast %parallel_loop3A_535 : vector<1x16xf32> to vector<16xf32>
      %parallel_loop3A_537 = arith.constant 15 : i32
      %parallel_loop3A_538 = arith.constant 0 : i32
      %parallel_loop3A_539 = arith.constant 0 : i32
      %parallel_loop3A_540 = tpu.memref_slice %arg6[%parallel_loop3A_246, %parallel_loop3A_538, %parallel_loop3A_539] : memref<4x16x1024xf32, #tpu.memory_space<vmem>> -> memref<1x16x1024xf32, #tpu.memory_space<vmem>>
      %parallel_loop3A_541 = tpu.memref_squeeze %parallel_loop3A_540 : memref<1x16x1024xf32, #tpu.memory_space<vmem>> -> memref<16x1024xf32, #tpu.memory_space<vmem>>
      %parallel_loop3A_542 = arith.index_cast %parallel_loop3A_537 : i32 to index
      %parallel_loop3A_543 = arith.index_cast %parallel_loop3A_306 : i32 to index
      %parallel_loop3A_544 = tpu.vector_load %parallel_loop3A_541[%parallel_loop3A_542, %parallel_loop3A_543] {strides = array<i32>} : memref<16x1024xf32, #tpu.memory_space<vmem>>, vector<1x16xf32>,
      %parallel_loop3A_545 = vector.shape_cast %parallel_loop3A_544 : vector<1x16xf32> to vector<16xf32>
      %parallel_loop3A_546 = vector.shape_cast %parallel_loop3A_536 : vector<16xf32> to vector<1x16xf32>
      tpu.vector_store %parallel_loop3A_541[%parallel_loop3A_542, %parallel_loop3A_543], %parallel_loop3A_546 {add = true, strides = array<i32>} : memref<16x1024xf32, #tpu.memory_space<vmem>>, vector<1x16xf32>,
    } {sc.loop_unroll_factor = 2 : i64, sc.parallel_access}
    %add3A_247 = arith.constant 0 : i32
    %add3A_248 = arith.addi %mul3A_2, %add3A_247 : i32
    %dma_start3A_249 = arith.constant 3 : i32
    %dma_start3A_250 = arith.constant 3 : i32
    %dma_start3A_251 = arith.constant 3 : i32
    %dma_start3A_252 = arith.constant 0 : i32
    %dma_start3A_253 = arith.constant 0 : i32
    %dma_start3A_254 = tpu.memref_slice %arg6[%dma_start3A_249, %dma_start3A_252, %dma_start3A_253] : memref<4x16x1024xf32, #tpu.memory_space<vmem>> -> memref<1x16x1024xf32, #tpu.memory_space<vmem>>
    %dma_start3A_255 = tpu.memref_squeeze %dma_start3A_254 : memref<1x16x1024xf32, #tpu.memory_space<vmem>> -> memref<16x1024xf32, #tpu.memory_space<vmem>>
    %dma_start3A_256 = arith.constant 0 : i32
    %dma_start3A_257 = tpu.memref_slice %arg4[%dma_start3A_250, %add3A_248, %dma_start3A_256] : memref<4x512x1024xf32, #tpu.memory_space<hbm>> -> memref<1x16x1024xf32, #tpu.memory_space<hbm>>
    %dma_start3A_258 = tpu.memref_squeeze %dma_start3A_257 : memref<1x16x1024xf32, #tpu.memory_space<hbm>> -> memref<16x1024xf32, #tpu.memory_space<hbm>>
    %dma_start3A_259 = tpu.memref_slice %arg9[%dma_start3A_251] : memref<4x!tpu.dma_semaphore, #tpu.memory_space<semaphore_mem>> -> memref<1x!tpu.dma_semaphore, #tpu.memory_space<semaphore_mem>>
    %dma_start3A_260 = tpu.memref_squeeze %dma_start3A_259 : memref<1x!tpu.dma_semaphore, #tpu.memory_space<semaphore_mem>> -> memref<!tpu.dma_semaphore, #tpu.memory_space<semaphore_mem>>
    %dma_start3A_261 = arith.constant 0 : i32
    %dma_start3A_262 = tpu.memref_slice %arg4[%dma_start3A_250, %add3A_248, %dma_start3A_261] : memref<4x512x1024xf32, #tpu.memory_space<hbm>> -> memref<1x16x1024xf32, #tpu.memory_space<hbm>>
    %dma_start3A_263 = tpu.memref_squeeze %dma_start3A_262 : memref<1x16x1024xf32, #tpu.memory_space<hbm>> -> memref<16x1024xf32, #tpu.memory_space<hbm>>
    %dma_start3A_264 = arith.constant 0 : i32
    %dma_start3A_265 = arith.constant 0 : i32
    %dma_start3A_266 = tpu.memref_slice %arg6[%dma_start3A_249, %dma_start3A_264, %dma_start3A_265] : memref<4x16x1024xf32, #tpu.memory_space<vmem>> -> memref<1x16x1024xf32, #tpu.memory_space<vmem>>
    %dma_start3A_267 = tpu.memref_squeeze %dma_start3A_266 : memref<1x16x1024xf32, #tpu.memory_space<vmem>> -> memref<16x1024xf32, #tpu.memory_space<vmem>>
    tpu.enqueue_dma source(%dma_start3A_267 : memref<16x1024xf32, #tpu.memory_space<vmem>>) target(%dma_start3A_263 : memref<16x1024xf32, #tpu.memory_space<hbm>>) target_semaphore(%dma_start3A_260 : memref<!tpu.dma_semaphore, #tpu.memory_space<semaphore_mem>>)
    %dma_wait3A_268 = arith.constant 2 : i32
    %dma_wait3A_269 = arith.constant 2 : i32
    %dma_wait3A_270 = arith.constant 2 : i32
    %dma_wait3A_271 = arith.constant 0 : i32
    %dma_wait3A_272 = arith.constant 0 : i32
    %dma_wait3A_273 = tpu.memref_slice %arg6[%dma_wait3A_268, %dma_wait3A_271, %dma_wait3A_272] : memref<4x16x1024xf32, #tpu.memory_space<vmem>> -> memref<1x16x1024xf32, #tpu.memory_space<vmem>>
    %dma_wait3A_274 = tpu.memref_squeeze %dma_wait3A_273 : memref<1x16x1024xf32, #tpu.memory_space<vmem>> -> memref<16x1024xf32, #tpu.memory_space<vmem>>
    %dma_wait3A_275 = arith.constant 0 : i32
    %dma_wait3A_276 = tpu.memref_slice %arg4[%dma_wait3A_269, %add3A_204, %dma_wait3A_275] : memref<4x512x1024xf32, #tpu.memory_space<hbm>> -> memref<1x16x1024xf32, #tpu.memory_space<hbm>>
    %dma_wait3A_277 = tpu.memref_squeeze %dma_wait3A_276 : memref<1x16x1024xf32, #tpu.memory_space<hbm>> -> memref<16x1024xf32, #tpu.memory_space<hbm>>
    %dma_wait3A_278 = tpu.memref_slice %arg9[%dma_wait3A_270] : memref<4x!tpu.dma_semaphore, #tpu.memory_space<semaphore_mem>> -> memref<1x!tpu.dma_semaphore, #tpu.memory_space<semaphore_mem>>
    %dma_wait3A_279 = tpu.memref_squeeze %dma_wait3A_278 : memref<1x!tpu.dma_semaphore, #tpu.memory_space<semaphore_mem>> -> memref<!tpu.dma_semaphore, #tpu.memory_space<semaphore_mem>>
    %dma_wait3A_280 = arith.constant 0 : i32
    %dma_wait3A_281 = tpu.memref_slice %arg4[%dma_wait3A_269, %add3A_204, %dma_wait3A_280] : memref<4x512x1024xf32, #tpu.memory_space<hbm>> -> memref<1x16x1024xf32, #tpu.memory_space<hbm>>
    %dma_wait3A_282 = tpu.memref_squeeze %dma_wait3A_281 : memref<1x16x1024xf32, #tpu.memory_space<hbm>> -> memref<16x1024xf32, #tpu.memory_space<hbm>>
    %dma_wait3A_283 = arith.constant 0 : i32
    %dma_wait3A_284 = arith.constant 0 : i32
    %dma_wait3A_285 = tpu.memref_slice %arg6[%dma_wait3A_268, %dma_wait3A_283, %dma_wait3A_284] : memref<4x16x1024xf32, #tpu.memory_space<vmem>> -> memref<1x16x1024xf32, #tpu.memory_space<vmem>>
    %dma_wait3A_286 = tpu.memref_squeeze %dma_wait3A_285 : memref<1x16x1024xf32, #tpu.memory_space<vmem>> -> memref<16x1024xf32, #tpu.memory_space<vmem>>
    tpu.wait_dma2 semaphore(%dma_wait3A_279 : memref<!tpu.dma_semaphore, #tpu.memory_space<semaphore_mem>>) src(%dma_wait3A_286 : memref<16x1024xf32, #tpu.memory_space<vmem>>) dst(%dma_wait3A_282 : memref<16x1024xf32, #tpu.memory_space<hbm>>)
    %dma_wait3A_287 = arith.constant 3 : i32
    %dma_wait3A_288 = arith.constant 3 : i32
    %dma_wait3A_289 = arith.constant 3 : i32
    %dma_wait3A_290 = arith.constant 0 : i32
    %dma_wait3A_291 = arith.constant 0 : i32
    %dma_wait3A_292 = tpu.memref_slice %arg6[%dma_wait3A_287, %dma_wait3A_290, %dma_wait3A_291] : memref<4x16x1024xf32, #tpu.memory_space<vmem>> -> memref<1x16x1024xf32, #tpu.memory_space<vmem>>
    %dma_wait3A_293 = tpu.memref_squeeze %dma_wait3A_292 : memref<1x16x1024xf32, #tpu.memory_space<vmem>> -> memref<16x1024xf32, #tpu.memory_space<vmem>>
    %dma_wait3A_294 = arith.constant 0 : i32
    %dma_wait3A_295 = tpu.memref_slice %arg4[%dma_wait3A_288, %add3A_248, %dma_wait3A_294] : memref<4x512x1024xf32, #tpu.memory_space<hbm>> -> memref<1x16x1024xf32, #tpu.memory_space<hbm>>
    %dma_wait3A_296 = tpu.memref_squeeze %dma_wait3A_295 : memref<1x16x1024xf32, #tpu.memory_space<hbm>> -> memref<16x1024xf32, #tpu.memory_space<hbm>>
    %dma_wait3A_297 = tpu.memref_slice %arg9[%dma_wait3A_289] : memref<4x!tpu.dma_semaphore, #tpu.memory_space<semaphore_mem>> -> memref<1x!tpu.dma_semaphore, #tpu.memory_space<semaphore_mem>>
    %dma_wait3A_298 = tpu.memref_squeeze %dma_wait3A_297 : memref<1x!tpu.dma_semaphore, #tpu.memory_space<semaphore_mem>> -> memref<!tpu.dma_semaphore, #tpu.memory_space<semaphore_mem>>
    %dma_wait3A_299 = arith.constant 0 : i32
    %dma_wait3A_300 = tpu.memref_slice %arg4[%dma_wait3A_288, %add3A_248, %dma_wait3A_299] : memref<4x512x1024xf32, #tpu.memory_space<hbm>> -> memref<1x16x1024xf32, #tpu.memory_space<hbm>>
    %dma_wait3A_301 = tpu.memref_squeeze %dma_wait3A_300 : memref<1x16x1024xf32, #tpu.memory_space<hbm>> -> memref<16x1024xf32, #tpu.memory_space<hbm>>
    %dma_wait3A_302 = arith.constant 0 : i32
    %dma_wait3A_303 = arith.constant 0 : i32
    %dma_wait3A_304 = tpu.memref_slice %arg6[%dma_wait3A_287, %dma_wait3A_302, %dma_wait3A_303] : memref<4x16x1024xf32, #tpu.memory_space<vmem>> -> memref<1x16x1024xf32, #tpu.memory_space<vmem>>
    %dma_wait3A_305 = tpu.memref_squeeze %dma_wait3A_304 : memref<1x16x1024xf32, #tpu.memory_space<vmem>> -> memref<16x1024xf32, #tpu.memory_space<vmem>>
    tpu.wait_dma2 semaphore(%dma_wait3A_298 : memref<!tpu.dma_semaphore, #tpu.memory_space<semaphore_mem>>) src(%dma_wait3A_305 : memref<16x1024xf32, #tpu.memory_space<vmem>>) dst(%dma_wait3A_301 : memref<16x1024xf32, #tpu.memory_space<hbm>>)
    return
  }
}

module attributes {stable_mosaic.version = 14 : i64} {
  func.func @_tc_kernel(%arg0: i32, %arg1: i32, %arg2: memref<1x512x1024xf32, #tpu.memory_space<vmem>>, %arg3: memref<512x1024xf32, #tpu.memory_space<vmem>>, %arg4: memref<1x512x1024xf32, #tpu.memory_space<vmem>>) attributes {dimension_semantics = [#tpu.dimension_semantics<arbitrary>, #tpu.dimension_semantics<arbitrary>], iteration_bounds = array<i64: 3, 4>, scalar_prefetch = 0 : i64, scratch_operands = 0 : i64, tpu.core_type = #tpu.core_type<tc>, window_params = [{transform_indices = @transform_0, window_bounds = array<i64: 1, 512, 1024>}, {transform_indices = @transform_1, window_bounds = array<i64: 512, 1024>}, {transform_indices = @transform_2, window_bounds = array<i64: 1, 512, 1024>}]} {
    %get3A = arith.constant 0 : index
    %get3A_0 = arith.constant 0 : index
    %get3A_1 = arith.constant 0 : index
    %get3A_2 = vector.load %arg2[%get3A, %get3A_0, %get3A_1] : memref<1x512x1024xf32, #tpu.memory_space<vmem>>, vector<1x512x1024xf32>
    %get3A_3 = arith.constant 0 : index
    %get3A_4 = arith.constant 0 : index
    %get3A_5 = vector.load %arg3[%get3A_3, %get3A_4] : memref<512x1024xf32, #tpu.memory_space<vmem>>, vector<512x1024xf32>
    %broadcast_in_dim3A = vector.shape_cast %get3A_5 : vector<512x1024xf32> to vector<1x512x1024xf32>
    %add3A = arith.addf %get3A_2, %broadcast_in_dim3A : vector<1x512x1024xf32>
    %swap3A = arith.constant 0 : index
    %swap3A_6 = arith.constant 0 : index
    %swap3A_7 = arith.constant 0 : index
    %swap3A_8 = vector.load %arg4[%swap3A, %swap3A_6, %swap3A_7] : memref<1x512x1024xf32, #tpu.memory_space<vmem>>, vector<1x512x1024xf32>
    tpu.vector_store %arg4[%swap3A, %swap3A_6, %swap3A_7], %add3A {strides = array<i32>} : memref<1x512x1024xf32, #tpu.memory_space<vmem>>, vector<1x512x1024xf32>,
    return
  }
  func.func @transform_0(%arg0: i32, %arg1: i32) -> (i32, i32, i32) {
    %add3A = arith.constant 1 : i32
    %add3A_0 = arith.addi %arg0, %add3A : i32
    %c0_i32 = arith.constant 0 : i32
    %c0_i32_1 = arith.constant 0 : i32
    return %arg1, %add3A_0, %c0_i32 : i32, i32, i32
  }
  func.func @transform_1(%arg0: i32, %arg1: i32) -> (i32, i32) {
    %add3A = arith.constant 1 : i32
    %add3A_0 = arith.addi %arg0, %add3A : i32
    %c0_i32 = arith.constant 0 : i32
    %c0_i32_1 = arith.constant 0 : i32
    return %add3A_0, %c0_i32 : i32, i32
  }
  func.func @transform_2(%arg0: i32, %arg1: i32) -> (i32, i32, i32) {
    %add3A = arith.constant 1 : i32
    %add3A_0 = arith.addi %arg0, %add3A : i32
    %c0_i32 = arith.constant 0 : i32
    %c0_i32_1 = arith.constant 0 : i32
    return %arg1, %add3A_0, %c0_i32 : i32, i32, i32
  }
}

</mosaic_0001>

<sc_bundles>
// kernel: kernel.4.cloned.1.call-start
scs
__scs_entry_jumppad:
0x0: {  	(pc) =	sbr.rel $0x88, $3  }
0x1: {  	(tag) =	ssettag $0x0;
	lr =	simm.s32 $0x1  }
0x2: {  	[smem:$0x3F9F] =	sst lr;
	_ =	strace $0xD0000000  }
0x3: {  	_ = 	snop  }
0x4: {  	_ = 	snop  }
0x5: {  	_ = 	snop  }
0x6: {  	_ = 	snop  }
0x7: {  	_ = 	snop  }
__scs_overlays_trampoline_lowered:
0x8: {  	[smem:$0x3FAE] =	sst s0  }
0x9: {  	[smem:$0x3FAF] =	sst s1  }
0xa: {  	[smem:$0x3FB0] =	sst s2  }
0xb: {  	[smem:$0x3FB1] =	sst s3  }
0xc: {  	[smem:$0x3FB2] =	sst s4  }
0xd: {  	[smem:$0x3FB3] =	sst s5  }
0xe: {  	[smem:$0x3FB4] =	sst s6  }
0xf: {  	[smem:$0x3FB5] =	sst s7  }
0x10: {  	[smem:$0x3FB6] =	sst s8  }
0x11: {  	[smem:$0x3FB7] =	sst s9;
	s0 =	simm.s32 @!p0 $0x0  }
0x12: {  	s1 =	sld [smem:$0x3F9D];
	s0 =	simm.s32 @p0 $0x1  }
0x13: {  	[smem:$0x3FB8] =	sst s0;
	s0 =	simm.s32 @!p1 $0x0  }
0x14: {  	s2 =	sld [smem:$0x3F9C];
	s0 =	simm.s32 @p1 $0x1  }
0x15: {  	[smem:$0x3FB9] =	sst s0;
	s0 =	simm.s32 @!p2 $0x0  }
0x16: {  	s3 =	sld [smem:$0x3FDB];
	s0 =	simm.s32 @p2 $0x1  }
0x17: {  	s4 =	simm.s32 $0x1BF5;
	[smem:$0x3FBB] =	sst s0  }
0x18: {  	s0 =	sld [smem:$0x3F9E];
	_ =	swait.ge [sflag:s4], $0x0  }
0x19: {  	s7 =	sld [smem:$0x3F9F]  }
0x1a: {  	s8 =	sadd.s32 $0xFFFFE003, lr  }
0x1b: {  	s9 =	sadd.s32 $0xFFFFFEF7, lr;
	s5 =	simm.s32 $0xFFFFFFFF;
	p2 =	slt.u32 s8, $0xFFFFF086  }
0x1c: {  	p1 =	slt.u32 s9, $0xF7A;
	s5 =	simm.s32 @!p2 $0x0  }
0x1d: {  	s5 =	simm.s32 @p1 $0x1;
	p0 =	seq.s32 s7, s2  }
0x1e: {  	s7 =	smul.u32 @!p0 $0xF7A, s2;
	p2 =	seq.s32 @!p0 s5, $0x0  }
0x1f: {  	s9 =	smul.u32 $0xF7A, s1;
	s8 =	simm.s32 @!p0 $0x1BF5;
	p2 =	por !p2, p0  }
0x20: {  	[sflag:s8] =	ssyncset.s32 @!p0 $0xFFFFF086;
	s6 =	sadd.s32 @!p0 s3, s7;
	s7 =	simm.s32 @!p0 $0x108  }
0x21: {  	s3 =	sadd.s32 s3, s9;
	s6 =	sadd.s32 @!p0 $0x88, s6;
	s7 =	simm.s32 @p2 $0x1082  }
0x22: {  	[simem:s7], [sflag:s8] =	dma.local @!p0 [hbm:s6], $0xF7A  }
0x23: {  	s9 =	sor.u32 $0xD0000000, s2;
	s6 =	simm.s32 $0x108;
	_ =	swait.ge @!p0 [sflag:s8], $0x0  }
0x24: {  	s3 =	sadd.s32 $0x88, s3;
	s6 =	simm.s32 @!p1 $0x1082;
	[sflag:s4] =	ssyncset.s32 $0xFFFFF086  }
0x25: {  	[simem:s6], [sflag:s4] =	dma.local [hbm:s3], $0xF7A  }
0x26: {  	[smem:$0x3F9F] =	sst s1;
	(tag) =	ssettag s2;
	_ =	strace s9  }
0x27: {  	s1 =	sld [smem:$0x3FAF]  }
0x28: {  	s2 =	sld [smem:$0x3FB0]  }
0x29: {  	s4 =	sld [smem:$0x3FB2]  }
0x2a: {  	p0 =	seq.s32 s5, $0x0;
	s5 =	sld [smem:$0x3FB3]  }
0x2b: {  	s6 =	sld [smem:$0x3FB4]  }
0x2c: {  	s7 =	sld [smem:$0x3FB5]  }
0x2d: {  	s3 =	simm.s32 $0x108;
	s8 =	sld [smem:$0x3FB6]  }
0x2e: {  	s3 =	simm.s32 @!p0 $0x1082;
	s9 =	sld [smem:$0x3FB7]  }
0x2f: {  	lr =	sadd.s32 s0, s3;
	s0 =	sld [smem:$0x3FAE]  }
0x30: {  	s3 =	sld [smem:$0x3FB1]  }
0x31: {  	[smem:$0x3FBA] =	sst s10  }
0x32: {  	s10 =	sld [smem:$0x3FB8];
	_ =	sdelay $0x3  }
0x33: {  	p0 =	seq.s32 s10, $0x1;
	s10 =	sld [smem:$0x3FBA];
	_ =	sdelay $0x3  }
0x34: {  	[smem:$0x3FBA] =	sst s10  }
0x35: {  	s10 =	sld [smem:$0x3FB9];
	_ =	sdelay $0x3  }
0x36: {  	p1 =	seq.s32 s10, $0x1;
	s10 =	sld [smem:$0x3FBA];
	_ =	sdelay $0x3  }
0x37: {  	[smem:$0x3FBA] =	sst s10  }
0x38: {  	s10 =	sld [smem:$0x3FBB]  }
0x39: {  	_ = 	snop;
	(pc) =	sbr.ind lr, $3  }
0x3a: {  	_ = 	snop  }
0x3b: {  	_ = 	snop  }
0x3c: {  	p2 =	seq.s32 s10, $0x1;
	s10 =	sld [smem:$0x3FBA]  }
0x3d: {  	_ =	shalt  }
0x3e: {  	_ =	shalt  }
0x3f: {  	_ =	shalt  }
0x40: {  	_ =	shalt  }
0x41: {  	_ =	shalt  }
0x42: {  	_ =	shalt  }
0x43: {  	_ =	shalt  }
0x44: {  	_ =	shalt  }
0x45: {  	_ =	shalt  }
0x46: {  	_ =	shalt  }
0x47: {  	_ =	shalt  }
0x48: {  	_ =	shalt  }
0x49: {  	_ =	shalt  }
0x4a: {  	_ =	shalt  }
0x4b: {  	_ =	shalt  }
0x4c: {  	_ =	shalt  }
0x4d: {  	_ =	shalt  }
0x4e: {  	_ =	shalt  }
0x4f: {  	_ =	shalt  }
0x50: {  	_ =	shalt  }
0x51: {  	_ =	shalt  }
0x52: {  	_ =	shalt  }
0x53: {  	_ =	shalt  }
0x54: {  	_ =	shalt  }
0x55: {  	_ =	shalt  }
0x56: {  	_ =	shalt  }
0x57: {  	_ =	shalt  }
0x58: {  	_ =	shalt  }
0x59: {  	_ =	shalt  }
0x5a: {  	_ =	shalt  }
0x5b: {  	_ =	shalt  }
0x5c: {  	_ =	shalt  }
0x5d: {  	_ =	shalt  }
0x5e: {  	_ =	shalt  }
0x5f: {  	_ =	shalt  }
0x60: {  	_ =	shalt  }
0x61: {  	_ =	shalt  }
0x62: {  	_ =	shalt  }
0x63: {  	_ =	shalt  }
0x64: {  	_ =	shalt  }
0x65: {  	_ =	shalt  }
0x66: {  	_ =	shalt  }
0x67: {  	_ =	shalt  }
0x68: {  	_ =	shalt  }
0x69: {  	_ =	shalt  }
0x6a: {  	_ =	shalt  }
0x6b: {  	_ =	shalt  }
0x6c: {  	_ =	shalt  }
0x6d: {  	_ =	shalt  }
0x6e: {  	_ =	shalt  }
0x6f: {  	_ =	shalt  }
0x70: {  	_ =	shalt  }
0x71: {  	_ =	shalt  }
0x72: {  	_ =	shalt  }
0x73: {  	_ =	shalt  }
0x74: {  	_ =	shalt  }
0x75: {  	_ =	shalt  }
0x76: {  	_ =	shalt  }
0x77: {  	_ =	shalt  }
0x78: {  	_ =	shalt  }
0x79: {  	_ =	shalt  }
0x7a: {  	_ =	shalt  }
0x7b: {  	_ =	shalt  }
0x7c: {  	_ =	shalt  }
0x7d: {  	_ =	shalt  }
0x7e: {  	_ =	shalt  }
0x7f: {  	_ =	shalt  }
0x80: {  	_ =	shalt  }
0x81: {  	_ =	shalt  }
0x82: {  	_ =	shalt  }
0x83: {  	_ =	shalt  }
0x84: {  	_ =	shalt  }
0x85: {  	_ =	shalt  }
0x86: {  	_ =	shalt  }
0x87: {  	_ =	shalt  }
.Lfunc_end0:
.L_simem_size_0:
called_computation_lowered:
.L_overlay_start_0:
0x88: {  	s2 =	sld [smem:$0x3FD9]  }
0x89: {  	s3 =	sld [smem:$0x3FFE];
	_ =	sdelay $0x1  }
0x8a: {  	s1 =	srdreg.scid  }
0x8b: {  	s0 =	sand.u32 $0x1, s1  }
0x8c: {  	s17 =	sshll.u32 s0, $0xA;
	s2 =	sadd.s32 s3, s2  }
0x8d: {  	s2 =	sadd.s32 s2, s17  }
0x8e: {  	[smem:$0x3FC6] =	sst s2  }
0x8f: {  	_ = 	snop  }
0x90: {  	s2 =	sld [smem:$0x3FC9]  }
0x91: {  	s18 =	sld [smem:$0x3FC8];
	(tm) =	ssettm $0x1  }
0x92: {  	s4 =	sld [smem:$0x3FFB];
	_ =	sdelay $0x3  }
0x93: {  	_ =	strace s4  }
0x94: {  	s4 =	sld [smem:$0x3FFC];
	_ =	sdelay $0x3  }
0x95: {  	_ =	strace s4  }
0x96: {  	s4 =	sld [smem:$0x3FFD];
	_ =	sdelay $0x3  }
0x97: {  	_ =	strace s4  }
0x98: {  	_ =	strace $0x8FFFFFFF  }
0x99: {  	s19 =	sld [smem:$0x3FDB];
	_ =	sdelay $0x1  }
0x9a: {  	s5 =	simm.s32 $_scs_section_size  }
0x9b: {  	s6 =	simm.s32 $_size__tile_overlayer_lowered;
	s7 =	simm.s32 $_tile_overlayer_lowered  }
0x9c: {  	s22 =	simm.s32 $0x1BFF;
	s21 =	sshll.u32 s7, $0x1;
	s4 =	sadd.s32 s5, s19  }
0x9d: {  	s8 =	simm.s32 $0x0;
	s20 =	sshll.u32 s6, $0x1;
	s6 =	sadd.s32 s21, s4  }
0x9e: {  	[timem:s8], [sflag:s22] =	dma.local [hbm:s6], s20  }
0x9f: {  	_ =	swait.ge [sflag:s22], s20  }
0xa0: {  	s5 =	ssub.s32 $0x0, s20;
	[sflag:s22] =	ssyncset.done $0x0  }
0xa1: {  	[sflag:s22] =	ssyncadd.s32 s5;
	_ =	sdelay $0x1  }
0xa2: {  	s23 =	simm.s32 $0x1B8B  }
0xa3: {  	_ =	swait.ge [sflag:s23], $0x1  }
0xa4: {  	[sflag:s23] =	ssyncset.done $0x0  }
0xa5: {  	s25 =	simm.s32 $0x1B8E;
	s24 =	sld [smem:$0x3FFE];
	[sflag:s23] =	ssyncadd.s32 $0xFFFFFFFF  }
0xa6: {  	s26 =	simm.s32 $execute0_lowered;
	[smem:$0x3FD2] =	sst s25  }
0xa7: {  	s6 =	sshll.u32 s26, $0x1;
	_ =	strace $0x80000046;
	[dreg:$0x1] =	wrdreg $0xFFFFFFFF  }
0xa8: {  	s28 =	simm.s32 $_size_execute0_lowered;
	s4 =	sadd.s32 s4, s6;
	[dreg:$0x0] =	wrdreg $0x0  }
0xa9: {  	s6 =	sshll.u32 s28, $0x1;
	[dreg:$0x2] =	wrdreg s4  }
0xaa: {  	[dreg:$0x3] =	wrdreg s6  }
0xab: {  	[dreg:$0x4] =	wrdreg $0xC0  }
0xac: {  	_ =	task [dreg:s8], $0x5FFFF  }
0xad: {  	[dreg:$0x1] =	wrdreg $0xFFFFFFFF  }
0xae: {  	[dreg:$0x0] =	wrdreg $0x60  }
0xaf: {  	[dreg:$0x2] =	wrdreg s2  }
0xb0: {  	[dreg:$0x3] =	wrdreg s18  }
0xb1: {  	[dreg:$0x4] =	wrdreg s24  }
0xb2: {  	[dreg:$0x5] =	wrdreg $0x9  }
0xb3: {  	_ =	task.clear_ibuf [dreg:s8], $0x6FFFF;
	_ =	strace $0x90000046  }
0xb4: {  	s29 =	simm.s32 $0x9;
	_ =	strace $0x80000048  }
0xb5: {  	_ =	swait.ge [sflag:s29], $0x1  }
0xb6: {  	[sflag:s29] =	ssyncadd.s32 $0xFFFFFFFF  }
0xb7: {  	_ =	strace $0x90000048  }
0xb8: {  	_ =	sfence  }
0xb9: {  	s30 =	sld [smem:$0x0];
	_ =	sdelay $0x2  }
0xba: {  	s31 =	sshll.u32 s1, $0xD;
	s1 =	sshrl.u32 s1, $0x2  }
0xbb: {  	s3 =	sand.u32 $0x4000, s31;
	s1 =	sadd.s32 s1, s30  }
0xbc: {  	s0 =	sor.u32 s3, s0;
	s1 =	sshll.u32 s1, $0x11  }
0xbd: {  	s0 =	sor.u32 s1, s0  }
0xbe: {  	s0 =	sadd.s32 $0x8F2B, s0  }
0xbf: {  	[sflag:s0] =	ssyncadd.remote.s32 $0x1  }
0xc0: {  	_ =	sfence.sel $0xFFFF  }
0xc1: {  	[dreg:$0x0] =	wrdreg $0xFFFFFFFF;
	(pc) =	sbr.abs _section_cstart, $3  }
0xc2: {  	[dreg:$0x1] =	wrdreg $0xFFFFFFFF  }
0xc3: {  	_ =	task.clear_ibuf [dreg:s8], $0x2FFFF;
	_ =	strace $0x9FFFFFFF  }
0xc4: {  	(tm) =	ssettm $0x7FFFFFFF  }
0xc5: {  	_ =	shalt  }
tec
execute0_lowered:
.L_overlay_start_1:
0x0: {  	(tag) =	ssettag $0x1  }
0x1: {  	s4 =	srdreg.scid  }
0x2: {  	s0 =	rddreg [dreg:$0x0];
	s5 =	stileid.u32;
	s4 =	sand.u32 $0x1, s4  }
0x3: {  	s1 =	rddreg [dreg:$0x1];
	s5 =	sshll.u32 s5, $0xC;
	s6 =	sshll.u32 s4, $0xB  }
0x4: {  	s3 =	rddreg [dreg:$0x2];
	s2 =	simm.s32 $0x0;
	s5 =	sor.u32 s6, s5  }
0x5: {  	[smem:$0x7FF] =	sst s2;
	s1 =	sadd.s32 s1, s5  }
0x6: {  	_ =	strace $0x80000047;
	s0 =	sadd.s32 s0, s5;
	[dreg:$0x5] =	wrdreg s1  }
0x7: {  	s24 =	sadd.s32 $0x40000, s0;
	[dreg:$0x4] =	wrdreg s0  }
0x8: {  	s3 =	sadd.s32 s5, s3;
	s25 =	sadd.s32 $0x80000, s0;
	[dreg:$0x6] =	wrdreg s24  }
0x9: {  	s26 =	sadd.s32 $0x600, s3;
	[dreg:$0x7] =	wrdreg s25  }
0xa: {  	s0 =	sadd.s32 $0xC0000, s0;
	[dreg:$0x8] =	wrdreg s26  }
0xb: {  	s4 =	ssub.s32 $0x2, s4;
	s28 =	sadd.s32 $0x10600, s3;
	[dreg:$0x9] =	wrdreg s0  }
0xc: {  	s23 =	sshrl.u32 s4, $0x1;
	s29 =	sadd.s32 $0x20600, s3;
	[dreg:$0xa] =	wrdreg s28  }
0xd: {  	s4 =	ssub.s32 s4, s23;
	s30 =	sadd.s32 $0x30600, s3;
	[dreg:$0xb] =	wrdreg s29  }
0xe: {  	s31 =	smax.u32 s4, $0x1;
	[dreg:$0xc] =	wrdreg s30  }
0xf: {  	s23 =	simm.s32 $0x9;
	[dreg:$0xd] =	wrdreg s31;
	s24 =	simm.s32 $0x0  }
.LBB2_1:
0x10: {  	s0 =	rddreg [dreg:$0x5]  }
0x11: {  	[tilespmem:s2], [sflag:$0x1] =	stream.linear.gather [hbm4b:s0+s2], $0x4000, $0x38;
	[tilespmem:$0x14000] =	vst v63  }
0x12: {  	s3 =	rddreg [dreg:$0x4];
	s1 =	simm.s32 $0x4000  }
0x13: {  	[tilespmem:s1], [sflag:$0x2] =	stream.linear.gather [hbm4b:s3+s2], $0x4000, $0x38;
	[tilespmem:$0x14000] =	vst v63  }
0x14: {  	s4 =	rddreg [dreg:$0x6];
	s5 =	simm.s32 $0x8000  }
0x15: {  	[tilespmem:s5], [sflag:$0x3] =	stream.linear.gather [hbm4b:s4+s2], $0x4000, $0x38;
	[tilespmem:$0x14000] =	vst v63  }
0x16: {  	s6 =	rddreg [dreg:$0x7];
	s7 =	simm.s32 $0xC000;
	s8 =	simm.s32 $0x1  }
0x17: {  	[tilespmem:s7], [sflag:$0x4] =	stream.linear.gather [hbm4b:s6+s2], $0x4000, $0x38;
	[tilespmem:$0x14000] =	vst v63  }
0x18: {  	_ =	swait.ge [sflag:s8], $0x4000  }
0x19: {  	[sflag:s8] =	ssyncset.done $0x0  }
0x1a: {  	s3 =	simm.s32 $0x2;
	[sflag:s8] =	ssyncadd.s32 $0xFFFFC000  }
0x1b: {  	s4 =	simm.s32 $0x0;
	_ =	swait.ge [sflag:s3], $0x4000  }
0x1c: {  	s10 =	sand.u32 $0x1C00, s2;
	s9 =	sand.u32 $0x60, s4;
	[sflag:s3] =	ssyncset.done $0x0  }
0x1d: {  	s0 =	sor.u32 s9, s10;
	[sflag:s3] =	ssyncadd.s32 $0xFFFFC000  }
0x1e: {  	v0 =	vld [tilespmem:s0+$0x10];
	_ =	sdelay $0x3  }
0x1f: {  	s1 =	sor.u32 $0x4010, s0;
	v1 =	vld [tilespmem:s0+$0x0]  }
0x20: {  	[tilespmem:s1+$0x0] =	vst.add.f32.msk $0xffff, v0  }
0x21: {  	v0 =	vld [tilespmem:s0+$0x90];
	_ =	sdelay $0x1  }
0x22: {  	s12 =	sor.u32 $0x4000, s0  }
0x23: {  	[tilespmem:s12+$0x0] =	vst.add.f32.msk $0xffff, v1  }
0x24: {  	s11 =	sor.u32 $0x4090, s0;
	v1 =	vld [tilespmem:s0+$0x80]  }
0x25: {  	[tilespmem:s11+$0x0] =	vst.add.f32.msk $0xffff, v0  }
0x26: {  	v0 =	vld [tilespmem:s0+$0x110];
	_ =	sdelay $0x1  }
0x27: {  	s14 =	sor.u32 $0x4080, s0  }
0x28: {  	[tilespmem:s14+$0x0] =	vst.add.f32.msk $0xffff, v1  }
0x29: {  	s13 =	sor.u32 $0x4110, s0;
	v1 =	vld [tilespmem:s0+$0x100]  }
0x2a: {  	[tilespmem:s13+$0x0] =	vst.add.f32.msk $0xffff, v0  }
0x2b: {  	v0 =	vld [tilespmem:s0+$0x190];
	_ =	sdelay $0x1  }
0x2c: {  	s16 =	sor.u32 $0x4100, s0  }
0x2d: {  	[tilespmem:s16+$0x0] =	vst.add.f32.msk $0xffff, v1  }
0x2e: {  	s15 =	sor.u32 $0x4190, s0;
	v1 =	vld [tilespmem:s0+$0x180]  }
0x2f: {  	[tilespmem:s15+$0x0] =	vst.add.f32.msk $0xffff, v0  }
0x30: {  	v0 =	vld [tilespmem:s0+$0x210];
	_ =	sdelay $0x1  }
0x31: {  	s18 =	sor.u32 $0x4180, s0  }
0x32: {  	[tilespmem:s18+$0x0] =	vst.add.f32.msk $0xffff, v1  }
0x33: {  	s17 =	sor.u32 $0x4210, s0;
	v1 =	vld [tilespmem:s0+$0x200]  }
0x34: {  	[tilespmem:s17+$0x0] =	vst.add.f32.msk $0xffff, v0  }
0x35: {  	v0 =	vld [tilespmem:s0+$0x290]  }
0x36: {  	s19 =	sand.u32 $0x3, s2  }
0x37: {  	s6 =	sor.u32 $0x4200, s0;
	s1 =	sshll.u32 s19, $0x5  }
0x38: {  	s1 =	sadd.s32 $0x0, s1;
	[tilespmem:s6+$0x0] =	vst.add.f32.msk $0xffff, v1  }
0x39: {  	s5 =	sor.u32 $0x4290, s0;
	s3 =	sadd.s32 $0x10, s1;
	v1 =	vld [tilespmem:s0+$0x280]  }
0x3a: {  	s20 =	sor.u32 $0x300, s3;
	[tilespmem:s5+$0x0] =	vst.add.f32.msk $0xffff, v0  }
0x3b: {  	v0 =	vld [tilespmem:s20+$0x0];
	_ =	sdelay $0x1  }
0x3c: {  	s22 =	sor.u32 $0x4280, s0  }
0x3d: {  	s7 =	sor.u32 $0x300, s1;
	[tilespmem:s22+$0x0] =	vst.add.f32.msk $0xffff, v1  }
0x3e: {  	v1 =	vld [tilespmem:s7+$0x0]  }
0x3f: {  	s21 =	sor.u32 $0x380, s3;
	[tilespmem:s20+$0x4000] =	vst.add.f32.msk $0xffff, v0  }
0x40: {  	v0 =	vld [tilespmem:s21+$0x0];
	_ =	sdelay $0x1  }
0x41: {  	s4 =	sor.u32 s4, s2  }
0x42: {  	s25 =	sor.u32 $0x380, s4;
	[tilespmem:s7+$0x4000] =	vst.add.f32.msk $0xffff, v1  }
0x43: {  	v1 =	vld [tilespmem:s25+$0x0]  }
0x44: {  	[tilespmem:s21+$0x4000] =	vst.add.f32.msk $0xffff, v0  }
0x45: {  	v0 =	vld [tilespmem:s0+$0x2010];
	_ =	sdelay $0x2  }
0x46: {  	[tilespmem:s25+$0x4000] =	vst.add.f32.msk $0xffff, v1  }
0x47: {  	s26 =	sor.u32 $0x6010, s0;
	v1 =	vld [tilespmem:s0+$0x2000]  }
0x48: {  	[tilespmem:s26+$0x0] =	vst.add.f32.msk $0xffff, v0  }
0x49: {  	v0 =	vld [tilespmem:s0+$0x2090];
	_ =	sdelay $0x1  }
0x4a: {  	s8 =	sor.u32 $0x6000, s0  }
0x4b: {  	[tilespmem:s8+$0x0] =	vst.add.f32.msk $0xffff, v1  }
0x4c: {  	s7 =	sor.u32 $0x6090, s0;
	v1 =	vld [tilespmem:s0+$0x2080]  }
0x4d: {  	s28 =	simm.s32 $0x100;
	s26 =	simm.s32 $0x20;
	[tilespmem:s7+$0x0] =	vst.add.f32.msk $0xffff, v0  }
0x4e: {  	s10 =	sand.u32 $0x1C00, s28;
	s9 =	sand.u32 $0x60, s26;
	v0 =	vld [tilespmem:s0+$0x2110]  }
0x4f: {  	s25 =	sor.u32 s9, s10  }
0x50: {  	s12 =	sor.u32 $0x6080, s0;
	v2 =	vld [tilespmem:s25+$0x10]  }
0x51: {  	[tilespmem:s12+$0x0] =	vst.add.f32.msk $0xffff, v1  }
0x52: {  	s11 =	sor.u32 $0x6110, s0;
	v1 =	vld [tilespmem:s25+$0x0]  }
0x53: {  	[tilespmem:s11+$0x0] =	vst.add.f32.msk $0xffff, v0  }
0x54: {  	s13 =	sor.u32 $0x4010, s25;
	v0 =	vld [tilespmem:s0+$0x2190]  }
0x55: {  	[tilespmem:s13+$0x0] =	vst.add.f32.msk $0xffff, v2  }
0x56: {  	s15 =	sor.u32 $0x4000, s25;
	v2 =	vld [tilespmem:s25+$0x90]  }
0x57: {  	[tilespmem:s15+$0x0] =	vst.add.f32.msk $0xffff, v1  }
0x58: {  	s14 =	sor.u32 $0x6190, s0;
	v1 =	vld [tilespmem:s25+$0x80]  }
0x59: {  	[tilespmem:s14+$0x0] =	vst.add.f32.msk $0xffff, v0  }
0x5a: {  	s16 =	sor.u32 $0x4090, s25;
	v0 =	vld [tilespmem:s0+$0x2210]  }
0x5b: {  	[tilespmem:s16+$0x0] =	vst.add.f32.msk $0xffff, v2  }
0x5c: {  	s18 =	sor.u32 $0x4080, s25;
	v2 =	vld [tilespmem:s25+$0x110]  }
0x5d: {  	[tilespmem:s18+$0x0] =	vst.add.f32.msk $0xffff, v1  }
0x5e: {  	s17 =	sor.u32 $0x6210, s0;
	v1 =	vld [tilespmem:s25+$0x100]  }
0x5f: {  	[tilespmem:s17+$0x0] =	vst.add.f32.msk $0xffff, v0  }
0x60: {  	s19 =	sor.u32 $0x4110, s25;
	v0 =	vld [tilespmem:s0+$0x2290]  }
0x61: {  	[tilespmem:s19+$0x0] =	vst.add.f32.msk $0xffff, v2  }
0x62: {  	s6 =	sor.u32 $0x4100, s25;
	v2 =	vld [tilespmem:s25+$0x190]  }
0x63: {  	[tilespmem:s6+$0x0] =	vst.add.f32.msk $0xffff, v1  }
0x64: {  	s20 =	sor.u32 $0x6290, s0;
	v1 =	vld [tilespmem:s25+$0x180]  }
0x65: {  	s21 =	sor.u32 $0x2300, s3;
	[tilespmem:s20+$0x0] =	vst.add.f32.msk $0xffff, v0  }
0x66: {  	s22 =	sor.u32 $0x4190, s25;
	v0 =	vld [tilespmem:s21+$0x0]  }
0x67: {  	[tilespmem:s22+$0x0] =	vst.add.f32.msk $0xffff, v2  }
0x68: {  	s6 =	sor.u32 $0x4180, s25;
	v2 =	vld [tilespmem:s25+$0x210]  }
0x69: {  	[tilespmem:s6+$0x0] =	vst.add.f32.msk $0xffff, v1  }
0x6a: {  	v1 =	vld [tilespmem:s25+$0x200]  }
0x6b: {  	s3 =	sor.u32 $0x2380, s3;
	[tilespmem:s21+$0x4000] =	vst.add.f32.msk $0xffff, v0  }
0x6c: {  	s7 =	sor.u32 $0x4210, s25;
	v0 =	vld [tilespmem:s3+$0x0]  }
0x6d: {  	[tilespmem:s7+$0x0] =	vst.add.f32.msk $0xffff, v2  }
0x6e: {  	s29 =	simm.s32 $0x1;
	v2 =	vld [tilespmem:s25+$0x290]  }
0x6f: {  	s8 =	sand.u32 $0x3, s29;
	s9 =	sor.u32 $0x4200, s25;
	v3 =	vld [tilespmem:s0+$0x2100]  }
0x70: {  	s10 =	sshll.u32 s8, $0x5;
	[tilespmem:s9+$0x0] =	vst.add.f32.msk $0xffff, v1  }
0x71: {  	[tilespmem:s3+$0x4000] =	vst.add.f32.msk $0xffff, v0;
	s3 =	sadd.s32 $0x100, s10  }
0x72: {  	s11 =	sor.u32 $0x4290, s25;
	v0 =	vld [tilespmem:s25+$0x280];
	s30 =	sadd.s32 $0x10, s3  }
0x73: {  	[tilespmem:s11+$0x0] =	vst.add.f32.msk $0xffff, v2;
	s12 =	sor.u32 $0x300, s30  }
0x74: {  	s13 =	sor.u32 $0x6100, s0;
	v1 =	vld [tilespmem:s12+$0x0]  }
0x75: {  	[tilespmem:s13+$0x0] =	vst.add.f32.msk $0xffff, v3  }
0x76: {  	s14 =	sor.u32 $0x4280, s25;
	v2 =	vld [tilespmem:s0+$0x2180]  }
0x77: {  	s15 =	sor.u32 $0x300, s3;
	[tilespmem:s14+$0x0] =	vst.add.f32.msk $0xffff, v0  }
0x78: {  	v0 =	vld [tilespmem:s15+$0x0]  }
0x79: {  	s16 =	sor.u32 $0x380, s30;
	[tilespmem:s12+$0x4000] =	vst.add.f32.msk $0xffff, v1  }
0x7a: {  	s17 =	sor.u32 $0x6180, s0;
	v1 =	vld [tilespmem:s16+$0x0]  }
0x7b: {  	[tilespmem:s17+$0x0] =	vst.add.f32.msk $0xffff, v2  }
0x7c: {  	s18 =	sor.u32 s26, s28;
	v2 =	vld [tilespmem:s0+$0x2200]  }
0x7d: {  	s8 =	sor.u32 $0x380, s18;
	[tilespmem:s15+$0x4000] =	vst.add.f32.msk $0xffff, v0  }
0x7e: {  	v0 =	vld [tilespmem:s8+$0x0]  }
0x7f: {  	[tilespmem:s16+$0x4000] =	vst.add.f32.msk $0xffff, v1  }
0x80: {  	s19 =	sor.u32 $0x6200, s0;
	v1 =	vld [tilespmem:s25+$0x2010]  }
0x81: {  	[tilespmem:s19+$0x0] =	vst.add.f32.msk $0xffff, v2  }
0x82: {  	v2 =	vld [tilespmem:s0+$0x2280]  }
0x83: {  	[tilespmem:s8+$0x4000] =	vst.add.f32.msk $0xffff, v0  }
0x84: {  	s20 =	sor.u32 $0x6010, s25;
	v3 =	vld [tilespmem:s25+$0x2000]  }
0x85: {  	[tilespmem:s20+$0x0] =	vst.add.f32.msk $0xffff, v1  }
0x86: {  	s0 =	sor.u32 $0x6280, s0;
	v4 =	vld [tilespmem:s25+$0x2090]  }
0x87: {  	s1 =	sor.u32 $0x2300, s1;
	[tilespmem:s0+$0x0] =	vst.add.f32.msk $0xffff, v2  }
0x88: {  	s21 =	sor.u32 $0x6000, s25;
	v0 =	vld [tilespmem:s1+$0x0]  }
0x89: {  	[tilespmem:s21+$0x0] =	vst.add.f32.msk $0xffff, v3  }
0x8a: {  	s31 =	sor.u32 $0x2380, s4;
	s4 =	sor.u32 $0x6080, s25;
	s22 =	sor.u32 $0x6090, s25;
	v1 =	vld [tilespmem:s25+$0x2080]  }
0x8b: {  	s13 =	sor.u32 $0x6280, s25;
	s3 =	sor.u32 $0x2300, s3;
	s14 =	sor.u32 $0x6200, s25;
	[tilespmem:s22+$0x0] =	vst.add.f32.msk $0xffff, v4  }
0x8c: {  	s15 =	sor.u32 $0x6180, s25;
	s0 =	sor.u32 $0x2380, s18;
	s18 =	sor.u32 $0x6100, s25;
	v2 =	vld [tilespmem:s25+$0x2110]  }
.LBB2_2:
0x8d: {  	s26 =	sadd.s32 $0x20, s26;
	s28 =	sadd.s32 $0x100, s28;
	[tilespmem:s1+$0x4000] =	vst.add.f32.msk $0xffff, v0;
	s1 =	smov.u32 s3  }
0x8e: {  	s3 =	sand.u32 $0x60, s26;
	s5 =	sand.u32 $0x1C00, s28;
	s7 =	sor.u32 s26, s28;
	v0 =	vld [tilespmem:s31+$0x0]  }
0x8f: {  	s6 =	sor.u32 s3, s5;
	s5 =	sor.u32 $0x380, s7;
	s10 =	sor.u32 $0x2380, s7;
	[tilespmem:s4+$0x0] =	vst.add.f32.msk $0xffff, v1  }
0x90: {  	s4 =	sor.u32 $0x6110, s25;
	s19 =	sor.u32 $0x4000, s6;
	s20 =	sor.u32 $0x4080, s6;
	v1 =	vld [tilespmem:s6+$0x10]  }
0x91: {  	s21 =	sor.u32 $0x4100, s6;
	s17 =	sor.u32 $0x4180, s6;
	s3 =	sor.u32 $0x4200, s6;
	[tilespmem:s4+$0x0] =	vst.add.f32.msk $0xffff, v2  }
0x92: {  	s12 =	sor.u32 $0x4280, s6;
	s7 =	sor.u32 $0x6000, s6;
	s4 =	sor.u32 $0x6080, s6;
	v2 =	vld [tilespmem:s25+$0x2190]  }
0x93: {  	s16 =	sor.u32 $0x6100, s6;
	s11 =	sor.u32 $0x6180, s6;
	s9 =	sor.u32 $0x6200, s6;
	v3 =	vld [tilespmem:s6+$0x0]  }
0x94: {  	p0 =	slt.u32 s26, $0x3E0;
	s8 =	sor.u32 $0x6280, s6;
	s22 =	sor.u32 $0x4010, s6;
	v4 =	vld [tilespmem:s25+$0x2100]  }
0x95: {  	[tilespmem:s22+$0x0] =	vst.add.f32.msk $0xffff, v1  }
0x96: {  	s22 =	sor.u32 $0x6190, s25;
	v1 =	vld [tilespmem:s6+$0x90]  }
0x97: {  	[tilespmem:s22+$0x0] =	vst.add.f32.msk $0xffff, v2  }
0x98: {  	v2 =	vld [tilespmem:s25+$0x2210]  }
0x99: {  	[tilespmem:s19+$0x0] =	vst.add.f32.msk $0xffff, v3  }
0x9a: {  	s19 =	sor.u32 $0x4090, s6;
	v3 =	vld [tilespmem:s6+$0x80]  }
0x9b: {  	[tilespmem:s19+$0x0] =	vst.add.f32.msk $0xffff, v1  }
0x9c: {  	s19 =	sor.u32 $0x6210, s25;
	v1 =	vld [tilespmem:s6+$0x110]  }
0x9d: {  	[tilespmem:s19+$0x0] =	vst.add.f32.msk $0xffff, v2  }
0x9e: {  	v2 =	vld [tilespmem:s25+$0x2290]  }
0x9f: {  	[tilespmem:s20+$0x0] =	vst.add.f32.msk $0xffff, v3  }
0xa0: {  	s19 =	sor.u32 $0x4110, s6;
	v3 =	vld [tilespmem:s6+$0x100]  }
0xa1: {  	[tilespmem:s19+$0x0] =	vst.add.f32.msk $0xffff, v1  }
0xa2: {  	s19 =	sor.u32 $0x6290, s25;
	v1 =	vld [tilespmem:s6+$0x190]  }
0xa3: {  	[tilespmem:s19+$0x0] =	vst.add.f32.msk $0xffff, v2;
	s19 =	sor.u32 $0x2300, s30  }
0xa4: {  	v2 =	vld [tilespmem:s19+$0x0]  }
0xa5: {  	[tilespmem:s21+$0x0] =	vst.add.f32.msk $0xffff, v3  }
0xa6: {  	s20 =	sor.u32 $0x4190, s6;
	v3 =	vld [tilespmem:s6+$0x180]  }
0xa7: {  	[tilespmem:s20+$0x0] =	vst.add.f32.msk $0xffff, v1  }
0xa8: {  	v1 =	vld [tilespmem:s6+$0x210]  }
0xa9: {  	[tilespmem:s19+$0x4000] =	vst.add.f32.msk $0xffff, v2;
	s19 =	sor.u32 $0x2380, s30  }
0xaa: {  	v2 =	vld [tilespmem:s19+$0x0]  }
0xab: {  	[tilespmem:s17+$0x0] =	vst.add.f32.msk $0xffff, v3  }
0xac: {  	s17 =	sor.u32 $0x4210, s6;
	v3 =	vld [tilespmem:s6+$0x200]  }
0xad: {  	[tilespmem:s17+$0x0] =	vst.add.f32.msk $0xffff, v1  }
0xae: {  	s29 =	sadd.s32 $0x1, s29;
	v1 =	vld [tilespmem:s6+$0x290]  }
0xaf: {  	s17 =	sand.u32 $0x3, s29;
	[tilespmem:s19+$0x4000] =	vst.add.f32.msk $0xffff, v2  }
0xb0: {  	s17 =	sshll.u32 s17, $0x5;
	[tilespmem:s18+$0x0] =	vst.add.f32.msk $0xffff, v4;
	s18 =	smov.u32 s16  }
0xb1: {  	s16 =	sadd.s32 s17, s28;
	[tilespmem:s3+$0x0] =	vst.add.f32.msk $0xffff, v3  }
0xb2: {  	s19 =	sor.u32 $0x4290, s6;
	s17 =	sor.u32 $0x300, s16;
	s30 =	sadd.s32 $0x10, s16;
	v2 =	vld [tilespmem:s6+$0x280]  }
0xb3: {  	s3 =	sor.u32 $0x2300, s16;
	s16 =	sor.u32 $0x300, s30;
	[tilespmem:s19+$0x0] =	vst.add.f32.msk $0xffff, v1  }
0xb4: {  	v1 =	vld [tilespmem:s16+$0x0]  }
0xb5: {  	v3 =	vld [tilespmem:s25+$0x2180]  }
0xb6: {  	[tilespmem:s31+$0x4000] =	vst.add.f32.msk $0xffff, v0;
	s31 =	smov.u32 s0;
	s0 =	smov.u32 s10  }
0xb7: {  	[tilespmem:s12+$0x0] =	vst.add.f32.msk $0xffff, v2  }
0xb8: {  	v0 =	vld [tilespmem:s17+$0x0]  }
0xb9: {  	s10 =	sor.u32 $0x380, s30;
	[tilespmem:s16+$0x4000] =	vst.add.f32.msk $0xffff, v1  }
0xba: {  	v1 =	vld [tilespmem:s10+$0x0]  }
0xbb: {  	[tilespmem:s15+$0x0] =	vst.add.f32.msk $0xffff, v3;
	s15 =	smov.u32 s11  }
0xbc: {  	v2 =	vld [tilespmem:s25+$0x2200]  }
0xbd: {  	[tilespmem:s17+$0x4000] =	vst.add.f32.msk $0xffff, v0  }
0xbe: {  	v0 =	vld [tilespmem:s5+$0x0]  }
0xbf: {  	[tilespmem:s10+$0x4000] =	vst.add.f32.msk $0xffff, v1  }
0xc0: {  	v1 =	vld [tilespmem:s6+$0x2010]  }
0xc1: {  	[tilespmem:s14+$0x0] =	vst.add.f32.msk $0xffff, v2;
	s14 =	smov.u32 s9  }
0xc2: {  	v2 =	vld [tilespmem:s25+$0x2280];
	s25 =	smov.u32 s6  }
0xc3: {  	[tilespmem:s5+$0x4000] =	vst.add.f32.msk $0xffff, v0  }
0xc4: {  	s5 =	sor.u32 $0x6010, s25;
	v3 =	vld [tilespmem:s25+$0x2000]  }
0xc5: {  	[tilespmem:s5+$0x0] =	vst.add.f32.msk $0xffff, v1  }
0xc6: {  	v4 =	vld [tilespmem:s25+$0x2090]  }
0xc7: {  	[tilespmem:s13+$0x0] =	vst.add.f32.msk $0xffff, v2;
	s13 =	smov.u32 s8  }
.Ltmp0:
0xc8: {  	v0 =	vld [tilespmem:s1+$0x0];
	(pc) =	sbr.rel @p0 .LBB2_2-.Ltmp0, $4  }
0xc9: {  	[tilespmem:s7+$0x0] =	vst.add.f32.msk $0xffff, v3  }
0xca: {  	s5 =	sor.u32 $0x6090, s25;
	v1 =	vld [tilespmem:s25+$0x2080]  }
0xcb: {  	[tilespmem:s5+$0x0] =	vst.add.f32.msk $0xffff, v4  }
0xcc: {  	v2 =	vld [tilespmem:s25+$0x2110]  }
0xcd: {  	_ =	sdelay $0x1  }
0xce: {  	[tilespmem:s4+$0x0] =	vst.add.f32.msk $0xffff, v1  }
0xcf: {  	v1 =	vld [tilespmem:s25+$0x2100];
	_ =	sdelay $0x1  }
0xd0: {  	s17 =	sor.u32 $0x6110, s25  }
0xd1: {  	[tilespmem:s17+$0x0] =	vst.add.f32.msk $0xffff, v2  }
0xd2: {  	v2 =	vld [tilespmem:s25+$0x2190]  }
0xd3: {  	[tilespmem:s18+$0x0] =	vst.add.f32.msk $0xffff, v1  }
0xd4: {  	v1 =	vld [tilespmem:s25+$0x2180];
	_ =	sdelay $0x1  }
0xd5: {  	s19 =	sor.u32 $0x6190, s25  }
0xd6: {  	[tilespmem:s19+$0x0] =	vst.add.f32.msk $0xffff, v2  }
0xd7: {  	v2 =	vld [tilespmem:s25+$0x2210]  }
0xd8: {  	[tilespmem:s15+$0x0] =	vst.add.f32.msk $0xffff, v1  }
0xd9: {  	v1 =	vld [tilespmem:s25+$0x2200];
	_ =	sdelay $0x1  }
0xda: {  	s20 =	sor.u32 $0x6210, s25  }
0xdb: {  	[tilespmem:s20+$0x0] =	vst.add.f32.msk $0xffff, v2  }
0xdc: {  	v2 =	vld [tilespmem:s25+$0x2290]  }
0xdd: {  	[tilespmem:s14+$0x0] =	vst.add.f32.msk $0xffff, v1  }
0xde: {  	v1 =	vld [tilespmem:s25+$0x2280];
	_ =	sdelay $0x1  }
0xdf: {  	s21 =	sor.u32 $0x6290, s25  }
0xe0: {  	s22 =	sor.u32 $0x2300, s30;
	[tilespmem:s21+$0x0] =	vst.add.f32.msk $0xffff, v2  }
0xe1: {  	v2 =	vld [tilespmem:s22+$0x0]  }
0xe2: {  	[tilespmem:s13+$0x0] =	vst.add.f32.msk $0xffff, v1  }
0xe3: {  	v1 =	vld [tilespmem:s3+$0x0]  }
0xe4: {  	[tilespmem:s1+$0x4000] =	vst.add.f32.msk $0xffff, v0  }
0xe5: {  	v0 =	vld [tilespmem:s31+$0x0]  }
0xe6: {  	s25 =	sor.u32 $0x2380, s30;
	[tilespmem:s22+$0x4000] =	vst.add.f32.msk $0xffff, v2  }
0xe7: {  	v2 =	vld [tilespmem:s25+$0x0]  }
0xe8: {  	[tilespmem:s3+$0x4000] =	vst.add.f32.msk $0xffff, v1  }
0xe9: {  	v1 =	vld [tilespmem:s0+$0x0];
	_ =	sdelay $0x2  }
0xea: {  	[tilespmem:s31+$0x4000] =	vst.add.f32.msk $0xffff, v0  }
0xeb: {  	[tilespmem:s25+$0x4000] =	vst.add.f32.msk $0xffff, v2  }
0xec: {  	[tilespmem:s0+$0x4000] =	vst.add.f32.msk $0xffff, v1  }
0xed: {  	s26 =	simm.s32 $0x0;
	s6 =	simm.s32 $0x4000;
	s0 =	rddreg [dreg:$0x8]  }
0xee: {  	[hbm4b:s0+s26] =	stream.linear.scatter [tilespmem:s6], [sflag:$0x6], $0x4000, $0x38;
	[tilespmem:$0x14000] =	vst v63  }
0xef: {  	s8 =	simm.s32 $0x10000;
	s9 =	simm.s32 $0x3;
	s7 =	rddreg [dreg:$0x9]  }
0xf0: {  	[tilespmem:s8], [sflag:$0x5] =	stream.linear.gather [hbm4b:s7+s26], $0x4000, $0x38;
	[tilespmem:$0x14000] =	vst v63  }
0xf1: {  	s5 =	simm.s32 $0x0;
	_ =	swait.ge [sflag:s9], $0x4000  }
0xf2: {  	s10 =	sand.u32 $0x60, s5;
	s11 =	sand.u32 $0x1C00, s26;
	[sflag:s9] =	ssyncset.done $0x0  }
0xf3: {  	s0 =	sor.u32 s10, s11;
	[sflag:s9] =	ssyncadd.s32 $0xFFFFC000  }
0xf4: {  	v0 =	vld [tilespmem:s0+$0x10];
	_ =	sdelay $0x3  }
0xf5: {  	s1 =	sor.u32 $0x8010, s0;
	v1 =	vld [tilespmem:s0+$0x0]  }
0xf6: {  	[tilespmem:s1+$0x0] =	vst.add.f32.msk $0xffff, v0  }
0xf7: {  	v0 =	vld [tilespmem:s0+$0x90];
	_ =	sdelay $0x1  }
0xf8: {  	s13 =	sor.u32 $0x8000, s0  }
0xf9: {  	[tilespmem:s13+$0x0] =	vst.add.f32.msk $0xffff, v1  }
0xfa: {  	s12 =	sor.u32 $0x8090, s0;
	v1 =	vld [tilespmem:s0+$0x80]  }
0xfb: {  	[tilespmem:s12+$0x0] =	vst.add.f32.msk $0xffff, v0  }
0xfc: {  	v0 =	vld [tilespmem:s0+$0x110];
	_ =	sdelay $0x1  }
0xfd: {  	s15 =	sor.u32 $0x8080, s0  }
0xfe: {  	[tilespmem:s15+$0x0] =	vst.add.f32.msk $0xffff, v1  }
0xff: {  	s14 =	sor.u32 $0x8110, s0;
	v1 =	vld [tilespmem:s0+$0x100]  }
0x100: {  	[tilespmem:s14+$0x0] =	vst.add.f32.msk $0xffff, v0  }
0x101: {  	v0 =	vld [tilespmem:s0+$0x190];
	_ =	sdelay $0x1  }
0x102: {  	s17 =	sor.u32 $0x8100, s0  }
0x103: {  	[tilespmem:s17+$0x0] =	vst.add.f32.msk $0xffff, v1  }
0x104: {  	s16 =	sor.u32 $0x8190, s0;
	v1 =	vld [tilespmem:s0+$0x180]  }
0x105: {  	[tilespmem:s16+$0x0] =	vst.add.f32.msk $0xffff, v0  }
0x106: {  	v0 =	vld [tilespmem:s0+$0x210];
	_ =	sdelay $0x1  }
0x107: {  	s19 =	sor.u32 $0x8180, s0  }
0x108: {  	[tilespmem:s19+$0x0] =	vst.add.f32.msk $0xffff, v1  }
0x109: {  	s18 =	sor.u32 $0x8210, s0;
	v1 =	vld [tilespmem:s0+$0x200]  }
0x10a: {  	[tilespmem:s18+$0x0] =	vst.add.f32.msk $0xffff, v0  }
0x10b: {  	v0 =	vld [tilespmem:s0+$0x290]  }
0x10c: {  	s20 =	sand.u32 $0x3, s26  }
0x10d: {  	s7 =	sor.u32 $0x8200, s0;
	s1 =	sshll.u32 s20, $0x5  }
0x10e: {  	s1 =	sadd.s32 $0x0, s1;
	[tilespmem:s7+$0x0] =	vst.add.f32.msk $0xffff, v1  }
0x10f: {  	s6 =	sor.u32 $0x8290, s0;
	s3 =	sadd.s32 $0x10, s1;
	v1 =	vld [tilespmem:s0+$0x280]  }
0x110: {  	s21 =	sor.u32 $0x300, s3;
	[tilespmem:s6+$0x0] =	vst.add.f32.msk $0xffff, v0  }
0x111: {  	v0 =	vld [tilespmem:s21+$0x0];
	_ =	sdelay $0x1  }
0x112: {  	s25 =	sor.u32 $0x8280, s0  }
0x113: {  	s8 =	sor.u32 $0x300, s1;
	[tilespmem:s25+$0x0] =	vst.add.f32.msk $0xffff, v1  }
0x114: {  	v1 =	vld [tilespmem:s8+$0x0]  }
0x115: {  	s22 =	sor.u32 $0x380, s3;
	[tilespmem:s21+$0x8000] =	vst.add.f32.msk $0xffff, v0  }
0x116: {  	v0 =	vld [tilespmem:s22+$0x0];
	_ =	sdelay $0x1  }
0x117: {  	s4 =	sor.u32 s5, s26  }
0x118: {  	s5 =	sor.u32 $0x380, s4;
	[tilespmem:s8+$0x8000] =	vst.add.f32.msk $0xffff, v1  }
0x119: {  	v1 =	vld [tilespmem:s5+$0x0]  }
0x11a: {  	[tilespmem:s22+$0x8000] =	vst.add.f32.msk $0xffff, v0  }
0x11b: {  	v0 =	vld [tilespmem:s0+$0x2010];
	_ =	sdelay $0x2  }
0x11c: {  	[tilespmem:s5+$0x8000] =	vst.add.f32.msk $0xffff, v1  }
0x11d: {  	s26 =	sor.u32 $0xA010, s0;
	v1 =	vld [tilespmem:s0+$0x2000]  }
0x11e: {  	[tilespmem:s26+$0x0] =	vst.add.f32.msk $0xffff, v0  }
0x11f: {  	v0 =	vld [tilespmem:s0+$0x2090];
	_ =	sdelay $0x1  }
0x120: {  	s7 =	sor.u32 $0xA000, s0  }
0x121: {  	[tilespmem:s7+$0x0] =	vst.add.f32.msk $0xffff, v1  }
0x122: {  	s6 =	sor.u32 $0xA090, s0;
	v1 =	vld [tilespmem:s0+$0x2080]  }
0x123: {  	s28 =	simm.s32 $0x100;
	s26 =	simm.s32 $0x20;
	[tilespmem:s6+$0x0] =	vst.add.f32.msk $0xffff, v0  }
0x124: {  	s9 =	sand.u32 $0x1C00, s28;
	s8 =	sand.u32 $0x60, s26;
	v0 =	vld [tilespmem:s0+$0x2110]  }
0x125: {  	s25 =	sor.u32 s8, s9  }
0x126: {  	s11 =	sor.u32 $0xA080, s0;
	v2 =	vld [tilespmem:s25+$0x10]  }
0x127: {  	[tilespmem:s11+$0x0] =	vst.add.f32.msk $0xffff, v1  }
0x128: {  	s10 =	sor.u32 $0xA110, s0;
	v1 =	vld [tilespmem:s25+$0x0]  }
0x129: {  	[tilespmem:s10+$0x0] =	vst.add.f32.msk $0xffff, v0  }
0x12a: {  	s12 =	sor.u32 $0x8010, s25;
	v0 =	vld [tilespmem:s0+$0x2190]  }
0x12b: {  	[tilespmem:s12+$0x0] =	vst.add.f32.msk $0xffff, v2  }
0x12c: {  	s14 =	sor.u32 $0x8000, s25;
	v2 =	vld [tilespmem:s25+$0x90]  }
0x12d: {  	[tilespmem:s14+$0x0] =	vst.add.f32.msk $0xffff, v1  }
0x12e: {  	s13 =	sor.u32 $0xA190, s0;
	v1 =	vld [tilespmem:s25+$0x80]  }
0x12f: {  	[tilespmem:s13+$0x0] =	vst.add.f32.msk $0xffff, v0  }
0x130: {  	s15 =	sor.u32 $0x8090, s25;
	v0 =	vld [tilespmem:s0+$0x2210]  }
0x131: {  	[tilespmem:s15+$0x0] =	vst.add.f32.msk $0xffff, v2  }
0x132: {  	s17 =	sor.u32 $0x8080, s25;
	v2 =	vld [tilespmem:s25+$0x110]  }
0x133: {  	[tilespmem:s17+$0x0] =	vst.add.f32.msk $0xffff, v1  }
0x134: {  	s16 =	sor.u32 $0xA210, s0;
	v1 =	vld [tilespmem:s25+$0x100]  }
0x135: {  	[tilespmem:s16+$0x0] =	vst.add.f32.msk $0xffff, v0  }
0x136: {  	s18 =	sor.u32 $0x8110, s25;
	v0 =	vld [tilespmem:s0+$0x2290]  }
0x137: {  	[tilespmem:s18+$0x0] =	vst.add.f32.msk $0xffff, v2  }
0x138: {  	s6 =	sor.u32 $0x8100, s25;
	v2 =	vld [tilespmem:s25+$0x190]  }
0x139: {  	[tilespmem:s6+$0x0] =	vst.add.f32.msk $0xffff, v1  }
0x13a: {  	s19 =	sor.u32 $0xA290, s0;
	v1 =	vld [tilespmem:s25+$0x180]  }
0x13b: {  	s20 =	sor.u32 $0x2300, s3;
	[tilespmem:s19+$0x0] =	vst.add.f32.msk $0xffff, v0  }
0x13c: {  	s21 =	sor.u32 $0x8190, s25;
	v0 =	vld [tilespmem:s20+$0x0]  }
0x13d: {  	[tilespmem:s21+$0x0] =	vst.add.f32.msk $0xffff, v2  }
0x13e: {  	s22 =	sor.u32 $0x8180, s25;
	v2 =	vld [tilespmem:s25+$0x210]  }
0x13f: {  	[tilespmem:s22+$0x0] =	vst.add.f32.msk $0xffff, v1  }
0x140: {  	v1 =	vld [tilespmem:s25+$0x200]  }
0x141: {  	s3 =	sor.u32 $0x2380, s3;
	[tilespmem:s20+$0x8000] =	vst.add.f32.msk $0xffff, v0  }
0x142: {  	s6 =	sor.u32 $0x8210, s25;
	v0 =	vld [tilespmem:s3+$0x0]  }
0x143: {  	[tilespmem:s6+$0x0] =	vst.add.f32.msk $0xffff, v2  }
0x144: {  	s29 =	simm.s32 $0x1;
	v2 =	vld [tilespmem:s25+$0x290]  }
0x145: {  	s7 =	sand.u32 $0x3, s29;
	s8 =	sor.u32 $0x8200, s25;
	v3 =	vld [tilespmem:s0+$0x2100]  }
0x146: {  	s9 =	sshll.u32 s7, $0x5;
	[tilespmem:s8+$0x0] =	vst.add.f32.msk $0xffff, v1  }
0x147: {  	[tilespmem:s3+$0x8000] =	vst.add.f32.msk $0xffff, v0;
	s3 =	sadd.s32 $0x100, s9  }
0x148: {  	s10 =	sor.u32 $0x8290, s25;
	v0 =	vld [tilespmem:s25+$0x280];
	s30 =	sadd.s32 $0x10, s3  }
0x149: {  	[tilespmem:s10+$0x0] =	vst.add.f32.msk $0xffff, v2;
	s11 =	sor.u32 $0x300, s30  }
0x14a: {  	s12 =	sor.u32 $0xA100, s0;
	v1 =	vld [tilespmem:s11+$0x0]  }
0x14b: {  	[tilespmem:s12+$0x0] =	vst.add.f32.msk $0xffff, v3  }
0x14c: {  	s13 =	sor.u32 $0x8280, s25;
	v2 =	vld [tilespmem:s0+$0x2180]  }
0x14d: {  	s14 =	sor.u32 $0x300, s3;
	[tilespmem:s13+$0x0] =	vst.add.f32.msk $0xffff, v0  }
0x14e: {  	v0 =	vld [tilespmem:s14+$0x0]  }
0x14f: {  	s15 =	sor.u32 $0x380, s30;
	[tilespmem:s11+$0x8000] =	vst.add.f32.msk $0xffff, v1  }
0x150: {  	s16 =	sor.u32 $0xA180, s0;
	v1 =	vld [tilespmem:s15+$0x0]  }
0x151: {  	[tilespmem:s16+$0x0] =	vst.add.f32.msk $0xffff, v2  }
0x152: {  	s17 =	sor.u32 s26, s28;
	v2 =	vld [tilespmem:s0+$0x2200]  }
0x153: {  	s18 =	sor.u32 $0x380, s17;
	[tilespmem:s14+$0x8000] =	vst.add.f32.msk $0xffff, v0  }
0x154: {  	v0 =	vld [tilespmem:s18+$0x0]  }
0x155: {  	[tilespmem:s15+$0x8000] =	vst.add.f32.msk $0xffff, v1  }
0x156: {  	s19 =	sor.u32 $0xA200, s0;
	v1 =	vld [tilespmem:s25+$0x2010]  }
0x157: {  	[tilespmem:s19+$0x0] =	vst.add.f32.msk $0xffff, v2  }
0x158: {  	v2 =	vld [tilespmem:s0+$0x2280]  }
0x159: {  	[tilespmem:s18+$0x8000] =	vst.add.f32.msk $0xffff, v0  }
0x15a: {  	s20 =	sor.u32 $0xA010, s25;
	v3 =	vld [tilespmem:s25+$0x2000]  }
0x15b: {  	[tilespmem:s20+$0x0] =	vst.add.f32.msk $0xffff, v1  }
0x15c: {  	s0 =	sor.u32 $0xA280, s0;
	v4 =	vld [tilespmem:s25+$0x2090]  }
0x15d: {  	s1 =	sor.u32 $0x2300, s1;
	[tilespmem:s0+$0x0] =	vst.add.f32.msk $0xffff, v2  }
0x15e: {  	s21 =	sor.u32 $0xA000, s25;
	v0 =	vld [tilespmem:s1+$0x0]  }
0x15f: {  	[tilespmem:s21+$0x0] =	vst.add.f32.msk $0xffff, v3  }
0x160: {  	s31 =	sor.u32 $0x2380, s17;
	s22 =	sor.u32 $0xA090, s25;
	s3 =	sor.u32 $0x2300, s3;
	v1 =	vld [tilespmem:s25+$0x2080]  }
0x161: {  	s13 =	sor.u32 $0xA280, s25;
	s14 =	sor.u32 $0xA200, s25;
	s0 =	sor.u32 $0x2380, s4;
	[tilespmem:s22+$0x0] =	vst.add.f32.msk $0xffff, v4  }
0x162: {  	s4 =	sor.u32 $0xA080, s25;
	s15 =	sor.u32 $0xA180, s25;
	s18 =	sor.u32 $0xA100, s25;
	v2 =	vld [tilespmem:s25+$0x2110]  }
.LBB2_4:
0x163: {  	s26 =	sadd.s32 $0x20, s26;
	s28 =	sadd.s32 $0x100, s28;
	[tilespmem:s1+$0x8000] =	vst.add.f32.msk $0xffff, v0;
	s1 =	smov.u32 s3  }
0x164: {  	s3 =	sand.u32 $0x60, s26;
	s5 =	sand.u32 $0x1C00, s28;
	s7 =	sor.u32 s26, s28;
	v0 =	vld [tilespmem:s0+$0x0]  }
0x165: {  	s6 =	sor.u32 s3, s5;
	s5 =	sor.u32 $0x380, s7;
	s10 =	sor.u32 $0x2380, s7;
	[tilespmem:s4+$0x0] =	vst.add.f32.msk $0xffff, v1  }
0x166: {  	s4 =	sor.u32 $0xA110, s25;
	s19 =	sor.u32 $0x8000, s6;
	s20 =	sor.u32 $0x8080, s6;
	v1 =	vld [tilespmem:s6+$0x10]  }
0x167: {  	s21 =	sor.u32 $0x8100, s6;
	s17 =	sor.u32 $0x8180, s6;
	s3 =	sor.u32 $0x8200, s6;
	[tilespmem:s4+$0x0] =	vst.add.f32.msk $0xffff, v2  }
0x168: {  	s12 =	sor.u32 $0x8280, s6;
	s7 =	sor.u32 $0xA000, s6;
	s4 =	sor.u32 $0xA080, s6;
	v2 =	vld [tilespmem:s25+$0x2190]  }
0x169: {  	s16 =	sor.u32 $0xA100, s6;
	s11 =	sor.u32 $0xA180, s6;
	s9 =	sor.u32 $0xA200, s6;
	v3 =	vld [tilespmem:s6+$0x0]  }
0x16a: {  	p0 =	slt.u32 s26, $0x3E0;
	s8 =	sor.u32 $0xA280, s6;
	s22 =	sor.u32 $0x8010, s6;
	v4 =	vld [tilespmem:s25+$0x2100]  }
0x16b: {  	[tilespmem:s22+$0x0] =	vst.add.f32.msk $0xffff, v1  }
0x16c: {  	s22 =	sor.u32 $0xA190, s25;
	v1 =	vld [tilespmem:s6+$0x90]  }
0x16d: {  	[tilespmem:s22+$0x0] =	vst.add.f32.msk $0xffff, v2  }
0x16e: {  	v2 =	vld [tilespmem:s25+$0x2210]  }
0x16f: {  	[tilespmem:s19+$0x0] =	vst.add.f32.msk $0xffff, v3  }
0x170: {  	s19 =	sor.u32 $0x8090, s6;
	v3 =	vld [tilespmem:s6+$0x80]  }
0x171: {  	[tilespmem:s19+$0x0] =	vst.add.f32.msk $0xffff, v1  }
0x172: {  	s19 =	sor.u32 $0xA210, s25;
	v1 =	vld [tilespmem:s6+$0x110]  }
0x173: {  	[tilespmem:s19+$0x0] =	vst.add.f32.msk $0xffff, v2  }
0x174: {  	v2 =	vld [tilespmem:s25+$0x2290]  }
0x175: {  	[tilespmem:s20+$0x0] =	vst.add.f32.msk $0xffff, v3  }
0x176: {  	s19 =	sor.u32 $0x8110, s6;
	v3 =	vld [tilespmem:s6+$0x100]  }
0x177: {  	[tilespmem:s19+$0x0] =	vst.add.f32.msk $0xffff, v1  }
0x178: {  	s19 =	sor.u32 $0xA290, s25;
	v1 =	vld [tilespmem:s6+$0x190]  }
0x179: {  	[tilespmem:s19+$0x0] =	vst.add.f32.msk $0xffff, v2;
	s19 =	sor.u32 $0x2300, s30  }
0x17a: {  	v2 =	vld [tilespmem:s19+$0x0]  }
0x17b: {  	[tilespmem:s21+$0x0] =	vst.add.f32.msk $0xffff, v3  }
0x17c: {  	s20 =	sor.u32 $0x8190, s6;
	v3 =	vld [tilespmem:s6+$0x180]  }
0x17d: {  	[tilespmem:s20+$0x0] =	vst.add.f32.msk $0xffff, v1  }
0x17e: {  	v1 =	vld [tilespmem:s6+$0x210]  }
0x17f: {  	[tilespmem:s19+$0x8000] =	vst.add.f32.msk $0xffff, v2;
	s19 =	sor.u32 $0x2380, s30  }
0x180: {  	v2 =	vld [tilespmem:s19+$0x0]  }
0x181: {  	[tilespmem:s17+$0x0] =	vst.add.f32.msk $0xffff, v3  }
0x182: {  	s17 =	sor.u32 $0x8210, s6;
	v3 =	vld [tilespmem:s6+$0x200]  }
0x183: {  	[tilespmem:s17+$0x0] =	vst.add.f32.msk $0xffff, v1  }
0x184: {  	s29 =	sadd.s32 $0x1, s29;
	v1 =	vld [tilespmem:s6+$0x290]  }
0x185: {  	s17 =	sand.u32 $0x3, s29;
	[tilespmem:s19+$0x8000] =	vst.add.f32.msk $0xffff, v2  }
0x186: {  	s17 =	sshll.u32 s17, $0x5;
	[tilespmem:s18+$0x0] =	vst.add.f32.msk $0xffff, v4;
	s18 =	smov.u32 s16  }
0x187: {  	s16 =	sadd.s32 s17, s28;
	[tilespmem:s3+$0x0] =	vst.add.f32.msk $0xffff, v3  }
0x188: {  	s19 =	sor.u32 $0x8290, s6;
	s17 =	sor.u32 $0x300, s16;
	s30 =	sadd.s32 $0x10, s16;
	v2 =	vld [tilespmem:s6+$0x280]  }
0x189: {  	s3 =	sor.u32 $0x2300, s16;
	s16 =	sor.u32 $0x300, s30;
	[tilespmem:s19+$0x0] =	vst.add.f32.msk $0xffff, v1  }
0x18a: {  	v1 =	vld [tilespmem:s16+$0x0]  }
0x18b: {  	v3 =	vld [tilespmem:s25+$0x2180]  }
0x18c: {  	[tilespmem:s0+$0x8000] =	vst.add.f32.msk $0xffff, v0;
	s0 =	smov.u32 s31;
	s31 =	smov.u32 s10  }
0x18d: {  	[tilespmem:s12+$0x0] =	vst.add.f32.msk $0xffff, v2  }
0x18e: {  	v0 =	vld [tilespmem:s17+$0x0]  }
0x18f: {  	s10 =	sor.u32 $0x380, s30;
	[tilespmem:s16+$0x8000] =	vst.add.f32.msk $0xffff, v1  }
0x190: {  	v1 =	vld [tilespmem:s10+$0x0]  }
0x191: {  	[tilespmem:s15+$0x0] =	vst.add.f32.msk $0xffff, v3;
	s15 =	smov.u32 s11  }
0x192: {  	v2 =	vld [tilespmem:s25+$0x2200]  }
0x193: {  	[tilespmem:s17+$0x8000] =	vst.add.f32.msk $0xffff, v0  }
0x194: {  	v0 =	vld [tilespmem:s5+$0x0]  }
0x195: {  	[tilespmem:s10+$0x8000] =	vst.add.f32.msk $0xffff, v1  }
0x196: {  	v1 =	vld [tilespmem:s6+$0x2010]  }
0x197: {  	[tilespmem:s14+$0x0] =	vst.add.f32.msk $0xffff, v2;
	s14 =	smov.u32 s9  }
0x198: {  	v2 =	vld [tilespmem:s25+$0x2280];
	s25 =	smov.u32 s6  }
0x199: {  	[tilespmem:s5+$0x8000] =	vst.add.f32.msk $0xffff, v0  }
0x19a: {  	s5 =	sor.u32 $0xA010, s25;
	v3 =	vld [tilespmem:s25+$0x2000]  }
0x19b: {  	[tilespmem:s5+$0x0] =	vst.add.f32.msk $0xffff, v1  }
0x19c: {  	v4 =	vld [tilespmem:s25+$0x2090]  }
0x19d: {  	[tilespmem:s13+$0x0] =	vst.add.f32.msk $0xffff, v2;
	s13 =	smov.u32 s8  }
.Ltmp1:
0x19e: {  	v0 =	vld [tilespmem:s1+$0x0];
	(pc) =	sbr.rel @p0 .LBB2_4-.Ltmp1, $4  }
0x19f: {  	[tilespmem:s7+$0x0] =	vst.add.f32.msk $0xffff, v3  }
0x1a0: {  	s5 =	sor.u32 $0xA090, s25;
	v1 =	vld [tilespmem:s25+$0x2080]  }
0x1a1: {  	[tilespmem:s5+$0x0] =	vst.add.f32.msk $0xffff, v4  }
0x1a2: {  	v2 =	vld [tilespmem:s25+$0x2110]  }
0x1a3: {  	_ =	sdelay $0x1  }
0x1a4: {  	[tilespmem:s4+$0x0] =	vst.add.f32.msk $0xffff, v1  }
0x1a5: {  	v1 =	vld [tilespmem:s25+$0x2100];
	_ =	sdelay $0x1  }
0x1a6: {  	s17 =	sor.u32 $0xA110, s25  }
0x1a7: {  	[tilespmem:s17+$0x0] =	vst.add.f32.msk $0xffff, v2  }
0x1a8: {  	v2 =	vld [tilespmem:s25+$0x2190]  }
0x1a9: {  	[tilespmem:s18+$0x0] =	vst.add.f32.msk $0xffff, v1  }
0x1aa: {  	v1 =	vld [tilespmem:s25+$0x2180];
	_ =	sdelay $0x1  }
0x1ab: {  	s19 =	sor.u32 $0xA190, s25  }
0x1ac: {  	[tilespmem:s19+$0x0] =	vst.add.f32.msk $0xffff, v2  }
0x1ad: {  	v2 =	vld [tilespmem:s25+$0x2210]  }
0x1ae: {  	[tilespmem:s15+$0x0] =	vst.add.f32.msk $0xffff, v1  }
0x1af: {  	v1 =	vld [tilespmem:s25+$0x2200];
	_ =	sdelay $0x1  }
0x1b0: {  	s20 =	sor.u32 $0xA210, s25  }
0x1b1: {  	[tilespmem:s20+$0x0] =	vst.add.f32.msk $0xffff, v2  }
0x1b2: {  	v2 =	vld [tilespmem:s25+$0x2290]  }
0x1b3: {  	[tilespmem:s14+$0x0] =	vst.add.f32.msk $0xffff, v1  }
0x1b4: {  	v1 =	vld [tilespmem:s25+$0x2280];
	_ =	sdelay $0x1  }
0x1b5: {  	s21 =	sor.u32 $0xA290, s25  }
0x1b6: {  	s22 =	sor.u32 $0x2300, s30;
	[tilespmem:s21+$0x0] =	vst.add.f32.msk $0xffff, v2  }
0x1b7: {  	v2 =	vld [tilespmem:s22+$0x0]  }
0x1b8: {  	[tilespmem:s13+$0x0] =	vst.add.f32.msk $0xffff, v1  }
0x1b9: {  	v1 =	vld [tilespmem:s3+$0x0]  }
0x1ba: {  	[tilespmem:s1+$0x8000] =	vst.add.f32.msk $0xffff, v0  }
0x1bb: {  	v0 =	vld [tilespmem:s0+$0x0]  }
0x1bc: {  	s25 =	sor.u32 $0x2380, s30;
	[tilespmem:s22+$0x8000] =	vst.add.f32.msk $0xffff, v2  }
0x1bd: {  	v2 =	vld [tilespmem:s25+$0x0]  }
0x1be: {  	[tilespmem:s3+$0x8000] =	vst.add.f32.msk $0xffff, v1  }
0x1bf: {  	v1 =	vld [tilespmem:s31+$0x0];
	_ =	sdelay $0x2  }
0x1c0: {  	[tilespmem:s0+$0x8000] =	vst.add.f32.msk $0xffff, v0  }
0x1c1: {  	[tilespmem:s25+$0x8000] =	vst.add.f32.msk $0xffff, v2  }
0x1c2: {  	s26 =	simm.s32 $0x0;
	[tilespmem:s31+$0x8000] =	vst.add.f32.msk $0xffff, v1  }
0x1c3: {  	s8 =	simm.s32 $0x8000;
	s9 =	simm.s32 $0x4;
	s0 =	rddreg [dreg:$0xa]  }
0x1c4: {  	[hbm4b:s0+s26] =	stream.linear.scatter [tilespmem:s8], [sflag:$0x7], $0x4000, $0x38;
	[tilespmem:$0x14000] =	vst v63  }
0x1c5: {  	s5 =	simm.s32 $0x0;
	_ =	swait.ge [sflag:s9], $0x4000  }
0x1c6: {  	s10 =	sand.u32 $0x60, s5;
	s11 =	sand.u32 $0x1C00, s26;
	[sflag:s9] =	ssyncset.done $0x0  }
0x1c7: {  	s0 =	sor.u32 s10, s11;
	[sflag:s9] =	ssyncadd.s32 $0xFFFFC000  }
0x1c8: {  	v0 =	vld [tilespmem:s0+$0x10];
	_ =	sdelay $0x3  }
0x1c9: {  	s1 =	sor.u32 $0xC010, s0;
	v1 =	vld [tilespmem:s0+$0x0]  }
0x1ca: {  	[tilespmem:s1+$0x0] =	vst.add.f32.msk $0xffff, v0  }
0x1cb: {  	v0 =	vld [tilespmem:s0+$0x90];
	_ =	sdelay $0x1  }
0x1cc: {  	s13 =	sor.u32 $0xC000, s0  }
0x1cd: {  	[tilespmem:s13+$0x0] =	vst.add.f32.msk $0xffff, v1  }
0x1ce: {  	s12 =	sor.u32 $0xC090, s0;
	v1 =	vld [tilespmem:s0+$0x80]  }
0x1cf: {  	[tilespmem:s12+$0x0] =	vst.add.f32.msk $0xffff, v0  }
0x1d0: {  	v0 =	vld [tilespmem:s0+$0x110];
	_ =	sdelay $0x1  }
0x1d1: {  	s15 =	sor.u32 $0xC080, s0  }
0x1d2: {  	[tilespmem:s15+$0x0] =	vst.add.f32.msk $0xffff, v1  }
0x1d3: {  	s14 =	sor.u32 $0xC110, s0;
	v1 =	vld [tilespmem:s0+$0x100]  }
0x1d4: {  	[tilespmem:s14+$0x0] =	vst.add.f32.msk $0xffff, v0  }
0x1d5: {  	v0 =	vld [tilespmem:s0+$0x190];
	_ =	sdelay $0x1  }
0x1d6: {  	s17 =	sor.u32 $0xC100, s0  }
0x1d7: {  	[tilespmem:s17+$0x0] =	vst.add.f32.msk $0xffff, v1  }
0x1d8: {  	s16 =	sor.u32 $0xC190, s0;
	v1 =	vld [tilespmem:s0+$0x180]  }
0x1d9: {  	[tilespmem:s16+$0x0] =	vst.add.f32.msk $0xffff, v0  }
0x1da: {  	v0 =	vld [tilespmem:s0+$0x210];
	_ =	sdelay $0x1  }
0x1db: {  	s19 =	sor.u32 $0xC180, s0  }
0x1dc: {  	[tilespmem:s19+$0x0] =	vst.add.f32.msk $0xffff, v1  }
0x1dd: {  	s18 =	sor.u32 $0xC210, s0;
	v1 =	vld [tilespmem:s0+$0x200]  }
0x1de: {  	[tilespmem:s18+$0x0] =	vst.add.f32.msk $0xffff, v0  }
0x1df: {  	v0 =	vld [tilespmem:s0+$0x290]  }
0x1e0: {  	s20 =	sand.u32 $0x3, s26  }
0x1e1: {  	s7 =	sor.u32 $0xC200, s0;
	s1 =	sshll.u32 s20, $0x5  }
0x1e2: {  	s1 =	sadd.s32 $0x0, s1;
	[tilespmem:s7+$0x0] =	vst.add.f32.msk $0xffff, v1  }
0x1e3: {  	s6 =	sor.u32 $0xC290, s0;
	s3 =	sadd.s32 $0x10, s1;
	v1 =	vld [tilespmem:s0+$0x280]  }
0x1e4: {  	s21 =	sor.u32 $0x300, s3;
	[tilespmem:s6+$0x0] =	vst.add.f32.msk $0xffff, v0  }
0x1e5: {  	v0 =	vld [tilespmem:s21+$0x0];
	_ =	sdelay $0x1  }
0x1e6: {  	s25 =	sor.u32 $0xC280, s0  }
0x1e7: {  	s8 =	sor.u32 $0x300, s1;
	[tilespmem:s25+$0x0] =	vst.add.f32.msk $0xffff, v1  }
0x1e8: {  	v1 =	vld [tilespmem:s8+$0x0]  }
0x1e9: {  	s22 =	sor.u32 $0x380, s3;
	[tilespmem:s21+$0xC000] =	vst.add.f32.msk $0xffff, v0  }
0x1ea: {  	v0 =	vld [tilespmem:s22+$0x0];
	_ =	sdelay $0x1  }
0x1eb: {  	s4 =	sor.u32 s5, s26  }
0x1ec: {  	s5 =	sor.u32 $0x380, s4;
	[tilespmem:s8+$0xC000] =	vst.add.f32.msk $0xffff, v1  }
0x1ed: {  	v1 =	vld [tilespmem:s5+$0x0]  }
0x1ee: {  	[tilespmem:s22+$0xC000] =	vst.add.f32.msk $0xffff, v0  }
0x1ef: {  	v0 =	vld [tilespmem:s0+$0x2010];
	_ =	sdelay $0x2  }
0x1f0: {  	[tilespmem:s5+$0xC000] =	vst.add.f32.msk $0xffff, v1  }
0x1f1: {  	s26 =	sor.u32 $0xE010, s0;
	v1 =	vld [tilespmem:s0+$0x2000]  }
0x1f2: {  	[tilespmem:s26+$0x0] =	vst.add.f32.msk $0xffff, v0  }
0x1f3: {  	v0 =	vld [tilespmem:s0+$0x2090];
	_ =	sdelay $0x1  }
0x1f4: {  	s7 =	sor.u32 $0xE000, s0  }
0x1f5: {  	[tilespmem:s7+$0x0] =	vst.add.f32.msk $0xffff, v1  }
0x1f6: {  	s6 =	sor.u32 $0xE090, s0;
	v1 =	vld [tilespmem:s0+$0x2080]  }
0x1f7: {  	s28 =	simm.s32 $0x100;
	s26 =	simm.s32 $0x20;
	[tilespmem:s6+$0x0] =	vst.add.f32.msk $0xffff, v0  }
0x1f8: {  	s9 =	sand.u32 $0x1C00, s28;
	s8 =	sand.u32 $0x60, s26;
	v0 =	vld [tilespmem:s0+$0x2110]  }
0x1f9: {  	s25 =	sor.u32 s8, s9  }
0x1fa: {  	s11 =	sor.u32 $0xE080, s0;
	v2 =	vld [tilespmem:s25+$0x10]  }
0x1fb: {  	[tilespmem:s11+$0x0] =	vst.add.f32.msk $0xffff, v1  }
0x1fc: {  	s10 =	sor.u32 $0xE110, s0;
	v1 =	vld [tilespmem:s25+$0x0]  }
0x1fd: {  	[tilespmem:s10+$0x0] =	vst.add.f32.msk $0xffff, v0  }
0x1fe: {  	s12 =	sor.u32 $0xC010, s25;
	v0 =	vld [tilespmem:s0+$0x2190]  }
0x1ff: {  	[tilespmem:s12+$0x0] =	vst.add.f32.msk $0xffff, v2  }
0x200: {  	s14 =	sor.u32 $0xC000, s25;
	v2 =	vld [tilespmem:s25+$0x90]  }
0x201: {  	[tilespmem:s14+$0x0] =	vst.add.f32.msk $0xffff, v1  }
0x202: {  	s13 =	sor.u32 $0xE190, s0;
	v1 =	vld [tilespmem:s25+$0x80]  }
0x203: {  	[tilespmem:s13+$0x0] =	vst.add.f32.msk $0xffff, v0  }
0x204: {  	s15 =	sor.u32 $0xC090, s25;
	v0 =	vld [tilespmem:s0+$0x2210]  }
0x205: {  	[tilespmem:s15+$0x0] =	vst.add.f32.msk $0xffff, v2  }
0x206: {  	s17 =	sor.u32 $0xC080, s25;
	v2 =	vld [tilespmem:s25+$0x110]  }
0x207: {  	[tilespmem:s17+$0x0] =	vst.add.f32.msk $0xffff, v1  }
0x208: {  	s16 =	sor.u32 $0xE210, s0;
	v1 =	vld [tilespmem:s25+$0x100]  }
0x209: {  	[tilespmem:s16+$0x0] =	vst.add.f32.msk $0xffff, v0  }
0x20a: {  	s18 =	sor.u32 $0xC110, s25;
	v0 =	vld [tilespmem:s0+$0x2290]  }
0x20b: {  	[tilespmem:s18+$0x0] =	vst.add.f32.msk $0xffff, v2  }
0x20c: {  	s6 =	sor.u32 $0xC100, s25;
	v2 =	vld [tilespmem:s25+$0x190]  }
0x20d: {  	[tilespmem:s6+$0x0] =	vst.add.f32.msk $0xffff, v1  }
0x20e: {  	s19 =	sor.u32 $0xE290, s0;
	v1 =	vld [tilespmem:s25+$0x180]  }
0x20f: {  	s20 =	sor.u32 $0x2300, s3;
	[tilespmem:s19+$0x0] =	vst.add.f32.msk $0xffff, v0  }
0x210: {  	s21 =	sor.u32 $0xC190, s25;
	v0 =	vld [tilespmem:s20+$0x0]  }
0x211: {  	[tilespmem:s21+$0x0] =	vst.add.f32.msk $0xffff, v2  }
0x212: {  	s22 =	sor.u32 $0xC180, s25;
	v2 =	vld [tilespmem:s25+$0x210]  }
0x213: {  	[tilespmem:s22+$0x0] =	vst.add.f32.msk $0xffff, v1  }
0x214: {  	v1 =	vld [tilespmem:s25+$0x200]  }
0x215: {  	s3 =	sor.u32 $0x2380, s3;
	[tilespmem:s20+$0xC000] =	vst.add.f32.msk $0xffff, v0  }
0x216: {  	s6 =	sor.u32 $0xC210, s25;
	v0 =	vld [tilespmem:s3+$0x0]  }
0x217: {  	[tilespmem:s6+$0x0] =	vst.add.f32.msk $0xffff, v2  }
0x218: {  	s29 =	simm.s32 $0x1;
	v2 =	vld [tilespmem:s25+$0x290]  }
0x219: {  	s7 =	sand.u32 $0x3, s29;
	s8 =	sor.u32 $0xC200, s25;
	v3 =	vld [tilespmem:s0+$0x2100]  }
0x21a: {  	s9 =	sshll.u32 s7, $0x5;
	[tilespmem:s8+$0x0] =	vst.add.f32.msk $0xffff, v1  }
0x21b: {  	[tilespmem:s3+$0xC000] =	vst.add.f32.msk $0xffff, v0;
	s3 =	sadd.s32 $0x100, s9  }
0x21c: {  	s10 =	sor.u32 $0xC290, s25;
	v0 =	vld [tilespmem:s25+$0x280];
	s30 =	sadd.s32 $0x10, s3  }
0x21d: {  	[tilespmem:s10+$0x0] =	vst.add.f32.msk $0xffff, v2;
	s11 =	sor.u32 $0x300, s30  }
0x21e: {  	s12 =	sor.u32 $0xE100, s0;
	v1 =	vld [tilespmem:s11+$0x0]  }
0x21f: {  	[tilespmem:s12+$0x0] =	vst.add.f32.msk $0xffff, v3  }
0x220: {  	s13 =	sor.u32 $0xC280, s25;
	v2 =	vld [tilespmem:s0+$0x2180]  }
0x221: {  	s14 =	sor.u32 $0x300, s3;
	[tilespmem:s13+$0x0] =	vst.add.f32.msk $0xffff, v0  }
0x222: {  	v0 =	vld [tilespmem:s14+$0x0]  }
0x223: {  	s15 =	sor.u32 $0x380, s30;
	[tilespmem:s11+$0xC000] =	vst.add.f32.msk $0xffff, v1  }
0x224: {  	s16 =	sor.u32 $0xE180, s0;
	v1 =	vld [tilespmem:s15+$0x0]  }
0x225: {  	[tilespmem:s16+$0x0] =	vst.add.f32.msk $0xffff, v2  }
0x226: {  	s17 =	sor.u32 s26, s28;
	v2 =	vld [tilespmem:s0+$0x2200]  }
0x227: {  	s18 =	sor.u32 $0x380, s17;
	[tilespmem:s14+$0xC000] =	vst.add.f32.msk $0xffff, v0  }
0x228: {  	v0 =	vld [tilespmem:s18+$0x0]  }
0x229: {  	[tilespmem:s15+$0xC000] =	vst.add.f32.msk $0xffff, v1  }
0x22a: {  	s19 =	sor.u32 $0xE200, s0;
	v1 =	vld [tilespmem:s25+$0x2010]  }
0x22b: {  	[tilespmem:s19+$0x0] =	vst.add.f32.msk $0xffff, v2  }
0x22c: {  	v2 =	vld [tilespmem:s0+$0x2280]  }
0x22d: {  	[tilespmem:s18+$0xC000] =	vst.add.f32.msk $0xffff, v0  }
0x22e: {  	s20 =	sor.u32 $0xE010, s25;
	v3 =	vld [tilespmem:s25+$0x2000]  }
0x22f: {  	[tilespmem:s20+$0x0] =	vst.add.f32.msk $0xffff, v1  }
0x230: {  	s0 =	sor.u32 $0xE280, s0;
	v4 =	vld [tilespmem:s25+$0x2090]  }
0x231: {  	s1 =	sor.u32 $0x2300, s1;
	[tilespmem:s0+$0x0] =	vst.add.f32.msk $0xffff, v2  }
0x232: {  	s21 =	sor.u32 $0xE000, s25;
	v0 =	vld [tilespmem:s1+$0x0]  }
0x233: {  	[tilespmem:s21+$0x0] =	vst.add.f32.msk $0xffff, v3  }
0x234: {  	s31 =	sor.u32 $0x2380, s17;
	s22 =	sor.u32 $0xE090, s25;
	s3 =	sor.u32 $0x2300, s3;
	v1 =	vld [tilespmem:s25+$0x2080]  }
0x235: {  	s13 =	sor.u32 $0xE280, s25;
	s14 =	sor.u32 $0xE200, s25;
	s0 =	sor.u32 $0x2380, s4;
	[tilespmem:s22+$0x0] =	vst.add.f32.msk $0xffff, v4  }
0x236: {  	s4 =	sor.u32 $0xE080, s25;
	s15 =	sor.u32 $0xE180, s25;
	s18 =	sor.u32 $0xE100, s25;
	v2 =	vld [tilespmem:s25+$0x2110]  }
.LBB2_6:
0x237: {  	s26 =	sadd.s32 $0x20, s26;
	s28 =	sadd.s32 $0x100, s28;
	[tilespmem:s1+$0xC000] =	vst.add.f32.msk $0xffff, v0;
	s1 =	smov.u32 s3  }
0x238: {  	s3 =	sand.u32 $0x60, s26;
	s5 =	sand.u32 $0x1C00, s28;
	s7 =	sor.u32 s26, s28;
	v0 =	vld [tilespmem:s0+$0x0]  }
0x239: {  	s6 =	sor.u32 s3, s5;
	s5 =	sor.u32 $0x380, s7;
	s10 =	sor.u32 $0x2380, s7;
	[tilespmem:s4+$0x0] =	vst.add.f32.msk $0xffff, v1  }
0x23a: {  	s4 =	sor.u32 $0xE110, s25;
	s19 =	sor.u32 $0xC000, s6;
	s20 =	sor.u32 $0xC080, s6;
	v1 =	vld [tilespmem:s6+$0x10]  }
0x23b: {  	s21 =	sor.u32 $0xC100, s6;
	s17 =	sor.u32 $0xC180, s6;
	s3 =	sor.u32 $0xC200, s6;
	[tilespmem:s4+$0x0] =	vst.add.f32.msk $0xffff, v2  }
0x23c: {  	s12 =	sor.u32 $0xC280, s6;
	s7 =	sor.u32 $0xE000, s6;
	s4 =	sor.u32 $0xE080, s6;
	v2 =	vld [tilespmem:s25+$0x2190]  }
0x23d: {  	s16 =	sor.u32 $0xE100, s6;
	s11 =	sor.u32 $0xE180, s6;
	s9 =	sor.u32 $0xE200, s6;
	v3 =	vld [tilespmem:s6+$0x0]  }
0x23e: {  	p0 =	slt.u32 s26, $0x3E0;
	s8 =	sor.u32 $0xE280, s6;
	s22 =	sor.u32 $0xC010, s6;
	v4 =	vld [tilespmem:s25+$0x2100]  }
0x23f: {  	[tilespmem:s22+$0x0] =	vst.add.f32.msk $0xffff, v1  }
0x240: {  	s22 =	sor.u32 $0xE190, s25;
	v1 =	vld [tilespmem:s6+$0x90]  }
0x241: {  	[tilespmem:s22+$0x0] =	vst.add.f32.msk $0xffff, v2  }
0x242: {  	v2 =	vld [tilespmem:s25+$0x2210]  }
0x243: {  	[tilespmem:s19+$0x0] =	vst.add.f32.msk $0xffff, v3  }
0x244: {  	s19 =	sor.u32 $0xC090, s6;
	v3 =	vld [tilespmem:s6+$0x80]  }
0x245: {  	[tilespmem:s19+$0x0] =	vst.add.f32.msk $0xffff, v1  }
0x246: {  	s19 =	sor.u32 $0xE210, s25;
	v1 =	vld [tilespmem:s6+$0x110]  }
0x247: {  	[tilespmem:s19+$0x0] =	vst.add.f32.msk $0xffff, v2  }
0x248: {  	v2 =	vld [tilespmem:s25+$0x2290]  }
0x249: {  	[tilespmem:s20+$0x0] =	vst.add.f32.msk $0xffff, v3  }
0x24a: {  	s19 =	sor.u32 $0xC110, s6;
	v3 =	vld [tilespmem:s6+$0x100]  }
0x24b: {  	[tilespmem:s19+$0x0] =	vst.add.f32.msk $0xffff, v1  }
0x24c: {  	s19 =	sor.u32 $0xE290, s25;
	v1 =	vld [tilespmem:s6+$0x190]  }
0x24d: {  	[tilespmem:s19+$0x0] =	vst.add.f32.msk $0xffff, v2;
	s19 =	sor.u32 $0x2300, s30  }
0x24e: {  	v2 =	vld [tilespmem:s19+$0x0]  }
0x24f: {  	[tilespmem:s21+$0x0] =	vst.add.f32.msk $0xffff, v3  }
0x250: {  	s20 =	sor.u32 $0xC190, s6;
	v3 =	vld [tilespmem:s6+$0x180]  }
0x251: {  	[tilespmem:s20+$0x0] =	vst.add.f32.msk $0xffff, v1  }
0x252: {  	v1 =	vld [tilespmem:s6+$0x210]  }
0x253: {  	[tilespmem:s19+$0xC000] =	vst.add.f32.msk $0xffff, v2;
	s19 =	sor.u32 $0x2380, s30  }
0x254: {  	v2 =	vld [tilespmem:s19+$0x0]  }
0x255: {  	[tilespmem:s17+$0x0] =	vst.add.f32.msk $0xffff, v3  }
0x256: {  	s17 =	sor.u32 $0xC210, s6;
	v3 =	vld [tilespmem:s6+$0x200]  }
0x257: {  	[tilespmem:s17+$0x0] =	vst.add.f32.msk $0xffff, v1  }
0x258: {  	s29 =	sadd.s32 $0x1, s29;
	v1 =	vld [tilespmem:s6+$0x290]  }
0x259: {  	s17 =	sand.u32 $0x3, s29;
	[tilespmem:s19+$0xC000] =	vst.add.f32.msk $0xffff, v2  }
0x25a: {  	s17 =	sshll.u32 s17, $0x5;
	[tilespmem:s18+$0x0] =	vst.add.f32.msk $0xffff, v4;
	s18 =	smov.u32 s16  }
0x25b: {  	s16 =	sadd.s32 s17, s28;
	[tilespmem:s3+$0x0] =	vst.add.f32.msk $0xffff, v3  }
0x25c: {  	s19 =	sor.u32 $0xC290, s6;
	s17 =	sor.u32 $0x300, s16;
	s30 =	sadd.s32 $0x10, s16;
	v2 =	vld [tilespmem:s6+$0x280]  }
0x25d: {  	s3 =	sor.u32 $0x2300, s16;
	s16 =	sor.u32 $0x300, s30;
	[tilespmem:s19+$0x0] =	vst.add.f32.msk $0xffff, v1  }
0x25e: {  	v1 =	vld [tilespmem:s16+$0x0]  }
0x25f: {  	v3 =	vld [tilespmem:s25+$0x2180]  }
0x260: {  	[tilespmem:s0+$0xC000] =	vst.add.f32.msk $0xffff, v0;
	s0 =	smov.u32 s31;
	s31 =	smov.u32 s10  }
0x261: {  	[tilespmem:s12+$0x0] =	vst.add.f32.msk $0xffff, v2  }
0x262: {  	v0 =	vld [tilespmem:s17+$0x0]  }
0x263: {  	s10 =	sor.u32 $0x380, s30;
	[tilespmem:s16+$0xC000] =	vst.add.f32.msk $0xffff, v1  }
0x264: {  	v1 =	vld [tilespmem:s10+$0x0]  }
0x265: {  	[tilespmem:s15+$0x0] =	vst.add.f32.msk $0xffff, v3;
	s15 =	smov.u32 s11  }
0x266: {  	v2 =	vld [tilespmem:s25+$0x2200]  }
0x267: {  	[tilespmem:s17+$0xC000] =	vst.add.f32.msk $0xffff, v0  }
0x268: {  	v0 =	vld [tilespmem:s5+$0x0]  }
0x269: {  	[tilespmem:s10+$0xC000] =	vst.add.f32.msk $0xffff, v1  }
0x26a: {  	v1 =	vld [tilespmem:s6+$0x2010]  }
0x26b: {  	[tilespmem:s14+$0x0] =	vst.add.f32.msk $0xffff, v2;
	s14 =	smov.u32 s9  }
0x26c: {  	v2 =	vld [tilespmem:s25+$0x2280];
	s25 =	smov.u32 s6  }
0x26d: {  	[tilespmem:s5+$0xC000] =	vst.add.f32.msk $0xffff, v0  }
0x26e: {  	s5 =	sor.u32 $0xE010, s25;
	v3 =	vld [tilespmem:s25+$0x2000]  }
0x26f: {  	[tilespmem:s5+$0x0] =	vst.add.f32.msk $0xffff, v1  }
0x270: {  	v4 =	vld [tilespmem:s25+$0x2090]  }
0x271: {  	[tilespmem:s13+$0x0] =	vst.add.f32.msk $0xffff, v2;
	s13 =	smov.u32 s8  }
.Ltmp2:
0x272: {  	v0 =	vld [tilespmem:s1+$0x0];
	(pc) =	sbr.rel @p0 .LBB2_6-.Ltmp2, $4  }
0x273: {  	[tilespmem:s7+$0x0] =	vst.add.f32.msk $0xffff, v3  }
0x274: {  	s5 =	sor.u32 $0xE090, s25;
	v1 =	vld [tilespmem:s25+$0x2080]  }
0x275: {  	[tilespmem:s5+$0x0] =	vst.add.f32.msk $0xffff, v4  }
0x276: {  	v2 =	vld [tilespmem:s25+$0x2110]  }
0x277: {  	_ =	sdelay $0x1  }
0x278: {  	[tilespmem:s4+$0x0] =	vst.add.f32.msk $0xffff, v1  }
0x279: {  	v1 =	vld [tilespmem:s25+$0x2100];
	_ =	sdelay $0x1  }
0x27a: {  	s17 =	sor.u32 $0xE110, s25  }
0x27b: {  	[tilespmem:s17+$0x0] =	vst.add.f32.msk $0xffff, v2  }
0x27c: {  	v2 =	vld [tilespmem:s25+$0x2190]  }
0x27d: {  	[tilespmem:s18+$0x0] =	vst.add.f32.msk $0xffff, v1  }
0x27e: {  	v1 =	vld [tilespmem:s25+$0x2180];
	_ =	sdelay $0x1  }
0x27f: {  	s19 =	sor.u32 $0xE190, s25  }
0x280: {  	[tilespmem:s19+$0x0] =	vst.add.f32.msk $0xffff, v2  }
0x281: {  	v2 =	vld [tilespmem:s25+$0x2210]  }
0x282: {  	[tilespmem:s15+$0x0] =	vst.add.f32.msk $0xffff, v1  }
0x283: {  	v1 =	vld [tilespmem:s25+$0x2200];
	_ =	sdelay $0x1  }
0x284: {  	s20 =	sor.u32 $0xE210, s25  }
0x285: {  	[tilespmem:s20+$0x0] =	vst.add.f32.msk $0xffff, v2  }
0x286: {  	v2 =	vld [tilespmem:s25+$0x2290]  }
0x287: {  	[tilespmem:s14+$0x0] =	vst.add.f32.msk $0xffff, v1  }
0x288: {  	v1 =	vld [tilespmem:s25+$0x2280];
	_ =	sdelay $0x1  }
0x289: {  	s21 =	sor.u32 $0xE290, s25  }
0x28a: {  	s22 =	sor.u32 $0x2300, s30;
	[tilespmem:s21+$0x0] =	vst.add.f32.msk $0xffff, v2  }
0x28b: {  	v2 =	vld [tilespmem:s22+$0x0]  }
0x28c: {  	[tilespmem:s13+$0x0] =	vst.add.f32.msk $0xffff, v1  }
0x28d: {  	v1 =	vld [tilespmem:s3+$0x0]  }
0x28e: {  	[tilespmem:s1+$0xC000] =	vst.add.f32.msk $0xffff, v0  }
0x28f: {  	v0 =	vld [tilespmem:s0+$0x0]  }
0x290: {  	s25 =	sor.u32 $0x2380, s30;
	[tilespmem:s22+$0xC000] =	vst.add.f32.msk $0xffff, v2  }
0x291: {  	v2 =	vld [tilespmem:s25+$0x0]  }
0x292: {  	[tilespmem:s3+$0xC000] =	vst.add.f32.msk $0xffff, v1  }
0x293: {  	v1 =	vld [tilespmem:s31+$0x0];
	_ =	sdelay $0x2  }
0x294: {  	[tilespmem:s0+$0xC000] =	vst.add.f32.msk $0xffff, v0  }
0x295: {  	[tilespmem:s25+$0xC000] =	vst.add.f32.msk $0xffff, v2  }
0x296: {  	s26 =	simm.s32 $0x0;
	[tilespmem:s31+$0xC000] =	vst.add.f32.msk $0xffff, v1  }
0x297: {  	s8 =	simm.s32 $0xC000;
	s9 =	simm.s32 $0x5;
	s0 =	rddreg [dreg:$0xb]  }
0x298: {  	[hbm4b:s0+s26] =	stream.linear.scatter [tilespmem:s8], [sflag:$0x8], $0x4000, $0x38;
	[tilespmem:$0x14000] =	vst v63  }
0x299: {  	s5 =	simm.s32 $0x0;
	_ =	swait.ge [sflag:s9], $0x4000  }
0x29a: {  	s10 =	sand.u32 $0x60, s5;
	s11 =	sand.u32 $0x1C00, s26;
	[sflag:s9] =	ssyncset.done $0x0  }
0x29b: {  	s0 =	sor.u32 s10, s11;
	[sflag:s9] =	ssyncadd.s32 $0xFFFFC000  }
0x29c: {  	v0 =	vld [tilespmem:s0+$0x10];
	_ =	sdelay $0x3  }
0x29d: {  	s1 =	sor.u32 $0x10010, s0;
	v1 =	vld [tilespmem:s0+$0x0]  }
0x29e: {  	[tilespmem:s1+$0x0] =	vst.add.f32.msk $0xffff, v0  }
0x29f: {  	v0 =	vld [tilespmem:s0+$0x90];
	_ =	sdelay $0x1  }
0x2a0: {  	s13 =	sor.u32 $0x10000, s0  }
0x2a1: {  	[tilespmem:s13+$0x0] =	vst.add.f32.msk $0xffff, v1  }
0x2a2: {  	s12 =	sor.u32 $0x10090, s0;
	v1 =	vld [tilespmem:s0+$0x80]  }
0x2a3: {  	[tilespmem:s12+$0x0] =	vst.add.f32.msk $0xffff, v0  }
0x2a4: {  	v0 =	vld [tilespmem:s0+$0x110];
	_ =	sdelay $0x1  }
0x2a5: {  	s15 =	sor.u32 $0x10080, s0  }
0x2a6: {  	[tilespmem:s15+$0x0] =	vst.add.f32.msk $0xffff, v1  }
0x2a7: {  	s14 =	sor.u32 $0x10110, s0;
	v1 =	vld [tilespmem:s0+$0x100]  }
0x2a8: {  	[tilespmem:s14+$0x0] =	vst.add.f32.msk $0xffff, v0  }
0x2a9: {  	v0 =	vld [tilespmem:s0+$0x190];
	_ =	sdelay $0x1  }
0x2aa: {  	s17 =	sor.u32 $0x10100, s0  }
0x2ab: {  	[tilespmem:s17+$0x0] =	vst.add.f32.msk $0xffff, v1  }
0x2ac: {  	s16 =	sor.u32 $0x10190, s0;
	v1 =	vld [tilespmem:s0+$0x180]  }
0x2ad: {  	[tilespmem:s16+$0x0] =	vst.add.f32.msk $0xffff, v0  }
0x2ae: {  	v0 =	vld [tilespmem:s0+$0x210];
	_ =	sdelay $0x1  }
0x2af: {  	s19 =	sor.u32 $0x10180, s0  }
0x2b0: {  	[tilespmem:s19+$0x0] =	vst.add.f32.msk $0xffff, v1  }
0x2b1: {  	s18 =	sor.u32 $0x10210, s0;
	v1 =	vld [tilespmem:s0+$0x200]  }
0x2b2: {  	[tilespmem:s18+$0x0] =	vst.add.f32.msk $0xffff, v0  }
0x2b3: {  	v0 =	vld [tilespmem:s0+$0x290]  }
0x2b4: {  	s20 =	sand.u32 $0x3, s26  }
0x2b5: {  	s7 =	sor.u32 $0x10200, s0;
	s1 =	sshll.u32 s20, $0x5  }
0x2b6: {  	s1 =	sadd.s32 $0x0, s1;
	[tilespmem:s7+$0x0] =	vst.add.f32.msk $0xffff, v1  }
0x2b7: {  	s6 =	sor.u32 $0x10290, s0;
	s3 =	sadd.s32 $0x10, s1;
	v1 =	vld [tilespmem:s0+$0x280]  }
0x2b8: {  	s21 =	sor.u32 $0x300, s3;
	[tilespmem:s6+$0x0] =	vst.add.f32.msk $0xffff, v0  }
0x2b9: {  	v0 =	vld [tilespmem:s21+$0x0];
	_ =	sdelay $0x1  }
0x2ba: {  	s25 =	sor.u32 $0x10280, s0  }
0x2bb: {  	s8 =	sor.u32 $0x300, s1;
	[tilespmem:s25+$0x0] =	vst.add.f32.msk $0xffff, v1  }
0x2bc: {  	v1 =	vld [tilespmem:s8+$0x0]  }
0x2bd: {  	s22 =	sor.u32 $0x380, s3;
	[tilespmem:s21+$0x10000] =	vst.add.f32.msk $0xffff, v0  }
0x2be: {  	v0 =	vld [tilespmem:s22+$0x0];
	_ =	sdelay $0x1  }
0x2bf: {  	s4 =	sor.u32 s5, s26  }
0x2c0: {  	s5 =	sor.u32 $0x380, s4;
	[tilespmem:s8+$0x10000] =	vst.add.f32.msk $0xffff, v1  }
0x2c1: {  	v1 =	vld [tilespmem:s5+$0x0]  }
0x2c2: {  	[tilespmem:s22+$0x10000] =	vst.add.f32.msk $0xffff, v0  }
0x2c3: {  	v0 =	vld [tilespmem:s0+$0x2010];
	_ =	sdelay $0x2  }
0x2c4: {  	[tilespmem:s5+$0x10000] =	vst.add.f32.msk $0xffff, v1  }
0x2c5: {  	s26 =	sor.u32 $0x12010, s0;
	v1 =	vld [tilespmem:s0+$0x2000]  }
0x2c6: {  	[tilespmem:s26+$0x0] =	vst.add.f32.msk $0xffff, v0  }
0x2c7: {  	v0 =	vld [tilespmem:s0+$0x2090];
	_ =	sdelay $0x1  }
0x2c8: {  	s7 =	sor.u32 $0x12000, s0  }
0x2c9: {  	[tilespmem:s7+$0x0] =	vst.add.f32.msk $0xffff, v1  }
0x2ca: {  	s6 =	sor.u32 $0x12090, s0;
	v1 =	vld [tilespmem:s0+$0x2080]  }
0x2cb: {  	s28 =	simm.s32 $0x100;
	s26 =	simm.s32 $0x20;
	[tilespmem:s6+$0x0] =	vst.add.f32.msk $0xffff, v0  }
0x2cc: {  	s9 =	sand.u32 $0x1C00, s28;
	s8 =	sand.u32 $0x60, s26;
	v0 =	vld [tilespmem:s0+$0x2110]  }
0x2cd: {  	s25 =	sor.u32 s8, s9  }
0x2ce: {  	s11 =	sor.u32 $0x12080, s0;
	v2 =	vld [tilespmem:s25+$0x10]  }
0x2cf: {  	[tilespmem:s11+$0x0] =	vst.add.f32.msk $0xffff, v1  }
0x2d0: {  	s10 =	sor.u32 $0x12110, s0;
	v1 =	vld [tilespmem:s25+$0x0]  }
0x2d1: {  	[tilespmem:s10+$0x0] =	vst.add.f32.msk $0xffff, v0  }
0x2d2: {  	s12 =	sor.u32 $0x10010, s25;
	v0 =	vld [tilespmem:s0+$0x2190]  }
0x2d3: {  	[tilespmem:s12+$0x0] =	vst.add.f32.msk $0xffff, v2  }
0x2d4: {  	s14 =	sor.u32 $0x10000, s25;
	v2 =	vld [tilespmem:s25+$0x90]  }
0x2d5: {  	[tilespmem:s14+$0x0] =	vst.add.f32.msk $0xffff, v1  }
0x2d6: {  	s13 =	sor.u32 $0x12190, s0;
	v1 =	vld [tilespmem:s25+$0x80]  }
0x2d7: {  	[tilespmem:s13+$0x0] =	vst.add.f32.msk $0xffff, v0  }
0x2d8: {  	s15 =	sor.u32 $0x10090, s25;
	v0 =	vld [tilespmem:s0+$0x2210]  }
0x2d9: {  	[tilespmem:s15+$0x0] =	vst.add.f32.msk $0xffff, v2  }
0x2da: {  	s17 =	sor.u32 $0x10080, s25;
	v2 =	vld [tilespmem:s25+$0x110]  }
0x2db: {  	[tilespmem:s17+$0x0] =	vst.add.f32.msk $0xffff, v1  }
0x2dc: {  	s16 =	sor.u32 $0x12210, s0;
	v1 =	vld [tilespmem:s25+$0x100]  }
0x2dd: {  	[tilespmem:s16+$0x0] =	vst.add.f32.msk $0xffff, v0  }
0x2de: {  	s18 =	sor.u32 $0x10110, s25;
	v0 =	vld [tilespmem:s0+$0x2290]  }
0x2df: {  	[tilespmem:s18+$0x0] =	vst.add.f32.msk $0xffff, v2  }
0x2e0: {  	s6 =	sor.u32 $0x10100, s25;
	v2 =	vld [tilespmem:s25+$0x190]  }
0x2e1: {  	[tilespmem:s6+$0x0] =	vst.add.f32.msk $0xffff, v1  }
0x2e2: {  	s19 =	sor.u32 $0x12290, s0;
	v1 =	vld [tilespmem:s25+$0x180]  }
0x2e3: {  	s20 =	sor.u32 $0x2300, s3;
	[tilespmem:s19+$0x0] =	vst.add.f32.msk $0xffff, v0  }
0x2e4: {  	s21 =	sor.u32 $0x10190, s25;
	v0 =	vld [tilespmem:s20+$0x0]  }
0x2e5: {  	[tilespmem:s21+$0x0] =	vst.add.f32.msk $0xffff, v2  }
0x2e6: {  	s22 =	sor.u32 $0x10180, s25;
	v2 =	vld [tilespmem:s25+$0x210]  }
0x2e7: {  	[tilespmem:s22+$0x0] =	vst.add.f32.msk $0xffff, v1  }
0x2e8: {  	v1 =	vld [tilespmem:s25+$0x200]  }
0x2e9: {  	s3 =	sor.u32 $0x2380, s3;
	[tilespmem:s20+$0x10000] =	vst.add.f32.msk $0xffff, v0  }
0x2ea: {  	s6 =	sor.u32 $0x10210, s25;
	v0 =	vld [tilespmem:s3+$0x0]  }
0x2eb: {  	[tilespmem:s6+$0x0] =	vst.add.f32.msk $0xffff, v2  }
0x2ec: {  	s29 =	simm.s32 $0x1;
	v2 =	vld [tilespmem:s25+$0x290]  }
0x2ed: {  	s7 =	sand.u32 $0x3, s29;
	s8 =	sor.u32 $0x10200, s25;
	v3 =	vld [tilespmem:s0+$0x2100]  }
0x2ee: {  	s9 =	sshll.u32 s7, $0x5;
	[tilespmem:s8+$0x0] =	vst.add.f32.msk $0xffff, v1  }
0x2ef: {  	[tilespmem:s3+$0x10000] =	vst.add.f32.msk $0xffff, v0;
	s3 =	sadd.s32 $0x100, s9  }
0x2f0: {  	s10 =	sor.u32 $0x10290, s25;
	v0 =	vld [tilespmem:s25+$0x280];
	s30 =	sadd.s32 $0x10, s3  }
0x2f1: {  	[tilespmem:s10+$0x0] =	vst.add.f32.msk $0xffff, v2;
	s11 =	sor.u32 $0x300, s30  }
0x2f2: {  	s12 =	sor.u32 $0x12100, s0;
	v1 =	vld [tilespmem:s11+$0x0]  }
0x2f3: {  	[tilespmem:s12+$0x0] =	vst.add.f32.msk $0xffff, v3  }
0x2f4: {  	s13 =	sor.u32 $0x10280, s25;
	v2 =	vld [tilespmem:s0+$0x2180]  }
0x2f5: {  	s14 =	sor.u32 $0x300, s3;
	[tilespmem:s13+$0x0] =	vst.add.f32.msk $0xffff, v0  }
0x2f6: {  	v0 =	vld [tilespmem:s14+$0x0]  }
0x2f7: {  	s15 =	sor.u32 $0x380, s30;
	[tilespmem:s11+$0x10000] =	vst.add.f32.msk $0xffff, v1  }
0x2f8: {  	s16 =	sor.u32 $0x12180, s0;
	v1 =	vld [tilespmem:s15+$0x0]  }
0x2f9: {  	[tilespmem:s16+$0x0] =	vst.add.f32.msk $0xffff, v2  }
0x2fa: {  	s17 =	sor.u32 s26, s28;
	v2 =	vld [tilespmem:s0+$0x2200]  }
0x2fb: {  	s18 =	sor.u32 $0x380, s17;
	[tilespmem:s14+$0x10000] =	vst.add.f32.msk $0xffff, v0  }
0x2fc: {  	v0 =	vld [tilespmem:s18+$0x0]  }
0x2fd: {  	[tilespmem:s15+$0x10000] =	vst.add.f32.msk $0xffff, v1  }
0x2fe: {  	s19 =	sor.u32 $0x12200, s0;
	v1 =	vld [tilespmem:s25+$0x2010]  }
0x2ff: {  	[tilespmem:s19+$0x0] =	vst.add.f32.msk $0xffff, v2  }
0x300: {  	v2 =	vld [tilespmem:s0+$0x2280]  }
0x301: {  	[tilespmem:s18+$0x10000] =	vst.add.f32.msk $0xffff, v0  }
0x302: {  	s20 =	sor.u32 $0x12010, s25;
	v3 =	vld [tilespmem:s25+$0x2000]  }
0x303: {  	[tilespmem:s20+$0x0] =	vst.add.f32.msk $0xffff, v1  }
0x304: {  	s0 =	sor.u32 $0x12280, s0;
	v4 =	vld [tilespmem:s25+$0x2090]  }
0x305: {  	s1 =	sor.u32 $0x2300, s1;
	[tilespmem:s0+$0x0] =	vst.add.f32.msk $0xffff, v2  }
0x306: {  	s21 =	sor.u32 $0x12000, s25;
	v0 =	vld [tilespmem:s1+$0x0]  }
0x307: {  	[tilespmem:s21+$0x0] =	vst.add.f32.msk $0xffff, v3  }
0x308: {  	s31 =	sor.u32 $0x2380, s17;
	s22 =	sor.u32 $0x12090, s25;
	s3 =	sor.u32 $0x2300, s3;
	v1 =	vld [tilespmem:s25+$0x2080]  }
0x309: {  	s13 =	sor.u32 $0x12280, s25;
	s14 =	sor.u32 $0x12200, s25;
	s0 =	sor.u32 $0x2380, s4;
	[tilespmem:s22+$0x0] =	vst.add.f32.msk $0xffff, v4  }
0x30a: {  	s4 =	sor.u32 $0x12080, s25;
	s15 =	sor.u32 $0x12180, s25;
	s18 =	sor.u32 $0x12100, s25;
	v2 =	vld [tilespmem:s25+$0x2110]  }
.LBB2_8:
0x30b: {  	s26 =	sadd.s32 $0x20, s26;
	s28 =	sadd.s32 $0x100, s28;
	[tilespmem:s1+$0x10000] =	vst.add.f32.msk $0xffff, v0;
	s1 =	smov.u32 s3  }
0x30c: {  	s3 =	sand.u32 $0x60, s26;
	s5 =	sand.u32 $0x1C00, s28;
	s7 =	sor.u32 s26, s28;
	v0 =	vld [tilespmem:s0+$0x0]  }
0x30d: {  	s6 =	sor.u32 s3, s5;
	s5 =	sor.u32 $0x380, s7;
	s10 =	sor.u32 $0x2380, s7;
	[tilespmem:s4+$0x0] =	vst.add.f32.msk $0xffff, v1  }
0x30e: {  	s4 =	sor.u32 $0x12110, s25;
	s19 =	sor.u32 $0x10000, s6;
	s20 =	sor.u32 $0x10080, s6;
	v1 =	vld [tilespmem:s6+$0x10]  }
0x30f: {  	s21 =	sor.u32 $0x10100, s6;
	s17 =	sor.u32 $0x10180, s6;
	s3 =	sor.u32 $0x10200, s6;
	[tilespmem:s4+$0x0] =	vst.add.f32.msk $0xffff, v2  }
0x310: {  	s12 =	sor.u32 $0x10280, s6;
	s7 =	sor.u32 $0x12000, s6;
	s4 =	sor.u32 $0x12080, s6;
	v2 =	vld [tilespmem:s25+$0x2190]  }
0x311: {  	s16 =	sor.u32 $0x12100, s6;
	s11 =	sor.u32 $0x12180, s6;
	s9 =	sor.u32 $0x12200, s6;
	v3 =	vld [tilespmem:s6+$0x0]  }
0x312: {  	p0 =	slt.u32 s26, $0x3E0;
	s8 =	sor.u32 $0x12280, s6;
	s22 =	sor.u32 $0x10010, s6;
	v4 =	vld [tilespmem:s25+$0x2100]  }
0x313: {  	[tilespmem:s22+$0x0] =	vst.add.f32.msk $0xffff, v1  }
0x314: {  	s22 =	sor.u32 $0x12190, s25;
	v1 =	vld [tilespmem:s6+$0x90]  }
0x315: {  	[tilespmem:s22+$0x0] =	vst.add.f32.msk $0xffff, v2  }
0x316: {  	v2 =	vld [tilespmem:s25+$0x2210]  }
0x317: {  	[tilespmem:s19+$0x0] =	vst.add.f32.msk $0xffff, v3  }
0x318: {  	s19 =	sor.u32 $0x10090, s6;
	v3 =	vld [tilespmem:s6+$0x80]  }
0x319: {  	[tilespmem:s19+$0x0] =	vst.add.f32.msk $0xffff, v1  }
0x31a: {  	s19 =	sor.u32 $0x12210, s25;
	v1 =	vld [tilespmem:s6+$0x110]  }
0x31b: {  	[tilespmem:s19+$0x0] =	vst.add.f32.msk $0xffff, v2  }
0x31c: {  	v2 =	vld [tilespmem:s25+$0x2290]  }
0x31d: {  	[tilespmem:s20+$0x0] =	vst.add.f32.msk $0xffff, v3  }
0x31e: {  	s19 =	sor.u32 $0x10110, s6;
	v3 =	vld [tilespmem:s6+$0x100]  }
0x31f: {  	[tilespmem:s19+$0x0] =	vst.add.f32.msk $0xffff, v1  }
0x320: {  	s19 =	sor.u32 $0x12290, s25;
	v1 =	vld [tilespmem:s6+$0x190]  }
0x321: {  	[tilespmem:s19+$0x0] =	vst.add.f32.msk $0xffff, v2;
	s19 =	sor.u32 $0x2300, s30  }
0x322: {  	v2 =	vld [tilespmem:s19+$0x0]  }
0x323: {  	[tilespmem:s21+$0x0] =	vst.add.f32.msk $0xffff, v3  }
0x324: {  	s20 =	sor.u32 $0x10190, s6;
	v3 =	vld [tilespmem:s6+$0x180]  }
0x325: {  	[tilespmem:s20+$0x0] =	vst.add.f32.msk $0xffff, v1  }
0x326: {  	v1 =	vld [tilespmem:s6+$0x210]  }
0x327: {  	[tilespmem:s19+$0x10000] =	vst.add.f32.msk $0xffff, v2;
	s19 =	sor.u32 $0x2380, s30  }
0x328: {  	v2 =	vld [tilespmem:s19+$0x0]  }
0x329: {  	[tilespmem:s17+$0x0] =	vst.add.f32.msk $0xffff, v3  }
0x32a: {  	s17 =	sor.u32 $0x10210, s6;
	v3 =	vld [tilespmem:s6+$0x200]  }
0x32b: {  	[tilespmem:s17+$0x0] =	vst.add.f32.msk $0xffff, v1  }
0x32c: {  	s29 =	sadd.s32 $0x1, s29;
	v1 =	vld [tilespmem:s6+$0x290]  }
0x32d: {  	s17 =	sand.u32 $0x3, s29;
	[tilespmem:s19+$0x10000] =	vst.add.f32.msk $0xffff, v2  }
0x32e: {  	s17 =	sshll.u32 s17, $0x5;
	[tilespmem:s18+$0x0] =	vst.add.f32.msk $0xffff, v4;
	s18 =	smov.u32 s16  }
0x32f: {  	s16 =	sadd.s32 s17, s28;
	[tilespmem:s3+$0x0] =	vst.add.f32.msk $0xffff, v3  }
0x330: {  	s19 =	sor.u32 $0x10290, s6;
	s17 =	sor.u32 $0x300, s16;
	s30 =	sadd.s32 $0x10, s16;
	v2 =	vld [tilespmem:s6+$0x280]  }
0x331: {  	s3 =	sor.u32 $0x2300, s16;
	s16 =	sor.u32 $0x300, s30;
	[tilespmem:s19+$0x0] =	vst.add.f32.msk $0xffff, v1  }
0x332: {  	v1 =	vld [tilespmem:s16+$0x0]  }
0x333: {  	v3 =	vld [tilespmem:s25+$0x2180]  }
0x334: {  	[tilespmem:s0+$0x10000] =	vst.add.f32.msk $0xffff, v0;
	s0 =	smov.u32 s31;
	s31 =	smov.u32 s10  }
0x335: {  	[tilespmem:s12+$0x0] =	vst.add.f32.msk $0xffff, v2  }
0x336: {  	v0 =	vld [tilespmem:s17+$0x0]  }
0x337: {  	s10 =	sor.u32 $0x380, s30;
	[tilespmem:s16+$0x10000] =	vst.add.f32.msk $0xffff, v1  }
0x338: {  	v1 =	vld [tilespmem:s10+$0x0]  }
0x339: {  	[tilespmem:s15+$0x0] =	vst.add.f32.msk $0xffff, v3;
	s15 =	smov.u32 s11  }
0x33a: {  	v2 =	vld [tilespmem:s25+$0x2200]  }
0x33b: {  	[tilespmem:s17+$0x10000] =	vst.add.f32.msk $0xffff, v0  }
0x33c: {  	v0 =	vld [tilespmem:s5+$0x0]  }
0x33d: {  	[tilespmem:s10+$0x10000] =	vst.add.f32.msk $0xffff, v1  }
0x33e: {  	v1 =	vld [tilespmem:s6+$0x2010]  }
0x33f: {  	[tilespmem:s14+$0x0] =	vst.add.f32.msk $0xffff, v2;
	s14 =	smov.u32 s9  }
0x340: {  	v2 =	vld [tilespmem:s25+$0x2280];
	s25 =	smov.u32 s6  }
0x341: {  	[tilespmem:s5+$0x10000] =	vst.add.f32.msk $0xffff, v0  }
0x342: {  	s5 =	sor.u32 $0x12010, s25;
	v3 =	vld [tilespmem:s25+$0x2000]  }
0x343: {  	[tilespmem:s5+$0x0] =	vst.add.f32.msk $0xffff, v1  }
0x344: {  	v4 =	vld [tilespmem:s25+$0x2090]  }
0x345: {  	[tilespmem:s13+$0x0] =	vst.add.f32.msk $0xffff, v2;
	s13 =	smov.u32 s8  }
.Ltmp3:
0x346: {  	v0 =	vld [tilespmem:s1+$0x0];
	(pc) =	sbr.rel @p0 .LBB2_8-.Ltmp3, $4  }
0x347: {  	[tilespmem:s7+$0x0] =	vst.add.f32.msk $0xffff, v3  }
0x348: {  	s5 =	sor.u32 $0x12090, s25;
	v1 =	vld [tilespmem:s25+$0x2080]  }
0x349: {  	[tilespmem:s5+$0x0] =	vst.add.f32.msk $0xffff, v4  }
0x34a: {  	v2 =	vld [tilespmem:s25+$0x2110]  }
0x34b: {  	_ =	sdelay $0x1  }
0x34c: {  	[tilespmem:s4+$0x0] =	vst.add.f32.msk $0xffff, v1  }
0x34d: {  	v1 =	vld [tilespmem:s25+$0x2100];
	_ =	sdelay $0x1  }
0x34e: {  	s20 =	sor.u32 $0x12110, s25  }
0x34f: {  	[tilespmem:s20+$0x0] =	vst.add.f32.msk $0xffff, v2  }
0x350: {  	v2 =	vld [tilespmem:s25+$0x2190]  }
0x351: {  	[tilespmem:s18+$0x0] =	vst.add.f32.msk $0xffff, v1  }
0x352: {  	v1 =	vld [tilespmem:s25+$0x2180];
	_ =	sdelay $0x1  }
0x353: {  	s21 =	sor.u32 $0x12190, s25  }
0x354: {  	[tilespmem:s21+$0x0] =	vst.add.f32.msk $0xffff, v2  }
0x355: {  	v2 =	vld [tilespmem:s25+$0x2210]  }
0x356: {  	[tilespmem:s15+$0x0] =	vst.add.f32.msk $0xffff, v1  }
0x357: {  	v1 =	vld [tilespmem:s25+$0x2200];
	_ =	sdelay $0x1  }
0x358: {  	s22 =	sor.u32 $0x12210, s25  }
0x359: {  	[tilespmem:s22+$0x0] =	vst.add.f32.msk $0xffff, v2  }
0x35a: {  	v2 =	vld [tilespmem:s25+$0x2290]  }
0x35b: {  	[tilespmem:s14+$0x0] =	vst.add.f32.msk $0xffff, v1  }
0x35c: {  	v1 =	vld [tilespmem:s25+$0x2280];
	_ =	sdelay $0x1  }
0x35d: {  	s25 =	sor.u32 $0x12290, s25  }
0x35e: {  	s26 =	sor.u32 $0x2300, s30;
	[tilespmem:s25+$0x0] =	vst.add.f32.msk $0xffff, v2  }
0x35f: {  	v2 =	vld [tilespmem:s26+$0x0]  }
0x360: {  	[tilespmem:s13+$0x0] =	vst.add.f32.msk $0xffff, v1  }
0x361: {  	v1 =	vld [tilespmem:s3+$0x0]  }
0x362: {  	[tilespmem:s1+$0x10000] =	vst.add.f32.msk $0xffff, v0  }
0x363: {  	v0 =	vld [tilespmem:s0+$0x0]  }
0x364: {  	s28 =	sor.u32 $0x2380, s30;
	[tilespmem:s26+$0x10000] =	vst.add.f32.msk $0xffff, v2  }
0x365: {  	v2 =	vld [tilespmem:s28+$0x0]  }
0x366: {  	[tilespmem:s3+$0x10000] =	vst.add.f32.msk $0xffff, v1  }
0x367: {  	v1 =	vld [tilespmem:s31+$0x0];
	_ =	sdelay $0x2  }
0x368: {  	[tilespmem:s0+$0x10000] =	vst.add.f32.msk $0xffff, v0  }
0x369: {  	[tilespmem:s28+$0x10000] =	vst.add.f32.msk $0xffff, v2  }
0x36a: {  	[tilespmem:s31+$0x10000] =	vst.add.f32.msk $0xffff, v1  }
0x36b: {  	s29 =	simm.s32 $0x10000;
	s30 =	simm.s32 $0x8;
	s0 =	rddreg [dreg:$0xc]  }
0x36c: {  	[hbm4b:s0+s2] =	stream.linear.scatter [tilespmem:s29], [sflag:$0x9], $0x4000, $0x38;
	[tilespmem:$0x14000] =	vst v63  }
0x36d: {  	_ =	swait.ge [sflag:s30], $0x4000  }
0x36e: {  	[sflag:s30] =	ssyncset.done $0x0  }
0x36f: {  	[sflag:s30] =	ssyncadd.s32 $0xFFFFC000  }
0x370: {  	_ =	swait.ge [sflag:s23], $0x4000  }
0x371: {  	s24 =	sadd.s32 $0x1, s24;
	s31 =	rddreg [dreg:$0xd]  }
0x372: {  	p0 =	sne.s32 s24, s31  }
.Ltmp4:
0x373: {  	_ = 	snop;
	(pc) =	sbr.rel @p0 .LBB2_1-.Ltmp4, $3  }
0x374: {  	_ =	sdelay $0x1  }
0x375: {  	[sflag:s23] =	ssyncset.done $0x0  }
0x376: {  	[sflag:s23] =	ssyncadd.s32 $0xFFFFC000  }
0x377: {  	_ =	sfence.sel $0x180000  }
0x378: {  	[bflag:$0x0] =	sbarrier.arrive $0xFFFF  }
0x379: {  	_ =	strace $0x90000047  }
0x37a: {  	s0 =	stileid.u32;
	[bflag:$0x2] =	sbarrier.arrive $0xFFFF  }
0x37b: {  	p0 =	sne.s32 s0, $0x0;
	s0 =	rddreg [dreg:$0x3]  }
0x37c: {  	s0 =	sadd.s32 @!p0 $0x100000, s0  }
0x37d: {  	[sflag:s0] =	ssyncadd.tile.s32 @!p0 $0x1;
	_ =	shalt  }
.Lfunc_end2:
_tile_overlayer_lowered:
.L_overlay_start_2:
0x37e: {  	(tag) =	ssettag $0x2  }
0x37f: {  	s0 =	rddreg [dreg:$0x0];
	s2 =	stileid.u32  }
0x380: {  	s1 =	rddreg [dreg:$0x1];
	p0 =	sne.s32 s2, $0x0  }
0x381: {  	s3 =	rddreg [dreg:$0x2];
	[bflag:$0x3] =	sbarrier.arrive $0xFFFF;
	s2 =	simm.s32 @!p0 $0x1C0A  }
0x382: {  	[timem:s3], [sflag:s2] =	dma.local @!p0 [hbm:s0], s1  }
0x383: {  	s0 =	simm.s32 @!p0 $0xA  }
0x384: {  	_ =	swait.ge @!p0 [sflag:s0], s1  }
0x385: {  	s1 =	ssub.s32 @!p0 $0x0, s1;
	[sflag:s0] =	ssyncset.done @!p0 $0x0  }
0x386: {  	[sflag:s0] =	ssyncadd.s32 @!p0 s1  }
0x387: {  	[bflag:$0x3] =	sbarrier.arrive $0xFFFF  }
0x388: {  	_ =	shalt  }

</sc_bundles>
